<compile_context>
chip_gen: v7x
topology: tpu7x:2x2x1
jax: 0.10.2.dev20260603
libtpu: 0.0.44.dev20260713+nightly
codegen_flags: <defaults>
</compile_context>

<pallas_src>
import functools

import jax
import jax.numpy as jnp
from jax import lax
from jax.experimental import pallas as pl
from jax.experimental.pallas import tpu as pltpu
from jax.experimental.pallas import tpu_sc as plsc

D_MODEL = 1024
N_HEADS = 16
N_KV = 8
DH = 64
D_FF = 1024
N_EXP = 8
EPS = 1e-05
ROPE_BASE = 150000.0
ROPE_SCALE = 32.0
T = 2048
QKV_DIM = (N_HEADS + 2 * N_KV) * DH
NA = 2 * T
TB = 256
NT = NA // TB + (N_EXP - 1)
NP = NT * TB

F32 = jnp.float32
BF16 = jnp.bfloat16


def _qkv_body(x_ref, nw_ref, w_ref, b_ref, sin_ref, cos_ref,
              q_ref, k_ref, v_ref):
    x = x_ref[...]
    ms = jnp.mean(x * x, axis=1, keepdims=True)
    xn = (x * jax.lax.rsqrt(ms + EPS)) * nw_ref[...]
    qkv = jnp.dot(xn.astype(BF16), w_ref[...],
                  preferred_element_type=F32) + b_ref[...]
    sin = sin_ref[...]
    cos = cos_ref[...]
    tk0 = sin.shape[0]
    even = jax.lax.broadcasted_iota(jnp.int32, (tk0, DH), 1) % 2 == 0

    def rope(h):
        swap = jnp.where(even, pltpu.roll(h, DH - 1, axis=1),
                         pltpu.roll(h, 1, axis=1))
        return h * cos + swap * sin

    tk = qkv.shape[0]
    for h in range(N_HEADS):
        q_ref[h] = (rope(qkv[:, h * DH:(h + 1) * DH]) * 0.125).astype(BF16)
    koff = N_HEADS * DH
    voff = koff + N_KV * DH
    ones = jnp.ones((tk, 1), F32)
    zeros = jnp.zeros((tk, DH - 1), F32)
    for h in range(N_KV):
        k_ref[h] = rope(qkv[:, koff + h * DH:koff + (h + 1) * DH]).astype(BF16)
        v_ref[h] = jnp.concatenate(
            [qkv[:, voff + h * DH:voff + (h + 1) * DH], ones, zeros],
            axis=1).astype(BF16)


TK1 = 512


def _qkv_call(x2d, nw, w_bf, b, sin, cos):
    return pl.pallas_call(
        _qkv_body,
        grid=(T // TK1,),
        in_specs=[
            pl.BlockSpec((TK1, D_MODEL), lambda i: (i, 0)),
            pl.BlockSpec((1, D_MODEL), lambda i: (0, 0)),
            pl.BlockSpec((D_MODEL, QKV_DIM), lambda i: (0, 0)),
            pl.BlockSpec((1, QKV_DIM), lambda i: (0, 0)),
            pl.BlockSpec((TK1, DH), lambda i: (i, 0)),
            pl.BlockSpec((TK1, DH), lambda i: (i, 0)),
        ],
        out_specs=(
            pl.BlockSpec((N_HEADS, TK1, DH), lambda i: (0, i, 0)),
            pl.BlockSpec((N_KV, TK1, DH), lambda i: (0, i, 0)),
            pl.BlockSpec((N_KV, TK1, 2 * DH), lambda i: (0, i, 0)),
        ),
        out_shape=(
            jax.ShapeDtypeStruct((N_HEADS, T, DH), BF16),
            jax.ShapeDtypeStruct((N_KV, T, DH), BF16),
            jax.ShapeDtypeStruct((N_KV, T, 2 * DH), BF16),
        ),
    )(x2d, nw, w_bf, b, sin, cos)


TQ = 512


KC = 512


def _attn_body(q_ref, k_ref, v_ref, sink_ref, x_ref, pw_ref, pb_ref,
               xa_ref, acc_ref):
    qi = pl.program_id(0)
    h = pl.program_id(1)
    q = q_ref[0]
    sink = sink_ref[0, 0, 0]

    def chunk(ki, m, masked):
        kc = k_ref[0, pl.ds(ki * KC, KC), :]
        vc = v_ref[0, pl.ds(ki * KC, KC), :]
        lg = jax.lax.dot_general(q, kc, (((1,), (1,)), ((), ())),
                                 preferred_element_type=F32)
        if masked:
            row = jax.lax.broadcasted_iota(jnp.int32, (TQ, KC), 0)
            col = jax.lax.broadcasted_iota(jnp.int32, (TQ, KC), 1)
            lg = jnp.where(col > row, -jnp.inf, lg)
        mc = jnp.max(lg, axis=1, keepdims=True)
        mn = jnp.maximum(m, mc)
        p = jnp.exp((lg - mn).astype(BF16))
        pv = jax.lax.dot_general(p, vc, (((1,), (0,)), ((), ())),
                                 preferred_element_type=F32)
        acc_ref[...] = acc_ref[...] * jnp.exp(m - mn) + pv
        return mn

    acc_ref[...] = jnp.zeros((TQ, 2 * DH), F32)
    m0 = jnp.full((TQ, 1), -jnp.inf, F32)
    m = jax.lax.fori_loop(
        0, qi, lambda ki, c: chunk(ki, c, masked=False), m0)
    m = chunk(qi, m, masked=True)
    mf = jnp.maximum(m, sink)
    acc = acc_ref[...]
    lf = acc[:, DH:DH + 1] * jnp.exp(m - mf) + jnp.exp(sink - mf)
    y = (acc[:, :DH] * (jnp.exp(m - mf) / lf)).astype(BF16)
    part = jnp.dot(y, pw_ref[...], preferred_element_type=F32)

    @pl.when(h == 0)
    def _():
        xa_ref[...] = x_ref[...] + pb_ref[...] + part

    @pl.when(h > 0)
    def _():
        xa_ref[...] += part


def _attn_call(q, k, v, sink, x2d, pw_bf, pb):
    return pl.pallas_call(
        _attn_body,
        grid=(T // TQ, N_HEADS),
        in_specs=[
            pl.BlockSpec((1, TQ, DH), lambda i, h: (h, i, 0)),
            pl.BlockSpec((1, T, DH), lambda i, h: (h // 2, 0, 0)),
            pl.BlockSpec((1, T, 2 * DH), lambda i, h: (h // 2, 0, 0)),
            pl.BlockSpec((1, 1, 1), lambda i, h: (h, 0, 0)),
            pl.BlockSpec((TQ, D_MODEL), lambda i, h: (i, 0)),
            pl.BlockSpec((DH, D_MODEL), lambda i, h: (h, 0)),
            pl.BlockSpec((1, D_MODEL), lambda i, h: (0, 0)),
        ],
        out_specs=pl.BlockSpec((TQ, D_MODEL), lambda i, h: (i, 0)),
        out_shape=jax.ShapeDtypeStruct((T, D_MODEL), F32),
        scratch_shapes=[pltpu.VMEM((TQ, 2 * DH), F32)],
    )(q, k, v, sink, x2d, pw_bf, pb)


CH = 256


def _router_body(xa_ref, fw_ref, gw_ref, gb_ref,
                 x2_ref, w_ref, dest_ref, te_ref):
    xa = xa_ref[...]
    ms = jnp.mean(xa * xa, axis=1, keepdims=True)
    x2 = (xa * jax.lax.rsqrt(ms + EPS)) * fw_ref[...]
    x2_ref[...] = x2
    gl = jnp.dot(x2.astype(BF16), gw_ref[...],
                 preferred_element_type=F32) + gb_ref[...]
    lane = jax.lax.broadcasted_iota(jnp.int32, (T, 128), 1)
    gl = jnp.where(lane < N_EXP, gl, -jnp.inf)
    v1 = jnp.max(gl, axis=1, keepdims=True)
    i1 = jnp.min(jnp.where(gl == v1, lane, 128), axis=1, keepdims=True)
    gl2 = jnp.where(lane == i1, -jnp.inf, gl)
    v2 = jnp.max(gl2, axis=1, keepdims=True)
    i2 = jnp.min(jnp.where(gl2 == v2, lane, 128), axis=1, keepdims=True)
    w_ref[:, 0:1] = jax.nn.sigmoid(v1 - v2)
    w_ref[:, 1:2] = jax.nn.sigmoid(v2 - v1)

    o1 = (lane == i1).astype(F32)
    o2 = (lane == i2).astype(F32)
    occ = o1 + o2

    counts = jnp.sum(occ, axis=0, keepdims=True)
    padded = jnp.ceil(counts * (1.0 / TB)) * TB
    lr = jax.lax.broadcasted_iota(jnp.int32, (128, 128), 0)
    lc = jax.lax.broadcasted_iota(jnp.int32, (128, 128), 1)
    off = jnp.dot(padded, (lr < lc).astype(F32),
                  preferred_element_type=F32)

    r = jax.lax.broadcasted_iota(jnp.int32, (CH, CH), 0)
    c = jax.lax.broadcasted_iota(jnp.int32, (CH, CH), 1)
    tril = (c < r).astype(F32)
    carry = jnp.zeros((1, 128), F32)
    for ci in range(T // CH):
        blk = occ[ci * CH:(ci + 1) * CH, :]
        cum = jnp.dot(tril, blk, preferred_element_type=F32) + carry
        pos = cum + off
        o1b = o1[ci * CH:(ci + 1) * CH, :]
        o2b = o2[ci * CH:(ci + 1) * CH, :]
        d1 = jnp.sum(pos * o1b, axis=1, keepdims=True)
        d2 = jnp.sum(pos * o2b, axis=1, keepdims=True)
        dest_ref[ci * CH:(ci + 1) * CH, 0:1] = d1.astype(jnp.int32)
        dest_ref[ci * CH:(ci + 1) * CH, 1:2] = d2.astype(jnp.int32)
        carry = carry + jnp.sum(blk, axis=0, keepdims=True)

    tiles = padded * (1.0 / TB)
    cumtiles = jnp.dot(tiles, (lr <= lc).astype(F32),
                       preferred_element_type=F32)
    jl = jax.lax.broadcasted_iota(jnp.int32, (1, 128), 1).astype(F32)
    te = jnp.zeros((1, 128), F32)
    for e in range(N_EXP - 1):
        ce = jnp.sum(jnp.where(lane[0:1, :] == e, cumtiles, 0.0))
        te = te + (jl >= ce).astype(F32)
    te_ref[...] = te.astype(jnp.int32)


def _router_call(xa, fw, gw_bf, gb):
    return pl.pallas_call(
        _router_body,
        out_shape=(
            jax.ShapeDtypeStruct((T, D_MODEL), F32),
            jax.ShapeDtypeStruct((T, 2), F32),
            jax.ShapeDtypeStruct((T, 2), jnp.int32),
            jax.ShapeDtypeStruct((1, 128), jnp.int32),
        ),
    )(xa, fw, gw_bf, gb)


_SC_CHUNK = 64
_SC_CORES = 2
_SC_SUBCORES = 16


def _make_sc_dispatch():
    nw = _SC_CORES * _SC_SUBCORES
    a_per_w = NA // nw
    mesh = plsc.VectorSubcoreMesh(core_axis_name="c", subcore_axis_name="s")

    C = 32
    nch = a_per_w // C

    @functools.partial(
        pl.kernel, mesh=mesh,
        out_type=jax.ShapeDtypeStruct((NP, D_MODEL), F32),
        scratch_types=[
            pltpu.VMEM((C,), jnp.int32),
            pltpu.VMEM((C,), jnp.int32),
            pltpu.VMEM((C,), jnp.int32),
            pltpu.VMEM((C,), jnp.int32),
            pltpu.VMEM((C, D_MODEL), F32),
            pltpu.VMEM((C, D_MODEL), F32),
            pltpu.SemaphoreType.DMA,
            pltpu.SemaphoreType.DMA,
        ],
    )
    def dispatch(x2_hbm, tok_hbm, dest_hbm, xs_hbm,
                 tok_a, tok_b, dest_a, dest_b, rows_a, rows_b,
                 g_sem, s_sem):
        wid = lax.axis_index("s") * _SC_CORES + lax.axis_index("c")
        toks = (tok_a, tok_b)
        dests = (dest_a, dest_b)
        rows = (rows_a, rows_b)
        scatters = {}
        for ci in range(nch):
            p = ci % 2
            if ci >= 2:
                scatters[ci - 2].wait()
            base = wid * a_per_w + ci * C
            pltpu.sync_copy(tok_hbm.at[pl.ds(base, C)], toks[p])
            pltpu.sync_copy(dest_hbm.at[pl.ds(base, C)], dests[p])
            pltpu.async_copy(x2_hbm.at[toks[p]], rows[p], g_sem).wait()
            scatters[ci] = pltpu.async_copy(rows[p], xs_hbm.at[dests[p]],
                                            s_sem)
        scatters[nch - 2].wait()
        scatters[nch - 1].wait()

    return dispatch


def _make_sc_combine():
    nw = _SC_CORES * _SC_SUBCORES
    a_per_w = NA // nw
    mesh = plsc.VectorSubcoreMesh(core_axis_name="c", subcore_axis_name="s")

    @functools.partial(
        pl.kernel, mesh=mesh,
        out_type=jax.ShapeDtypeStruct((NA, D_MODEL), F32),
        scratch_types=[
            pltpu.VMEM((_SC_CHUNK,), jnp.int32),
            pltpu.VMEM((_SC_CHUNK, D_MODEL), F32),
            pltpu.SemaphoreType.DMA,
        ],
    )
    def combine(ys_hbm, dest_hbm, yg_hbm, dest_v, rows_v, sem):
        wid = lax.axis_index("s") * _SC_CORES + lax.axis_index("c")
        for ci in range(a_per_w // _SC_CHUNK):
            base = wid * a_per_w + ci * _SC_CHUNK
            pltpu.sync_copy(dest_hbm.at[pl.ds(base, _SC_CHUNK)], dest_v)
            pltpu.async_copy(ys_hbm.at[dest_v], rows_v, sem).wait()
            pltpu.sync_copy(rows_v, yg_hbm.at[pl.ds(base, _SC_CHUNK)])

    return combine


def _ffn_body(te_ref, xs_ref, up_ref, dn_ref, ys_ref):
    xb = xs_ref[...].astype(BF16)
    h = jnp.dot(xb, up_ref[0].astype(BF16), preferred_element_type=F32)
    u = h[:, :D_FF]
    g = h[:, D_FF:]
    act = (jax.nn.silu(g) * u).astype(BF16)
    ys_ref[...] = jnp.dot(act, dn_ref[0].astype(BF16),
                          preferred_element_type=F32)


def _ffn_call(te, xs, up_bf, dn_bf):
    grid_spec = pltpu.PrefetchScalarGridSpec(
        num_scalar_prefetch=1,
        grid=(NT,),
        in_specs=[
            pl.BlockSpec((TB, D_MODEL), lambda i, te: (i, 0)),
            pl.BlockSpec((1, D_MODEL, 2 * D_FF), lambda i, te: (te[i], 0, 0)),
            pl.BlockSpec((1, D_FF, D_MODEL), lambda i, te: (te[i], 0, 0)),
        ],
        out_specs=pl.BlockSpec((TB, D_MODEL), lambda i, te: (i, 0)),
    )
    return pl.pallas_call(
        _ffn_body, grid_spec=grid_spec,
        out_shape=jax.ShapeDtypeStruct((NP, D_MODEL), F32),
    )(te, xs, up_bf, dn_bf)


TC2 = 512


def _combine_body(xa_ref, yg_ref, w_ref, out_ref):
    w = w_ref[...]
    out_ref[...] = (xa_ref[...] + w[:, 0:1] * yg_ref[:, 0, :]
                    + w[:, 1:2] * yg_ref[:, 1, :])


def _combine_call(xa, yg3, w):
    return pl.pallas_call(
        _combine_body,
        grid=(T // TC2,),
        in_specs=[
            pl.BlockSpec((TC2, D_MODEL), lambda i: (i, 0)),
            pl.BlockSpec((TC2, 2, D_MODEL), lambda i: (i, 0, 0)),
            pl.BlockSpec((TC2, 2), lambda i: (i, 0)),
        ],
        out_specs=pl.BlockSpec((TC2, D_MODEL), lambda i: (i, 0)),
        out_shape=jax.ShapeDtypeStruct((T, D_MODEL), F32),
    )(xa, yg3, w)


def _rope_tables():
    pos = jnp.arange(T, dtype=F32) / ROPE_SCALE
    idx = jnp.arange(0, DH, 2, dtype=F32)
    inv_freq = 1.0 / (ROPE_BASE ** (idx / DH))
    freqs = jnp.einsum('t,f->tf', pos, inv_freq)
    s = jnp.sin(freqs)
    c = jnp.cos(freqs)
    ci = jnp.stack([c, c], axis=-1).reshape(T, DH)
    si = jnp.stack([-s, s], axis=-1).reshape(T, DH)
    return si, ci


def kernel(x, attn_norm_w, ffn_norm_w, qkv_w, qkv_b, proj_w, proj_b,
           attn_sink, gate_w, gate_b, up_w, down_w):
    B = x.shape[0]
    x2d = x.reshape(T, D_MODEL)
    sin, cos = _rope_tables()

    q, k, v = _qkv_call(
        x2d, attn_norm_w.reshape(1, D_MODEL), qkv_w.astype(BF16),
        qkv_b.reshape(1, QKV_DIM), sin, cos)

    xa = _attn_call(q, k, v, attn_sink.reshape(N_HEADS, 1, 1), x2d,
                    proj_w.astype(BF16), proj_b.reshape(1, D_MODEL))

    gw_pad = jnp.zeros((D_MODEL, 128), F32).at[:, :N_EXP].set(gate_w)
    gb_pad = jnp.zeros((1, 128), F32).at[0, :N_EXP].set(gate_b)
    x2, w12, dest, te = _router_call(
        xa, ffn_norm_w.reshape(1, D_MODEL), gw_pad.astype(BF16), gb_pad)

    dest_flat = dest.reshape(NA)
    tok = jnp.arange(NA, dtype=jnp.int32) // 2

    xs = _make_sc_dispatch()(x2, tok, dest_flat)
    ys = _ffn_call(te.reshape(128)[:NT], xs, up_w, down_w)
    yg = _make_sc_combine()(ys, dest_flat)

    out = _combine_call(xa, yg.reshape(T, 2, D_MODEL), w12)
    return out.reshape(B, T, D_MODEL)

# --- scband reference (transcript-rebuilt; emitter-appended) ---
"""Pipeline reference for scband-block-70033736728865 (READ-ONLY COPY).

The authoritative reference and input builder live on the scoring server;
editing this copy changes nothing except your own understanding.
"""

import jax, jax.numpy as jnp
import numpy as np
from jax.scipy.special import logsumexp

D_MODEL = 1024
N_HEADS = 16
N_KV = 8
DQ = 64
DK = 64
DV = 64
D_FF = 1024
N_EXP = 8
TOP_K = 2
EPS = 1e-05
ROPE_BASE = 150000.0
ROPE_SCALE = 32.0


def rope_angles(d_head, T):
    pos = jnp.arange(T, dtype=jnp.float32) / ROPE_SCALE
    idx = jnp.arange(0, d_head, 2, dtype=jnp.float32)
    inv_freq = 1.0 / (ROPE_BASE ** (idx / d_head))
    return jnp.einsum('t,f->tf', pos, inv_freq)


def apply_rope(x, freqs):
    x1 = x[..., ::2]
    x2 = x[..., 1::2]
    sin = jnp.sin(freqs)[None, None, :, :]
    cos = jnp.cos(freqs)[None, None, :, :]
    xr = jnp.stack([x1 * cos - x2 * sin, x1 * sin + x2 * cos], axis=-1)
    return xr.reshape(x.shape)


def rmsnorm(x, w):
    rms = jax.lax.rsqrt(jnp.mean(x * x, axis=-1, keepdims=True) + EPS)
    return w * (x * rms)


def attention(x, qkv_w, qkv_b, proj_w, proj_b, attn_sink):
    B, T, D = x.shape
    qkv = x @ qkv_w + qkv_b
    q, k, v = jnp.split(qkv, [N_HEADS * DQ, N_HEADS * DQ + N_KV * DK], axis=-1)
    q = q.reshape(B, T, N_HEADS, DQ).transpose(0, 2, 1, 3)
    k = k.reshape(B, T, N_KV, DK).transpose(0, 2, 1, 3)
    v = v.reshape(B, T, N_KV, DV).transpose(0, 2, 1, 3)
    freqs = rope_angles(DQ, T)
    q = apply_rope(q, freqs)
    k = apply_rope(k, freqs)
    rep = N_HEADS // N_KV
    k = jnp.repeat(k, rep, axis=1)
    v = jnp.repeat(v, rep, axis=1)
    logits = jnp.einsum('bhtd,bhsd->bhts', q, k) / jnp.sqrt(jnp.float32(DQ))
    i = jnp.arange(T)[:, None]
    j = jnp.arange(T)[None, :]
    mask = (j > i)[None, None, :, :]
    logits = jnp.where(mask, -jnp.inf, logits)
    lse = logsumexp(logits, axis=-1, keepdims=True)
    sink = attn_sink.reshape(1, N_HEADS, 1, 1)
    denom_log = jnp.logaddexp(lse, sink)
    attn = jnp.exp(logits - denom_log)
    y = jnp.einsum('bhts,bhsd->bhtd', attn, v)
    y = y.transpose(0, 2, 1, 3).reshape(B, T, N_HEADS * DV)
    return y @ proj_w + proj_b


def moe(x, gate_w, gate_b, up_w, down_w):
    logits = x @ gate_w + gate_b
    topv, topi = jax.lax.top_k(logits, TOP_K)
    weights = jax.nn.softmax(topv, axis=-1)
    onehot = jax.nn.one_hot(topi, N_EXP, dtype=x.dtype)
    comb = jnp.einsum('btk,btke->bte', weights, onehot)
    y = jnp.zeros_like(x)
    for e in range(N_EXP):
        h = x @ up_w[e]
        u, g = jnp.split(h, 2, axis=-1)
        ye = (jax.nn.silu(g) * u) @ down_w[e]
        y = y + comb[..., e:e + 1] * ye
    return y


def setup_inputs(seed: int = 0):
    key = jax.random.key(seed)
    ks = jax.random.split(key, 8)
    B, T = 1, 2048
    qkv_dim = N_HEADS * DQ + N_KV * DK + N_KV * DV
    x = jax.random.normal(ks[0], (B, T, D_MODEL), dtype=jnp.float32)
    return {
        'x': x,
        'attn_norm_w': jnp.ones((D_MODEL,), dtype=jnp.float32),
        'ffn_norm_w': jnp.ones((D_MODEL,), dtype=jnp.float32),
        'qkv_w': jax.random.normal(ks[1], (D_MODEL, qkv_dim), dtype=jnp.float32) * 0.02,
        'qkv_b': jnp.zeros((qkv_dim,), dtype=jnp.float32),
        'proj_w': jax.random.normal(ks[2], (N_HEADS * DV, D_MODEL), dtype=jnp.float32) * 0.02,
        'proj_b': jnp.zeros((D_MODEL,), dtype=jnp.float32),
        'attn_sink': jnp.zeros((N_HEADS,), dtype=jnp.float32),
        'gate_w': jax.random.normal(ks[3], (D_MODEL, N_EXP), dtype=jnp.float32) * 0.02,
        'gate_b': jnp.zeros((N_EXP,), dtype=jnp.float32),
        'up_w': jax.random.normal(ks[4], (N_EXP, D_MODEL, 2 * D_FF), dtype=jnp.float32) * 0.02,
        'down_w': jax.random.normal(ks[5], (N_EXP, D_FF, D_MODEL), dtype=jnp.float32) * 0.02,
    }


def reference(x, attn_norm_w, ffn_norm_w, qkv_w, qkv_b, proj_w, proj_b, attn_sink, gate_w, gate_b, up_w, down_w):
    x = x + attention(rmsnorm(x, attn_norm_w), qkv_w, qkv_b, proj_w, proj_b, attn_sink)
    x = x + moe(rmsnorm(x, ffn_norm_w), gate_w, gate_b, up_w, down_w)
    return x

if __name__ == "__main__":
    import jax
    _d = setup_inputs()
    print(jax.jit(kernel)(*tuple(_d.values())))

</pallas_src>

<mosaic_0001>
#map = affine_map<(d0, d1) -> (0, 0)>
#map1 = affine_map<(d0, d1) -> (0)>
module attributes {stable_mosaic.version = 14 : i64} {
  func.func @dispatch(%arg0: i32, %arg1: i32, %arg2: memref<2048x1024xf32, #tpu.memory_space<hbm>>, %arg3: memref<4096xi32, #tpu.memory_space<hbm>>, %arg4: memref<4096xi32, #tpu.memory_space<hbm>>, %arg5: memref<5888x1024xf32, #tpu.memory_space<hbm>>, %arg6: memref<32xi32, #tpu.memory_space<vmem>>, %arg7: memref<32xi32, #tpu.memory_space<vmem>>, %arg8: memref<32xi32, #tpu.memory_space<vmem>>, %arg9: memref<32xi32, #tpu.memory_space<vmem>>, %arg10: memref<32x1024xf32, #tpu.memory_space<vmem>>, %arg11: memref<32x1024xf32, #tpu.memory_space<vmem>>, %arg12: memref<!tpu.dma_semaphore, #tpu.memory_space<semaphore_mem>>, %arg13: memref<!tpu.dma_semaphore, #tpu.memory_space<semaphore_mem>>) attributes {dimension_semantics = [#tpu.dimension_semantics<core_parallel>, #tpu.dimension_semantics<subcore_parallel>], iteration_bounds = array<i64: 2, 16>, scalar_prefetch = 0 : i64, scratch_operands = 8 : i64, tpu.core_type = #tpu.core_type<sc_vector_subcore>, window_params = [{transform_indices = #map}, {transform_indices = #map1}, {transform_indices = #map1}, {transform_indices = #map}]} {
    %mul3A = arith.constant 2 : i32
    %mul3A_0 = arith.muli %arg1, %mul3A : i32
    %add3A = arith.addi %mul3A_0, %arg0 : i32
    %mul3A_1 = arith.constant 128 : i32
    %mul3A_2 = arith.muli %add3A, %mul3A_1 : i32
    %add3A_3 = arith.constant 0 : i32
    %add3A_4 = arith.addi %mul3A_2, %add3A_3 : i32
    "tpu.region"() ({
      %run_scoped3A = tpu.sem_alloc : memref<!tpu.dma_semaphore, #tpu.memory_space<semaphore_mem>>
      %dma_start3A_63 = tpu.memref_slice %arg3[%add3A_4] : memref<4096xi32, #tpu.memory_space<hbm>> -> memref<32xi32, #tpu.memory_space<hbm>>
      %dma_start3A_64 = tpu.memref_slice %arg3[%add3A_4] : memref<4096xi32, #tpu.memory_space<hbm>> -> memref<32xi32, #tpu.memory_space<hbm>>
      tpu.enqueue_dma source(%dma_start3A_64 : memref<32xi32, #tpu.memory_space<hbm>>) target(%arg6 : memref<32xi32, #tpu.memory_space<vmem>>) target_semaphore(%run_scoped3A : memref<!tpu.dma_semaphore, #tpu.memory_space<semaphore_mem>>)
      %dma_wait3A_65 = tpu.memref_slice %arg3[%add3A_4] : memref<4096xi32, #tpu.memory_space<hbm>> -> memref<32xi32, #tpu.memory_space<hbm>>
      %dma_wait3A_66 = tpu.memref_slice %arg3[%add3A_4] : memref<4096xi32, #tpu.memory_space<hbm>> -> memref<32xi32, #tpu.memory_space<hbm>>
      tpu.wait_dma2 semaphore(%run_scoped3A : memref<!tpu.dma_semaphore, #tpu.memory_space<semaphore_mem>>) src(%dma_wait3A_66 : memref<32xi32, #tpu.memory_space<hbm>>) dst(%arg6 : memref<32xi32, #tpu.memory_space<vmem>>)
      tpu.yield
    }) : () -> ()
    "tpu.region"() ({
      %run_scoped3A = tpu.sem_alloc : memref<!tpu.dma_semaphore, #tpu.memory_space<semaphore_mem>>
      %dma_start3A_63 = tpu.memref_slice %arg4[%add3A_4] : memref<4096xi32, #tpu.memory_space<hbm>> -> memref<32xi32, #tpu.memory_space<hbm>>
      %dma_start3A_64 = tpu.memref_slice %arg4[%add3A_4] : memref<4096xi32, #tpu.memory_space<hbm>> -> memref<32xi32, #tpu.memory_space<hbm>>
      tpu.enqueue_dma source(%dma_start3A_64 : memref<32xi32, #tpu.memory_space<hbm>>) target(%arg8 : memref<32xi32, #tpu.memory_space<vmem>>) target_semaphore(%run_scoped3A : memref<!tpu.dma_semaphore, #tpu.memory_space<semaphore_mem>>)
      %dma_wait3A_65 = tpu.memref_slice %arg4[%add3A_4] : memref<4096xi32, #tpu.memory_space<hbm>> -> memref<32xi32, #tpu.memory_space<hbm>>
      %dma_wait3A_66 = tpu.memref_slice %arg4[%add3A_4] : memref<4096xi32, #tpu.memory_space<hbm>> -> memref<32xi32, #tpu.memory_space<hbm>>
      tpu.wait_dma2 semaphore(%run_scoped3A : memref<!tpu.dma_semaphore, #tpu.memory_space<semaphore_mem>>) src(%dma_wait3A_66 : memref<32xi32, #tpu.memory_space<hbm>>) dst(%arg8 : memref<32xi32, #tpu.memory_space<vmem>>)
      tpu.yield
    }) : () -> ()
    %dma_start3A = arith.constant 0 : i32
    %dma_start3A_5 = arith.constant 0 : i32
    %dma_start3A_6 = tpu.memref_slice %arg2[%dma_start3A, %dma_start3A_5] : memref<2048x1024xf32, #tpu.memory_space<hbm>> -> memref<2048x1024xf32, #tpu.memory_space<hbm>>
    tpu.enqueue_indirect_dma source(%dma_start3A_6 : memref<2048x1024xf32, #tpu.memory_space<hbm>>) target(%arg10 : memref<32x1024xf32, #tpu.memory_space<vmem>>) offsets(%arg6 : memref<32xi32, #tpu.memory_space<vmem>>) semaphore(%arg12 : memref<!tpu.dma_semaphore, #tpu.memory_space<semaphore_mem>>)
    %dma_wait3A = arith.constant 0 : i32
    %dma_wait3A_7 = arith.constant 0 : i32
    %dma_wait3A_8 = tpu.memref_slice %arg2[%dma_wait3A, %dma_wait3A_7] : memref<2048x1024xf32, #tpu.memory_space<hbm>> -> memref<2048x1024xf32, #tpu.memory_space<hbm>>
    tpu.wait_indirect_dma semaphore(%arg12 : memref<!tpu.dma_semaphore, #tpu.memory_space<semaphore_mem>>) src(%dma_wait3A_8 : memref<2048x1024xf32, #tpu.memory_space<hbm>>) dst(%arg10 : memref<32x1024xf32, #tpu.memory_space<vmem>>)
    %dma_start3A_9 = arith.constant 0 : i32
    %dma_start3A_10 = arith.constant 0 : i32
    %dma_start3A_11 = tpu.memref_slice %arg5[%dma_start3A_9, %dma_start3A_10] : memref<5888x1024xf32, #tpu.memory_space<hbm>> -> memref<5888x1024xf32, #tpu.memory_space<hbm>>
    tpu.enqueue_indirect_dma source(%arg10 : memref<32x1024xf32, #tpu.memory_space<vmem>>) target(%dma_start3A_11 : memref<5888x1024xf32, #tpu.memory_space<hbm>>) offsets(%arg8 : memref<32xi32, #tpu.memory_space<vmem>>) semaphore(%arg13 : memref<!tpu.dma_semaphore, #tpu.memory_space<semaphore_mem>>)
    %mul3A_12 = arith.constant 128 : i32
    %mul3A_13 = arith.muli %add3A, %mul3A_12 : i32
    %add3A_14 = arith.constant 32 : i32
    %add3A_15 = arith.addi %mul3A_13, %add3A_14 : i32
    "tpu.region"() ({
      %run_scoped3A = tpu.sem_alloc : memref<!tpu.dma_semaphore, #tpu.memory_space<semaphore_mem>>
      %dma_start3A_63 = tpu.memref_slice %arg3[%add3A_15] : memref<4096xi32, #tpu.memory_space<hbm>> -> memref<32xi32, #tpu.memory_space<hbm>>
      %dma_start3A_64 = tpu.memref_slice %arg3[%add3A_15] : memref<4096xi32, #tpu.memory_space<hbm>> -> memref<32xi32, #tpu.memory_space<hbm>>
      tpu.enqueue_dma source(%dma_start3A_64 : memref<32xi32, #tpu.memory_space<hbm>>) target(%arg7 : memref<32xi32, #tpu.memory_space<vmem>>) target_semaphore(%run_scoped3A : memref<!tpu.dma_semaphore, #tpu.memory_space<semaphore_mem>>)
      %dma_wait3A_65 = tpu.memref_slice %arg3[%add3A_15] : memref<4096xi32, #tpu.memory_space<hbm>> -> memref<32xi32, #tpu.memory_space<hbm>>
      %dma_wait3A_66 = tpu.memref_slice %arg3[%add3A_15] : memref<4096xi32, #tpu.memory_space<hbm>> -> memref<32xi32, #tpu.memory_space<hbm>>
      tpu.wait_dma2 semaphore(%run_scoped3A : memref<!tpu.dma_semaphore, #tpu.memory_space<semaphore_mem>>) src(%dma_wait3A_66 : memref<32xi32, #tpu.memory_space<hbm>>) dst(%arg7 : memref<32xi32, #tpu.memory_space<vmem>>)
      tpu.yield
    }) : () -> ()
    "tpu.region"() ({
      %run_scoped3A = tpu.sem_alloc : memref<!tpu.dma_semaphore, #tpu.memory_space<semaphore_mem>>
      %dma_start3A_63 = tpu.memref_slice %arg4[%add3A_15] : memref<4096xi32, #tpu.memory_space<hbm>> -> memref<32xi32, #tpu.memory_space<hbm>>
      %dma_start3A_64 = tpu.memref_slice %arg4[%add3A_15] : memref<4096xi32, #tpu.memory_space<hbm>> -> memref<32xi32, #tpu.memory_space<hbm>>
      tpu.enqueue_dma source(%dma_start3A_64 : memref<32xi32, #tpu.memory_space<hbm>>) target(%arg9 : memref<32xi32, #tpu.memory_space<vmem>>) target_semaphore(%run_scoped3A : memref<!tpu.dma_semaphore, #tpu.memory_space<semaphore_mem>>)
      %dma_wait3A_65 = tpu.memref_slice %arg4[%add3A_15] : memref<4096xi32, #tpu.memory_space<hbm>> -> memref<32xi32, #tpu.memory_space<hbm>>
      %dma_wait3A_66 = tpu.memref_slice %arg4[%add3A_15] : memref<4096xi32, #tpu.memory_space<hbm>> -> memref<32xi32, #tpu.memory_space<hbm>>
      tpu.wait_dma2 semaphore(%run_scoped3A : memref<!tpu.dma_semaphore, #tpu.memory_space<semaphore_mem>>) src(%dma_wait3A_66 : memref<32xi32, #tpu.memory_space<hbm>>) dst(%arg9 : memref<32xi32, #tpu.memory_space<vmem>>)
      tpu.yield
    }) : () -> ()
    %dma_start3A_16 = arith.constant 0 : i32
    %dma_start3A_17 = arith.constant 0 : i32
    %dma_start3A_18 = tpu.memref_slice %arg2[%dma_start3A_16, %dma_start3A_17] : memref<2048x1024xf32, #tpu.memory_space<hbm>> -> memref<2048x1024xf32, #tpu.memory_space<hbm>>
    tpu.enqueue_indirect_dma source(%dma_start3A_18 : memref<2048x1024xf32, #tpu.memory_space<hbm>>) target(%arg11 : memref<32x1024xf32, #tpu.memory_space<vmem>>) offsets(%arg7 : memref<32xi32, #tpu.memory_space<vmem>>) semaphore(%arg12 : memref<!tpu.dma_semaphore, #tpu.memory_space<semaphore_mem>>)
    %dma_wait3A_19 = arith.constant 0 : i32
    %dma_wait3A_20 = arith.constant 0 : i32
    %dma_wait3A_21 = tpu.memref_slice %arg2[%dma_wait3A_19, %dma_wait3A_20] : memref<2048x1024xf32, #tpu.memory_space<hbm>> -> memref<2048x1024xf32, #tpu.memory_space<hbm>>
    tpu.wait_indirect_dma semaphore(%arg12 : memref<!tpu.dma_semaphore, #tpu.memory_space<semaphore_mem>>) src(%dma_wait3A_21 : memref<2048x1024xf32, #tpu.memory_space<hbm>>) dst(%arg11 : memref<32x1024xf32, #tpu.memory_space<vmem>>)
    %dma_start3A_22 = arith.constant 0 : i32
    %dma_start3A_23 = arith.constant 0 : i32
    %dma_start3A_24 = tpu.memref_slice %arg5[%dma_start3A_22, %dma_start3A_23] : memref<5888x1024xf32, #tpu.memory_space<hbm>> -> memref<5888x1024xf32, #tpu.memory_space<hbm>>
    tpu.enqueue_indirect_dma source(%arg11 : memref<32x1024xf32, #tpu.memory_space<vmem>>) target(%dma_start3A_24 : memref<5888x1024xf32, #tpu.memory_space<hbm>>) offsets(%arg9 : memref<32xi32, #tpu.memory_space<vmem>>) semaphore(%arg13 : memref<!tpu.dma_semaphore, #tpu.memory_space<semaphore_mem>>)
    %dma_wait3A_25 = arith.constant 0 : i32
    %dma_wait3A_26 = arith.constant 0 : i32
    %dma_wait3A_27 = tpu.memref_slice %arg5[%dma_wait3A_25, %dma_wait3A_26] : memref<5888x1024xf32, #tpu.memory_space<hbm>> -> memref<5888x1024xf32, #tpu.memory_space<hbm>>
    tpu.wait_indirect_dma semaphore(%arg13 : memref<!tpu.dma_semaphore, #tpu.memory_space<semaphore_mem>>) src(%arg10 : memref<32x1024xf32, #tpu.memory_space<vmem>>) dst(%dma_wait3A_27 : memref<5888x1024xf32, #tpu.memory_space<hbm>>)
    %mul3A_28 = arith.constant 128 : i32
    %mul3A_29 = arith.muli %add3A, %mul3A_28 : i32
    %add3A_30 = arith.constant 64 : i32
    %add3A_31 = arith.addi %mul3A_29, %add3A_30 : i32
    "tpu.region"() ({
      %run_scoped3A = tpu.sem_alloc : memref<!tpu.dma_semaphore, #tpu.memory_space<semaphore_mem>>
      %dma_start3A_63 = tpu.memref_slice %arg3[%add3A_31] : memref<4096xi32, #tpu.memory_space<hbm>> -> memref<32xi32, #tpu.memory_space<hbm>>
      %dma_start3A_64 = tpu.memref_slice %arg3[%add3A_31] : memref<4096xi32, #tpu.memory_space<hbm>> -> memref<32xi32, #tpu.memory_space<hbm>>
      tpu.enqueue_dma source(%dma_start3A_64 : memref<32xi32, #tpu.memory_space<hbm>>) target(%arg6 : memref<32xi32, #tpu.memory_space<vmem>>) target_semaphore(%run_scoped3A : memref<!tpu.dma_semaphore, #tpu.memory_space<semaphore_mem>>)
      %dma_wait3A_65 = tpu.memref_slice %arg3[%add3A_31] : memref<4096xi32, #tpu.memory_space<hbm>> -> memref<32xi32, #tpu.memory_space<hbm>>
      %dma_wait3A_66 = tpu.memref_slice %arg3[%add3A_31] : memref<4096xi32, #tpu.memory_space<hbm>> -> memref<32xi32, #tpu.memory_space<hbm>>
      tpu.wait_dma2 semaphore(%run_scoped3A : memref<!tpu.dma_semaphore, #tpu.memory_space<semaphore_mem>>) src(%dma_wait3A_66 : memref<32xi32, #tpu.memory_space<hbm>>) dst(%arg6 : memref<32xi32, #tpu.memory_space<vmem>>)
      tpu.yield
    }) : () -> ()
    "tpu.region"() ({
      %run_scoped3A = tpu.sem_alloc : memref<!tpu.dma_semaphore, #tpu.memory_space<semaphore_mem>>
      %dma_start3A_63 = tpu.memref_slice %arg4[%add3A_31] : memref<4096xi32, #tpu.memory_space<hbm>> -> memref<32xi32, #tpu.memory_space<hbm>>
      %dma_start3A_64 = tpu.memref_slice %arg4[%add3A_31] : memref<4096xi32, #tpu.memory_space<hbm>> -> memref<32xi32, #tpu.memory_space<hbm>>
      tpu.enqueue_dma source(%dma_start3A_64 : memref<32xi32, #tpu.memory_space<hbm>>) target(%arg8 : memref<32xi32, #tpu.memory_space<vmem>>) target_semaphore(%run_scoped3A : memref<!tpu.dma_semaphore, #tpu.memory_space<semaphore_mem>>)
      %dma_wait3A_65 = tpu.memref_slice %arg4[%add3A_31] : memref<4096xi32, #tpu.memory_space<hbm>> -> memref<32xi32, #tpu.memory_space<hbm>>
      %dma_wait3A_66 = tpu.memref_slice %arg4[%add3A_31] : memref<4096xi32, #tpu.memory_space<hbm>> -> memref<32xi32, #tpu.memory_space<hbm>>
      tpu.wait_dma2 semaphore(%run_scoped3A : memref<!tpu.dma_semaphore, #tpu.memory_space<semaphore_mem>>) src(%dma_wait3A_66 : memref<32xi32, #tpu.memory_space<hbm>>) dst(%arg8 : memref<32xi32, #tpu.memory_space<vmem>>)
      tpu.yield
    }) : () -> ()
    %dma_start3A_32 = arith.constant 0 : i32
    %dma_start3A_33 = arith.constant 0 : i32
    %dma_start3A_34 = tpu.memref_slice %arg2[%dma_start3A_32, %dma_start3A_33] : memref<2048x1024xf32, #tpu.memory_space<hbm>> -> memref<2048x1024xf32, #tpu.memory_space<hbm>>
    tpu.enqueue_indirect_dma source(%dma_start3A_34 : memref<2048x1024xf32, #tpu.memory_space<hbm>>) target(%arg10 : memref<32x1024xf32, #tpu.memory_space<vmem>>) offsets(%arg6 : memref<32xi32, #tpu.memory_space<vmem>>) semaphore(%arg12 : memref<!tpu.dma_semaphore, #tpu.memory_space<semaphore_mem>>)
    %dma_wait3A_35 = arith.constant 0 : i32
    %dma_wait3A_36 = arith.constant 0 : i32
    %dma_wait3A_37 = tpu.memref_slice %arg2[%dma_wait3A_35, %dma_wait3A_36] : memref<2048x1024xf32, #tpu.memory_space<hbm>> -> memref<2048x1024xf32, #tpu.memory_space<hbm>>
    tpu.wait_indirect_dma semaphore(%arg12 : memref<!tpu.dma_semaphore, #tpu.memory_space<semaphore_mem>>) src(%dma_wait3A_37 : memref<2048x1024xf32, #tpu.memory_space<hbm>>) dst(%arg10 : memref<32x1024xf32, #tpu.memory_space<vmem>>)
    %dma_start3A_38 = arith.constant 0 : i32
    %dma_start3A_39 = arith.constant 0 : i32
    %dma_start3A_40 = tpu.memref_slice %arg5[%dma_start3A_38, %dma_start3A_39] : memref<5888x1024xf32, #tpu.memory_space<hbm>> -> memref<5888x1024xf32, #tpu.memory_space<hbm>>
    tpu.enqueue_indirect_dma source(%arg10 : memref<32x1024xf32, #tpu.memory_space<vmem>>) target(%dma_start3A_40 : memref<5888x1024xf32, #tpu.memory_space<hbm>>) offsets(%arg8 : memref<32xi32, #tpu.memory_space<vmem>>) semaphore(%arg13 : memref<!tpu.dma_semaphore, #tpu.memory_space<semaphore_mem>>)
    %dma_wait3A_41 = arith.constant 0 : i32
    %dma_wait3A_42 = arith.constant 0 : i32
    %dma_wait3A_43 = tpu.memref_slice %arg5[%dma_wait3A_41, %dma_wait3A_42] : memref<5888x1024xf32, #tpu.memory_space<hbm>> -> memref<5888x1024xf32, #tpu.memory_space<hbm>>
    tpu.wait_indirect_dma semaphore(%arg13 : memref<!tpu.dma_semaphore, #tpu.memory_space<semaphore_mem>>) src(%arg11 : memref<32x1024xf32, #tpu.memory_space<vmem>>) dst(%dma_wait3A_43 : memref<5888x1024xf32, #tpu.memory_space<hbm>>)
    %mul3A_44 = arith.constant 128 : i32
    %mul3A_45 = arith.muli %add3A, %mul3A_44 : i32
    %add3A_46 = arith.constant 96 : i32
    %add3A_47 = arith.addi %mul3A_45, %add3A_46 : i32
    "tpu.region"() ({
      %run_scoped3A = tpu.sem_alloc : memref<!tpu.dma_semaphore, #tpu.memory_space<semaphore_mem>>
      %dma_start3A_63 = tpu.memref_slice %arg3[%add3A_47] : memref<4096xi32, #tpu.memory_space<hbm>> -> memref<32xi32, #tpu.memory_space<hbm>>
      %dma_start3A_64 = tpu.memref_slice %arg3[%add3A_47] : memref<4096xi32, #tpu.memory_space<hbm>> -> memref<32xi32, #tpu.memory_space<hbm>>
      tpu.enqueue_dma source(%dma_start3A_64 : memref<32xi32, #tpu.memory_space<hbm>>) target(%arg7 : memref<32xi32, #tpu.memory_space<vmem>>) target_semaphore(%run_scoped3A : memref<!tpu.dma_semaphore, #tpu.memory_space<semaphore_mem>>)
      %dma_wait3A_65 = tpu.memref_slice %arg3[%add3A_47] : memref<4096xi32, #tpu.memory_space<hbm>> -> memref<32xi32, #tpu.memory_space<hbm>>
      %dma_wait3A_66 = tpu.memref_slice %arg3[%add3A_47] : memref<4096xi32, #tpu.memory_space<hbm>> -> memref<32xi32, #tpu.memory_space<hbm>>
      tpu.wait_dma2 semaphore(%run_scoped3A : memref<!tpu.dma_semaphore, #tpu.memory_space<semaphore_mem>>) src(%dma_wait3A_66 : memref<32xi32, #tpu.memory_space<hbm>>) dst(%arg7 : memref<32xi32, #tpu.memory_space<vmem>>)
      tpu.yield
    }) : () -> ()
    "tpu.region"() ({
      %run_scoped3A = tpu.sem_alloc : memref<!tpu.dma_semaphore, #tpu.memory_space<semaphore_mem>>
      %dma_start3A_63 = tpu.memref_slice %arg4[%add3A_47] : memref<4096xi32, #tpu.memory_space<hbm>> -> memref<32xi32, #tpu.memory_space<hbm>>
      %dma_start3A_64 = tpu.memref_slice %arg4[%add3A_47] : memref<4096xi32, #tpu.memory_space<hbm>> -> memref<32xi32, #tpu.memory_space<hbm>>
      tpu.enqueue_dma source(%dma_start3A_64 : memref<32xi32, #tpu.memory_space<hbm>>) target(%arg9 : memref<32xi32, #tpu.memory_space<vmem>>) target_semaphore(%run_scoped3A : memref<!tpu.dma_semaphore, #tpu.memory_space<semaphore_mem>>)
      %dma_wait3A_65 = tpu.memref_slice %arg4[%add3A_47] : memref<4096xi32, #tpu.memory_space<hbm>> -> memref<32xi32, #tpu.memory_space<hbm>>
      %dma_wait3A_66 = tpu.memref_slice %arg4[%add3A_47] : memref<4096xi32, #tpu.memory_space<hbm>> -> memref<32xi32, #tpu.memory_space<hbm>>
      tpu.wait_dma2 semaphore(%run_scoped3A : memref<!tpu.dma_semaphore, #tpu.memory_space<semaphore_mem>>) src(%dma_wait3A_66 : memref<32xi32, #tpu.memory_space<hbm>>) dst(%arg9 : memref<32xi32, #tpu.memory_space<vmem>>)
      tpu.yield
    }) : () -> ()
    %dma_start3A_48 = arith.constant 0 : i32
    %dma_start3A_49 = arith.constant 0 : i32
    %dma_start3A_50 = tpu.memref_slice %arg2[%dma_start3A_48, %dma_start3A_49] : memref<2048x1024xf32, #tpu.memory_space<hbm>> -> memref<2048x1024xf32, #tpu.memory_space<hbm>>
    tpu.enqueue_indirect_dma source(%dma_start3A_50 : memref<2048x1024xf32, #tpu.memory_space<hbm>>) target(%arg11 : memref<32x1024xf32, #tpu.memory_space<vmem>>) offsets(%arg7 : memref<32xi32, #tpu.memory_space<vmem>>) semaphore(%arg12 : memref<!tpu.dma_semaphore, #tpu.memory_space<semaphore_mem>>)
    %dma_wait3A_51 = arith.constant 0 : i32
    %dma_wait3A_52 = arith.constant 0 : i32
    %dma_wait3A_53 = tpu.memref_slice %arg2[%dma_wait3A_51, %dma_wait3A_52] : memref<2048x1024xf32, #tpu.memory_space<hbm>> -> memref<2048x1024xf32, #tpu.memory_space<hbm>>
    tpu.wait_indirect_dma semaphore(%arg12 : memref<!tpu.dma_semaphore, #tpu.memory_space<semaphore_mem>>) src(%dma_wait3A_53 : memref<2048x1024xf32, #tpu.memory_space<hbm>>) dst(%arg11 : memref<32x1024xf32, #tpu.memory_space<vmem>>)
    %dma_start3A_54 = arith.constant 0 : i32
    %dma_start3A_55 = arith.constant 0 : i32
    %dma_start3A_56 = tpu.memref_slice %arg5[%dma_start3A_54, %dma_start3A_55] : memref<5888x1024xf32, #tpu.memory_space<hbm>> -> memref<5888x1024xf32, #tpu.memory_space<hbm>>
    tpu.enqueue_indirect_dma source(%arg11 : memref<32x1024xf32, #tpu.memory_space<vmem>>) target(%dma_start3A_56 : memref<5888x1024xf32, #tpu.memory_space<hbm>>) offsets(%arg9 : memref<32xi32, #tpu.memory_space<vmem>>) semaphore(%arg13 : memref<!tpu.dma_semaphore, #tpu.memory_space<semaphore_mem>>)
    %dma_wait3A_57 = arith.constant 0 : i32
    %dma_wait3A_58 = arith.constant 0 : i32
    %dma_wait3A_59 = tpu.memref_slice %arg5[%dma_wait3A_57, %dma_wait3A_58] : memref<5888x1024xf32, #tpu.memory_space<hbm>> -> memref<5888x1024xf32, #tpu.memory_space<hbm>>
    tpu.wait_indirect_dma semaphore(%arg13 : memref<!tpu.dma_semaphore, #tpu.memory_space<semaphore_mem>>) src(%arg10 : memref<32x1024xf32, #tpu.memory_space<vmem>>) dst(%dma_wait3A_59 : memref<5888x1024xf32, #tpu.memory_space<hbm>>)
    %dma_wait3A_60 = arith.constant 0 : i32
    %dma_wait3A_61 = arith.constant 0 : i32
    %dma_wait3A_62 = tpu.memref_slice %arg5[%dma_wait3A_60, %dma_wait3A_61] : memref<5888x1024xf32, #tpu.memory_space<hbm>> -> memref<5888x1024xf32, #tpu.memory_space<hbm>>
    tpu.wait_indirect_dma semaphore(%arg13 : memref<!tpu.dma_semaphore, #tpu.memory_space<semaphore_mem>>) src(%arg11 : memref<32x1024xf32, #tpu.memory_space<vmem>>) dst(%dma_wait3A_62 : memref<5888x1024xf32, #tpu.memory_space<hbm>>)
    return
  }
}

#map = affine_map<(d0, d1) -> (0, 0)>
#map1 = affine_map<(d0, d1) -> (0)>
module attributes {stable_mosaic.version = 14 : i64} {
  func.func @combine(%arg0: i32, %arg1: i32, %arg2: memref<5888x1024xf32, #tpu.memory_space<hbm>>, %arg3: memref<4096xi32, #tpu.memory_space<hbm>>, %arg4: memref<4096x1024xf32, #tpu.memory_space<hbm>>, %arg5: memref<64xi32, #tpu.memory_space<vmem>>, %arg6: memref<64x1024xf32, #tpu.memory_space<vmem>>, %arg7: memref<!tpu.dma_semaphore, #tpu.memory_space<semaphore_mem>>) attributes {dimension_semantics = [#tpu.dimension_semantics<core_parallel>, #tpu.dimension_semantics<subcore_parallel>], iteration_bounds = array<i64: 2, 16>, scalar_prefetch = 0 : i64, scratch_operands = 3 : i64, tpu.core_type = #tpu.core_type<sc_vector_subcore>, window_params = [{transform_indices = #map}, {transform_indices = #map1}, {transform_indices = #map}]} {
    %mul3A = arith.constant 2 : i32
    %mul3A_0 = arith.muli %arg1, %mul3A : i32
    %add3A = arith.addi %mul3A_0, %arg0 : i32
    %mul3A_1 = arith.constant 128 : i32
    %mul3A_2 = arith.muli %add3A, %mul3A_1 : i32
    %add3A_3 = arith.constant 0 : i32
    %add3A_4 = arith.addi %mul3A_2, %add3A_3 : i32
    "tpu.region"() ({
      %run_scoped3A = tpu.sem_alloc : memref<!tpu.dma_semaphore, #tpu.memory_space<semaphore_mem>>
      %dma_start3A_19 = tpu.memref_slice %arg3[%add3A_4] : memref<4096xi32, #tpu.memory_space<hbm>> -> memref<64xi32, #tpu.memory_space<hbm>>
      %dma_start3A_20 = tpu.memref_slice %arg3[%add3A_4] : memref<4096xi32, #tpu.memory_space<hbm>> -> memref<64xi32, #tpu.memory_space<hbm>>
      tpu.enqueue_dma source(%dma_start3A_20 : memref<64xi32, #tpu.memory_space<hbm>>) target(%arg5 : memref<64xi32, #tpu.memory_space<vmem>>) target_semaphore(%run_scoped3A : memref<!tpu.dma_semaphore, #tpu.memory_space<semaphore_mem>>)
      %dma_wait3A_21 = tpu.memref_slice %arg3[%add3A_4] : memref<4096xi32, #tpu.memory_space<hbm>> -> memref<64xi32, #tpu.memory_space<hbm>>
      %dma_wait3A_22 = tpu.memref_slice %arg3[%add3A_4] : memref<4096xi32, #tpu.memory_space<hbm>> -> memref<64xi32, #tpu.memory_space<hbm>>
      tpu.wait_dma2 semaphore(%run_scoped3A : memref<!tpu.dma_semaphore, #tpu.memory_space<semaphore_mem>>) src(%dma_wait3A_22 : memref<64xi32, #tpu.memory_space<hbm>>) dst(%arg5 : memref<64xi32, #tpu.memory_space<vmem>>)
      tpu.yield
    }) : () -> ()
    %dma_start3A = arith.constant 0 : i32
    %dma_start3A_5 = arith.constant 0 : i32
    %dma_start3A_6 = tpu.memref_slice %arg2[%dma_start3A, %dma_start3A_5] : memref<5888x1024xf32, #tpu.memory_space<hbm>> -> memref<5888x1024xf32, #tpu.memory_space<hbm>>
    tpu.enqueue_indirect_dma source(%dma_start3A_6 : memref<5888x1024xf32, #tpu.memory_space<hbm>>) target(%arg6 : memref<64x1024xf32, #tpu.memory_space<vmem>>) offsets(%arg5 : memref<64xi32, #tpu.memory_space<vmem>>) semaphore(%arg7 : memref<!tpu.dma_semaphore, #tpu.memory_space<semaphore_mem>>)
    %dma_wait3A = arith.constant 0 : i32
    %dma_wait3A_7 = arith.constant 0 : i32
    %dma_wait3A_8 = tpu.memref_slice %arg2[%dma_wait3A, %dma_wait3A_7] : memref<5888x1024xf32, #tpu.memory_space<hbm>> -> memref<5888x1024xf32, #tpu.memory_space<hbm>>
    tpu.wait_indirect_dma semaphore(%arg7 : memref<!tpu.dma_semaphore, #tpu.memory_space<semaphore_mem>>) src(%dma_wait3A_8 : memref<5888x1024xf32, #tpu.memory_space<hbm>>) dst(%arg6 : memref<64x1024xf32, #tpu.memory_space<vmem>>)
    "tpu.region"() ({
      %run_scoped3A = tpu.sem_alloc : memref<!tpu.dma_semaphore, #tpu.memory_space<semaphore_mem>>
      %dma_start3A_19 = arith.constant 0 : i32
      %dma_start3A_20 = tpu.memref_slice %arg4[%add3A_4, %dma_start3A_19] : memref<4096x1024xf32, #tpu.memory_space<hbm>> -> memref<64x1024xf32, #tpu.memory_space<hbm>>
      %dma_start3A_21 = arith.constant 0 : i32
      %dma_start3A_22 = tpu.memref_slice %arg4[%add3A_4, %dma_start3A_21] : memref<4096x1024xf32, #tpu.memory_space<hbm>> -> memref<64x1024xf32, #tpu.memory_space<hbm>>
      tpu.enqueue_dma source(%arg6 : memref<64x1024xf32, #tpu.memory_space<vmem>>) target(%dma_start3A_22 : memref<64x1024xf32, #tpu.memory_space<hbm>>) target_semaphore(%run_scoped3A : memref<!tpu.dma_semaphore, #tpu.memory_space<semaphore_mem>>)
      %dma_wait3A_23 = arith.constant 0 : i32
      %dma_wait3A_24 = tpu.memref_slice %arg4[%add3A_4, %dma_wait3A_23] : memref<4096x1024xf32, #tpu.memory_space<hbm>> -> memref<64x1024xf32, #tpu.memory_space<hbm>>
      %dma_wait3A_25 = arith.constant 0 : i32
      %dma_wait3A_26 = tpu.memref_slice %arg4[%add3A_4, %dma_wait3A_25] : memref<4096x1024xf32, #tpu.memory_space<hbm>> -> memref<64x1024xf32, #tpu.memory_space<hbm>>
      tpu.wait_dma2 semaphore(%run_scoped3A : memref<!tpu.dma_semaphore, #tpu.memory_space<semaphore_mem>>) src(%arg6 : memref<64x1024xf32, #tpu.memory_space<vmem>>) dst(%dma_wait3A_26 : memref<64x1024xf32, #tpu.memory_space<hbm>>)
      tpu.yield
    }) : () -> ()
    %mul3A_9 = arith.constant 128 : i32
    %mul3A_10 = arith.muli %add3A, %mul3A_9 : i32
    %add3A_11 = arith.constant 64 : i32
    %add3A_12 = arith.addi %mul3A_10, %add3A_11 : i32
    "tpu.region"() ({
      %run_scoped3A = tpu.sem_alloc : memref<!tpu.dma_semaphore, #tpu.memory_space<semaphore_mem>>
      %dma_start3A_19 = tpu.memref_slice %arg3[%add3A_12] : memref<4096xi32, #tpu.memory_space<hbm>> -> memref<64xi32, #tpu.memory_space<hbm>>
      %dma_start3A_20 = tpu.memref_slice %arg3[%add3A_12] : memref<4096xi32, #tpu.memory_space<hbm>> -> memref<64xi32, #tpu.memory_space<hbm>>
      tpu.enqueue_dma source(%dma_start3A_20 : memref<64xi32, #tpu.memory_space<hbm>>) target(%arg5 : memref<64xi32, #tpu.memory_space<vmem>>) target_semaphore(%run_scoped3A : memref<!tpu.dma_semaphore, #tpu.memory_space<semaphore_mem>>)
      %dma_wait3A_21 = tpu.memref_slice %arg3[%add3A_12] : memref<4096xi32, #tpu.memory_space<hbm>> -> memref<64xi32, #tpu.memory_space<hbm>>
      %dma_wait3A_22 = tpu.memref_slice %arg3[%add3A_12] : memref<4096xi32, #tpu.memory_space<hbm>> -> memref<64xi32, #tpu.memory_space<hbm>>
      tpu.wait_dma2 semaphore(%run_scoped3A : memref<!tpu.dma_semaphore, #tpu.memory_space<semaphore_mem>>) src(%dma_wait3A_22 : memref<64xi32, #tpu.memory_space<hbm>>) dst(%arg5 : memref<64xi32, #tpu.memory_space<vmem>>)
      tpu.yield
    }) : () -> ()
    %dma_start3A_13 = arith.constant 0 : i32
    %dma_start3A_14 = arith.constant 0 : i32
    %dma_start3A_15 = tpu.memref_slice %arg2[%dma_start3A_13, %dma_start3A_14] : memref<5888x1024xf32, #tpu.memory_space<hbm>> -> memref<5888x1024xf32, #tpu.memory_space<hbm>>
    tpu.enqueue_indirect_dma source(%dma_start3A_15 : memref<5888x1024xf32, #tpu.memory_space<hbm>>) target(%arg6 : memref<64x1024xf32, #tpu.memory_space<vmem>>) offsets(%arg5 : memref<64xi32, #tpu.memory_space<vmem>>) semaphore(%arg7 : memref<!tpu.dma_semaphore, #tpu.memory_space<semaphore_mem>>)
    %dma_wait3A_16 = arith.constant 0 : i32
    %dma_wait3A_17 = arith.constant 0 : i32
    %dma_wait3A_18 = tpu.memref_slice %arg2[%dma_wait3A_16, %dma_wait3A_17] : memref<5888x1024xf32, #tpu.memory_space<hbm>> -> memref<5888x1024xf32, #tpu.memory_space<hbm>>
    tpu.wait_indirect_dma semaphore(%arg7 : memref<!tpu.dma_semaphore, #tpu.memory_space<semaphore_mem>>) src(%dma_wait3A_18 : memref<5888x1024xf32, #tpu.memory_space<hbm>>) dst(%arg6 : memref<64x1024xf32, #tpu.memory_space<vmem>>)
    "tpu.region"() ({
      %run_scoped3A = tpu.sem_alloc : memref<!tpu.dma_semaphore, #tpu.memory_space<semaphore_mem>>
      %dma_start3A_19 = arith.constant 0 : i32
      %dma_start3A_20 = tpu.memref_slice %arg4[%add3A_12, %dma_start3A_19] : memref<4096x1024xf32, #tpu.memory_space<hbm>> -> memref<64x1024xf32, #tpu.memory_space<hbm>>
      %dma_start3A_21 = arith.constant 0 : i32
      %dma_start3A_22 = tpu.memref_slice %arg4[%add3A_12, %dma_start3A_21] : memref<4096x1024xf32, #tpu.memory_space<hbm>> -> memref<64x1024xf32, #tpu.memory_space<hbm>>
      tpu.enqueue_dma source(%arg6 : memref<64x1024xf32, #tpu.memory_space<vmem>>) target(%dma_start3A_22 : memref<64x1024xf32, #tpu.memory_space<hbm>>) target_semaphore(%run_scoped3A : memref<!tpu.dma_semaphore, #tpu.memory_space<semaphore_mem>>)
      %dma_wait3A_23 = arith.constant 0 : i32
      %dma_wait3A_24 = tpu.memref_slice %arg4[%add3A_12, %dma_wait3A_23] : memref<4096x1024xf32, #tpu.memory_space<hbm>> -> memref<64x1024xf32, #tpu.memory_space<hbm>>
      %dma_wait3A_25 = arith.constant 0 : i32
      %dma_wait3A_26 = tpu.memref_slice %arg4[%add3A_12, %dma_wait3A_25] : memref<4096x1024xf32, #tpu.memory_space<hbm>> -> memref<64x1024xf32, #tpu.memory_space<hbm>>
      tpu.wait_dma2 semaphore(%run_scoped3A : memref<!tpu.dma_semaphore, #tpu.memory_space<semaphore_mem>>) src(%arg6 : memref<64x1024xf32, #tpu.memory_space<vmem>>) dst(%dma_wait3A_26 : memref<64x1024xf32, #tpu.memory_space<hbm>>)
      tpu.yield
    }) : () -> ()
    return
  }
}

module attributes {stable_mosaic.version = 14 : i64} {
  func.func @_qkv_body(%arg0: i32, %arg1: memref<512x1024xf32, #tpu.memory_space<vmem>>, %arg2: memref<1x1024xf32, #tpu.memory_space<vmem>>, %arg3: memref<1024x2048xbf16, #tpu.memory_space<vmem>>, %arg4: memref<1x2048xf32, #tpu.memory_space<vmem>>, %arg5: memref<512x64xf32, #tpu.memory_space<vmem>>, %arg6: memref<512x64xf32, #tpu.memory_space<vmem>>, %arg7: memref<16x512x64xbf16, #tpu.memory_space<vmem>>, %arg8: memref<8x512x64xbf16, #tpu.memory_space<vmem>>, %arg9: memref<8x512x128xbf16, #tpu.memory_space<vmem>>) attributes {dimension_semantics = [#tpu.dimension_semantics<arbitrary>], iteration_bounds = array<i64: 4>, scalar_prefetch = 0 : i64, scratch_operands = 0 : i64, tpu.core_type = #tpu.core_type<tc>, window_params = [{transform_indices = @transform_0, window_bounds = array<i64: 512, 1024>}, {pipeline_mode = #tpu.pipeline_mode<synchronous>, transform_indices = @transform_1, window_bounds = array<i64: 1, 1024>}, {pipeline_mode = #tpu.pipeline_mode<synchronous>, transform_indices = @transform_2, window_bounds = array<i64: 1024, 2048>}, {pipeline_mode = #tpu.pipeline_mode<synchronous>, transform_indices = @transform_3, window_bounds = array<i64: 1, 2048>}, {transform_indices = @transform_4, window_bounds = array<i64: 512, 64>}, {transform_indices = @transform_5, window_bounds = array<i64: 512, 64>}, {transform_indices = @transform_6, window_bounds = array<i64: 16, 512, 64>}, {transform_indices = @transform_7, window_bounds = array<i64: 8, 512, 64>}, {transform_indices = @transform_8, window_bounds = array<i64: 8, 512, 128>}]} {
    %get3A = arith.constant 0 : index
    %get3A_0 = arith.constant 0 : index
    %get3A_1 = vector.load %arg1[%get3A, %get3A_0] : memref<512x1024xf32, #tpu.memory_space<vmem>>, vector<512x1024xf32>
    %mul3A = arith.mulf %get3A_1, %get3A_1 : vector<512x1024xf32>
    %reduce_sum3A = arith.constant dense<0.000000e+00> : vector<512xf32>
    %reduce_sum3A_2 = vector.multi_reduction <add>, %mul3A, %reduce_sum3A [1] : vector<512x1024xf32> to vector<512xf32>
    %broadcast_in_dim3A = vector.shape_cast %reduce_sum3A_2 : vector<512xf32> to vector<512x1xf32>
    %div3A = arith.constant 1.024000e+03 : f32
    %div3A_3 = vector.broadcast %div3A : f32 to vector<512x1xf32>
    %div3A_4 = arith.divf %broadcast_in_dim3A, %div3A_3 : vector<512x1xf32>
    %add3A = arith.constant 9.99999974E-6 : f32
    %add3A_5 = vector.broadcast %add3A : f32 to vector<512x1xf32>
    %add3A_6 = arith.addf %div3A_4, %add3A_5 : vector<512x1xf32>
    %rsqrt3A = math.rsqrt %add3A_6 : vector<512x1xf32>
    %mul3A_7 = vector.broadcast %rsqrt3A : vector<512x1xf32> to vector<512x1024xf32>
    %mul3A_8 = arith.mulf %get3A_1, %mul3A_7 : vector<512x1024xf32>
    %get3A_9 = arith.constant 0 : index
    %get3A_10 = arith.constant 0 : index
    %get3A_11 = vector.load %arg2[%get3A_9, %get3A_10] : memref<1x1024xf32, #tpu.memory_space<vmem>>, vector<1x1024xf32>
    %mul3A_12 = vector.broadcast %get3A_11 : vector<1x1024xf32> to vector<512x1024xf32>
    %mul3A_13 = arith.mulf %mul3A_8, %mul3A_12 : vector<512x1024xf32>
    %convert_element_type3A = arith.truncf %mul3A_13 : vector<512x1024xf32> to vector<512x1024xbf16>
    %get3A_14 = arith.constant 0 : index
    %get3A_15 = arith.constant 0 : index
    %get3A_16 = vector.load %arg3[%get3A_14, %get3A_15] : memref<1024x2048xbf16, #tpu.memory_space<vmem>>, vector<1024x2048xbf16>
    %dot_general3A = arith.constant dense<0.000000e+00> : vector<512x2048xf32>
    %dot_general3A_17 = tpu.matmul %convert_element_type3A, %get3A_16, %dot_general3A {dimension_numbers = #tpu.dot_dimension_numbers<[1], [0], [0], [1], [0, 0, 1, 1], [], []>, transpose_lhs_hint = false} : vector<512x1024xbf16>, vector<1024x2048xbf16>, vector<512x2048xf32> -> vector<512x2048xf32>
    %get3A_18 = arith.constant 0 : index
    %get3A_19 = arith.constant 0 : index
    %get3A_20 = vector.load %arg4[%get3A_18, %get3A_19] : memref<1x2048xf32, #tpu.memory_space<vmem>>, vector<1x2048xf32>
    %add3A_21 = vector.broadcast %get3A_20 : vector<1x2048xf32> to vector<512x2048xf32>
    %add3A_22 = arith.addf %dot_general3A_17, %add3A_21 : vector<512x2048xf32>
    %get3A_23 = arith.constant 0 : index
    %get3A_24 = arith.constant 0 : index
    %get3A_25 = vector.load %arg5[%get3A_23, %get3A_24] : memref<512x64xf32, #tpu.memory_space<vmem>>, vector<512x64xf32>
    %get3A_26 = arith.constant 0 : index
    %get3A_27 = arith.constant 0 : index
    %get3A_28 = vector.load %arg6[%get3A_26, %get3A_27] : memref<512x64xf32, #tpu.memory_space<vmem>>, vector<512x64xf32>
    %iota3A = tpu.iota {dimensions = array<i32: 1>} : vector<512x64xi32>
    %jit3A = arith.constant 2 : i32
    %eq3A = arith.constant 0 : i32
    %eq3A_29 = arith.cmpi eq, %jit3A, %eq3A : i32
    %jit3A_30 = arith.constant 1 : i32
    %select_n3A = arith.select %eq3A_29, %jit3A_30, %jit3A : i32
    %rem3A = vector.broadcast %select_n3A : i32 to vector<512x64xi32>
    %rem3A_31 = arith.remsi %iota3A, %rem3A : vector<512x64xi32>
    %ne3A = arith.constant 0 : i32
    %ne3A_32 = vector.broadcast %ne3A : i32 to vector<512x64xi32>
    %ne3A_33 = arith.cmpi ne, %rem3A_31, %ne3A_32 : vector<512x64xi32>
    %lt3A = arith.constant 0 : i32
    %lt3A_34 = vector.broadcast %lt3A : i32 to vector<512x64xi32>
    %lt3A_35 = arith.cmpi slt, %rem3A_31, %lt3A_34 : vector<512x64xi32>
    %lt3A_36 = arith.constant 0 : i32
    %lt3A_37 = arith.cmpi slt, %select_n3A, %lt3A_36 : i32
    %ne3A_38 = vector.broadcast %lt3A_37 : i1 to vector<512x64xi1>
    %ne3A_39 = vector.broadcast %ne3A_38 : vector<512x64xi1> to vector<512x64xi1>
    %ne3A_40 = arith.xori %lt3A_35, %ne3A_39 : vector<512x64xi1>
    %and3A = arith.andi %ne3A_40, %ne3A_33 : vector<512x64xi1>
    %add3A_41 = vector.broadcast %select_n3A : i32 to vector<512x64xi32>
    %add3A_42 = arith.addi %rem3A_31, %add3A_41 : vector<512x64xi32>
    %select_n3A_43 = arith.select %and3A, %add3A_42, %rem3A_31 : vector<512x64xi1>, vector<512x64xi32>
    %eq3A_44 = arith.constant 0 : i32
    %eq3A_45 = vector.broadcast %eq3A_44 : i32 to vector<512x64xi32>
    %eq3A_46 = arith.cmpi eq, %select_n3A_43, %eq3A_45 : vector<512x64xi32>
    %slice3A = vector.extract_strided_slice %add3A_22 {offsets = [0, 0], sizes = [512, 64], strides = [1, 1]} : vector<512x2048xf32> to vector<512x64xf32>
    %roll3A = arith.constant 63 : i32
    %roll3A_47 = tpu.dynamic_rotate %slice3A by %roll3A dim 1 : vector<512x64xf32>, i32 -> vector<512x64xf32>
    %roll3A_48 = arith.constant 1 : i32
    %roll3A_49 = tpu.dynamic_rotate %slice3A by %roll3A_48 dim 1 : vector<512x64xf32>, i32 -> vector<512x64xf32>
    %select_n3A_50 = arith.select %eq3A_46, %roll3A_47, %roll3A_49 : vector<512x64xi1>, vector<512x64xf32>
    %mul3A_51 = arith.mulf %slice3A, %get3A_28 : vector<512x64xf32>
    %mul3A_52 = arith.mulf %select_n3A_50, %get3A_25 : vector<512x64xf32>
    %add3A_53 = arith.addf %mul3A_51, %mul3A_52 : vector<512x64xf32>
    %mul3A_54 = arith.constant 1.250000e-01 : f32
    %mul3A_55 = vector.broadcast %mul3A_54 : f32 to vector<512x64xf32>
    %mul3A_56 = arith.mulf %add3A_53, %mul3A_55 : vector<512x64xf32>
    %convert_element_type3A_57 = arith.truncf %mul3A_56 : vector<512x64xf32> to vector<512x64xbf16>
    %swap3A = arith.constant 0 : index
    %swap3A_58 = arith.constant 0 : index
    %swap3A_59 = arith.constant 0 : index
    %swap3A_60 = vector.load %arg7[%swap3A, %swap3A_58, %swap3A_59] : memref<16x512x64xbf16, #tpu.memory_space<vmem>>, vector<1x512x64xbf16>
    %swap3A_61 = vector.shape_cast %swap3A_60 : vector<1x512x64xbf16> to vector<512x64xbf16>
    %swap3A_62 = vector.shape_cast %convert_element_type3A_57 : vector<512x64xbf16> to vector<1x512x64xbf16>
    tpu.vector_store %arg7[%swap3A, %swap3A_58, %swap3A_59], %swap3A_62 {strides = array<i32>} : memref<16x512x64xbf16, #tpu.memory_space<vmem>>, vector<1x512x64xbf16>,
    %slice3A_63 = vector.extract_strided_slice %add3A_22 {offsets = [0, 64], sizes = [512, 64], strides = [1, 1]} : vector<512x2048xf32> to vector<512x64xf32>
    %roll3A_64 = arith.constant 63 : i32
    %roll3A_65 = tpu.dynamic_rotate %slice3A_63 by %roll3A_64 dim 1 : vector<512x64xf32>, i32 -> vector<512x64xf32>
    %roll3A_66 = arith.constant 1 : i32
    %roll3A_67 = tpu.dynamic_rotate %slice3A_63 by %roll3A_66 dim 1 : vector<512x64xf32>, i32 -> vector<512x64xf32>
    %select_n3A_68 = arith.select %eq3A_46, %roll3A_65, %roll3A_67 : vector<512x64xi1>, vector<512x64xf32>
    %mul3A_69 = arith.mulf %slice3A_63, %get3A_28 : vector<512x64xf32>
    %mul3A_70 = arith.mulf %select_n3A_68, %get3A_25 : vector<512x64xf32>
    %add3A_71 = arith.addf %mul3A_69, %mul3A_70 : vector<512x64xf32>
    %mul3A_72 = arith.constant 1.250000e-01 : f32
    %mul3A_73 = vector.broadcast %mul3A_72 : f32 to vector<512x64xf32>
    %mul3A_74 = arith.mulf %add3A_71, %mul3A_73 : vector<512x64xf32>
    %convert_element_type3A_75 = arith.truncf %mul3A_74 : vector<512x64xf32> to vector<512x64xbf16>
    %swap3A_76 = arith.constant 1 : index
    %swap3A_77 = arith.constant 0 : index
    %swap3A_78 = arith.constant 0 : index
    %swap3A_79 = vector.load %arg7[%swap3A_76, %swap3A_77, %swap3A_78] : memref<16x512x64xbf16, #tpu.memory_space<vmem>>, vector<1x512x64xbf16>
    %swap3A_80 = vector.shape_cast %swap3A_79 : vector<1x512x64xbf16> to vector<512x64xbf16>
    %swap3A_81 = vector.shape_cast %convert_element_type3A_75 : vector<512x64xbf16> to vector<1x512x64xbf16>
    tpu.vector_store %arg7[%swap3A_76, %swap3A_77, %swap3A_78], %swap3A_81 {strides = array<i32>} : memref<16x512x64xbf16, #tpu.memory_space<vmem>>, vector<1x512x64xbf16>,
    %slice3A_82 = vector.extract_strided_slice %add3A_22 {offsets = [0, 128], sizes = [512, 64], strides = [1, 1]} : vector<512x2048xf32> to vector<512x64xf32>
    %roll3A_83 = arith.constant 63 : i32
    %roll3A_84 = tpu.dynamic_rotate %slice3A_82 by %roll3A_83 dim 1 : vector<512x64xf32>, i32 -> vector<512x64xf32>
    %roll3A_85 = arith.constant 1 : i32
    %roll3A_86 = tpu.dynamic_rotate %slice3A_82 by %roll3A_85 dim 1 : vector<512x64xf32>, i32 -> vector<512x64xf32>
    %select_n3A_87 = arith.select %eq3A_46, %roll3A_84, %roll3A_86 : vector<512x64xi1>, vector<512x64xf32>
    %mul3A_88 = arith.mulf %slice3A_82, %get3A_28 : vector<512x64xf32>
    %mul3A_89 = arith.mulf %select_n3A_87, %get3A_25 : vector<512x64xf32>
    %add3A_90 = arith.addf %mul3A_88, %mul3A_89 : vector<512x64xf32>
    %mul3A_91 = arith.constant 1.250000e-01 : f32
    %mul3A_92 = vector.broadcast %mul3A_91 : f32 to vector<512x64xf32>
    %mul3A_93 = arith.mulf %add3A_90, %mul3A_92 : vector<512x64xf32>
    %convert_element_type3A_94 = arith.truncf %mul3A_93 : vector<512x64xf32> to vector<512x64xbf16>
    %swap3A_95 = arith.constant 2 : index
    %swap3A_96 = arith.constant 0 : index
    %swap3A_97 = arith.constant 0 : index
    %swap3A_98 = vector.load %arg7[%swap3A_95, %swap3A_96, %swap3A_97] : memref<16x512x64xbf16, #tpu.memory_space<vmem>>, vector<1x512x64xbf16>
    %swap3A_99 = vector.shape_cast %swap3A_98 : vector<1x512x64xbf16> to vector<512x64xbf16>
    %swap3A_100 = vector.shape_cast %convert_element_type3A_94 : vector<512x64xbf16> to vector<1x512x64xbf16>
    tpu.vector_store %arg7[%swap3A_95, %swap3A_96, %swap3A_97], %swap3A_100 {strides = array<i32>} : memref<16x512x64xbf16, #tpu.memory_space<vmem>>, vector<1x512x64xbf16>,
    %slice3A_101 = vector.extract_strided_slice %add3A_22 {offsets = [0, 192], sizes = [512, 64], strides = [1, 1]} : vector<512x2048xf32> to vector<512x64xf32>
    %roll3A_102 = arith.constant 63 : i32
    %roll3A_103 = tpu.dynamic_rotate %slice3A_101 by %roll3A_102 dim 1 : vector<512x64xf32>, i32 -> vector<512x64xf32>
    %roll3A_104 = arith.constant 1 : i32
    %roll3A_105 = tpu.dynamic_rotate %slice3A_101 by %roll3A_104 dim 1 : vector<512x64xf32>, i32 -> vector<512x64xf32>
    %select_n3A_106 = arith.select %eq3A_46, %roll3A_103, %roll3A_105 : vector<512x64xi1>, vector<512x64xf32>
    %mul3A_107 = arith.mulf %slice3A_101, %get3A_28 : vector<512x64xf32>
    %mul3A_108 = arith.mulf %select_n3A_106, %get3A_25 : vector<512x64xf32>
    %add3A_109 = arith.addf %mul3A_107, %mul3A_108 : vector<512x64xf32>
    %mul3A_110 = arith.constant 1.250000e-01 : f32
    %mul3A_111 = vector.broadcast %mul3A_110 : f32 to vector<512x64xf32>
    %mul3A_112 = arith.mulf %add3A_109, %mul3A_111 : vector<512x64xf32>
    %convert_element_type3A_113 = arith.truncf %mul3A_112 : vector<512x64xf32> to vector<512x64xbf16>
    %swap3A_114 = arith.constant 3 : index
    %swap3A_115 = arith.constant 0 : index
    %swap3A_116 = arith.constant 0 : index
    %swap3A_117 = vector.load %arg7[%swap3A_114, %swap3A_115, %swap3A_116] : memref<16x512x64xbf16, #tpu.memory_space<vmem>>, vector<1x512x64xbf16>
    %swap3A_118 = vector.shape_cast %swap3A_117 : vector<1x512x64xbf16> to vector<512x64xbf16>
    %swap3A_119 = vector.shape_cast %convert_element_type3A_113 : vector<512x64xbf16> to vector<1x512x64xbf16>
    tpu.vector_store %arg7[%swap3A_114, %swap3A_115, %swap3A_116], %swap3A_119 {strides = array<i32>} : memref<16x512x64xbf16, #tpu.memory_space<vmem>>, vector<1x512x64xbf16>,
    %slice3A_120 = vector.extract_strided_slice %add3A_22 {offsets = [0, 256], sizes = [512, 64], strides = [1, 1]} : vector<512x2048xf32> to vector<512x64xf32>
    %roll3A_121 = arith.constant 63 : i32
    %roll3A_122 = tpu.dynamic_rotate %slice3A_120 by %roll3A_121 dim 1 : vector<512x64xf32>, i32 -> vector<512x64xf32>
    %roll3A_123 = arith.constant 1 : i32
    %roll3A_124 = tpu.dynamic_rotate %slice3A_120 by %roll3A_123 dim 1 : vector<512x64xf32>, i32 -> vector<512x64xf32>
    %select_n3A_125 = arith.select %eq3A_46, %roll3A_122, %roll3A_124 : vector<512x64xi1>, vector<512x64xf32>
    %mul3A_126 = arith.mulf %slice3A_120, %get3A_28 : vector<512x64xf32>
    %mul3A_127 = arith.mulf %select_n3A_125, %get3A_25 : vector<512x64xf32>
    %add3A_128 = arith.addf %mul3A_126, %mul3A_127 : vector<512x64xf32>
    %mul3A_129 = arith.constant 1.250000e-01 : f32
    %mul3A_130 = vector.broadcast %mul3A_129 : f32 to vector<512x64xf32>
    %mul3A_131 = arith.mulf %add3A_128, %mul3A_130 : vector<512x64xf32>
    %convert_element_type3A_132 = arith.truncf %mul3A_131 : vector<512x64xf32> to vector<512x64xbf16>
    %swap3A_133 = arith.constant 4 : index
    %swap3A_134 = arith.constant 0 : index
    %swap3A_135 = arith.constant 0 : index
    %swap3A_136 = vector.load %arg7[%swap3A_133, %swap3A_134, %swap3A_135] : memref<16x512x64xbf16, #tpu.memory_space<vmem>>, vector<1x512x64xbf16>
    %swap3A_137 = vector.shape_cast %swap3A_136 : vector<1x512x64xbf16> to vector<512x64xbf16>
    %swap3A_138 = vector.shape_cast %convert_element_type3A_132 : vector<512x64xbf16> to vector<1x512x64xbf16>
    tpu.vector_store %arg7[%swap3A_133, %swap3A_134, %swap3A_135], %swap3A_138 {strides = array<i32>} : memref<16x512x64xbf16, #tpu.memory_space<vmem>>, vector<1x512x64xbf16>,
    %slice3A_139 = vector.extract_strided_slice %add3A_22 {offsets = [0, 320], sizes = [512, 64], strides = [1, 1]} : vector<512x2048xf32> to vector<512x64xf32>
    %roll3A_140 = arith.constant 63 : i32
    %roll3A_141 = tpu.dynamic_rotate %slice3A_139 by %roll3A_140 dim 1 : vector<512x64xf32>, i32 -> vector<512x64xf32>
    %roll3A_142 = arith.constant 1 : i32
    %roll3A_143 = tpu.dynamic_rotate %slice3A_139 by %roll3A_142 dim 1 : vector<512x64xf32>, i32 -> vector<512x64xf32>
    %select_n3A_144 = arith.select %eq3A_46, %roll3A_141, %roll3A_143 : vector<512x64xi1>, vector<512x64xf32>
    %mul3A_145 = arith.mulf %slice3A_139, %get3A_28 : vector<512x64xf32>
    %mul3A_146 = arith.mulf %select_n3A_144, %get3A_25 : vector<512x64xf32>
    %add3A_147 = arith.addf %mul3A_145, %mul3A_146 : vector<512x64xf32>
    %mul3A_148 = arith.constant 1.250000e-01 : f32
    %mul3A_149 = vector.broadcast %mul3A_148 : f32 to vector<512x64xf32>
    %mul3A_150 = arith.mulf %add3A_147, %mul3A_149 : vector<512x64xf32>
    %convert_element_type3A_151 = arith.truncf %mul3A_150 : vector<512x64xf32> to vector<512x64xbf16>
    %swap3A_152 = arith.constant 5 : index
    %swap3A_153 = arith.constant 0 : index
    %swap3A_154 = arith.constant 0 : index
    %swap3A_155 = vector.load %arg7[%swap3A_152, %swap3A_153, %swap3A_154] : memref<16x512x64xbf16, #tpu.memory_space<vmem>>, vector<1x512x64xbf16>
    %swap3A_156 = vector.shape_cast %swap3A_155 : vector<1x512x64xbf16> to vector<512x64xbf16>
    %swap3A_157 = vector.shape_cast %convert_element_type3A_151 : vector<512x64xbf16> to vector<1x512x64xbf16>
    tpu.vector_store %arg7[%swap3A_152, %swap3A_153, %swap3A_154], %swap3A_157 {strides = array<i32>} : memref<16x512x64xbf16, #tpu.memory_space<vmem>>, vector<1x512x64xbf16>,
    %slice3A_158 = vector.extract_strided_slice %add3A_22 {offsets = [0, 384], sizes = [512, 64], strides = [1, 1]} : vector<512x2048xf32> to vector<512x64xf32>
    %roll3A_159 = arith.constant 63 : i32
    %roll3A_160 = tpu.dynamic_rotate %slice3A_158 by %roll3A_159 dim 1 : vector<512x64xf32>, i32 -> vector<512x64xf32>
    %roll3A_161 = arith.constant 1 : i32
    %roll3A_162 = tpu.dynamic_rotate %slice3A_158 by %roll3A_161 dim 1 : vector<512x64xf32>, i32 -> vector<512x64xf32>
    %select_n3A_163 = arith.select %eq3A_46, %roll3A_160, %roll3A_162 : vector<512x64xi1>, vector<512x64xf32>
    %mul3A_164 = arith.mulf %slice3A_158, %get3A_28 : vector<512x64xf32>
    %mul3A_165 = arith.mulf %select_n3A_163, %get3A_25 : vector<512x64xf32>
    %add3A_166 = arith.addf %mul3A_164, %mul3A_165 : vector<512x64xf32>
    %mul3A_167 = arith.constant 1.250000e-01 : f32
    %mul3A_168 = vector.broadcast %mul3A_167 : f32 to vector<512x64xf32>
    %mul3A_169 = arith.mulf %add3A_166, %mul3A_168 : vector<512x64xf32>
    %convert_element_type3A_170 = arith.truncf %mul3A_169 : vector<512x64xf32> to vector<512x64xbf16>
    %swap3A_171 = arith.constant 6 : index
    %swap3A_172 = arith.constant 0 : index
    %swap3A_173 = arith.constant 0 : index
    %swap3A_174 = vector.load %arg7[%swap3A_171, %swap3A_172, %swap3A_173] : memref<16x512x64xbf16, #tpu.memory_space<vmem>>, vector<1x512x64xbf16>
    %swap3A_175 = vector.shape_cast %swap3A_174 : vector<1x512x64xbf16> to vector<512x64xbf16>
    %swap3A_176 = vector.shape_cast %convert_element_type3A_170 : vector<512x64xbf16> to vector<1x512x64xbf16>
    tpu.vector_store %arg7[%swap3A_171, %swap3A_172, %swap3A_173], %swap3A_176 {strides = array<i32>} : memref<16x512x64xbf16, #tpu.memory_space<vmem>>, vector<1x512x64xbf16>,
    %slice3A_177 = vector.extract_strided_slice %add3A_22 {offsets = [0, 448], sizes = [512, 64], strides = [1, 1]} : vector<512x2048xf32> to vector<512x64xf32>
    %roll3A_178 = arith.constant 63 : i32
    %roll3A_179 = tpu.dynamic_rotate %slice3A_177 by %roll3A_178 dim 1 : vector<512x64xf32>, i32 -> vector<512x64xf32>
    %roll3A_180 = arith.constant 1 : i32
    %roll3A_181 = tpu.dynamic_rotate %slice3A_177 by %roll3A_180 dim 1 : vector<512x64xf32>, i32 -> vector<512x64xf32>
    %select_n3A_182 = arith.select %eq3A_46, %roll3A_179, %roll3A_181 : vector<512x64xi1>, vector<512x64xf32>
    %mul3A_183 = arith.mulf %slice3A_177, %get3A_28 : vector<512x64xf32>
    %mul3A_184 = arith.mulf %select_n3A_182, %get3A_25 : vector<512x64xf32>
    %add3A_185 = arith.addf %mul3A_183, %mul3A_184 : vector<512x64xf32>
    %mul3A_186 = arith.constant 1.250000e-01 : f32
    %mul3A_187 = vector.broadcast %mul3A_186 : f32 to vector<512x64xf32>
    %mul3A_188 = arith.mulf %add3A_185, %mul3A_187 : vector<512x64xf32>
    %convert_element_type3A_189 = arith.truncf %mul3A_188 : vector<512x64xf32> to vector<512x64xbf16>
    %swap3A_190 = arith.constant 7 : index
    %swap3A_191 = arith.constant 0 : index
    %swap3A_192 = arith.constant 0 : index
    %swap3A_193 = vector.load %arg7[%swap3A_190, %swap3A_191, %swap3A_192] : memref<16x512x64xbf16, #tpu.memory_space<vmem>>, vector<1x512x64xbf16>
    %swap3A_194 = vector.shape_cast %swap3A_193 : vector<1x512x64xbf16> to vector<512x64xbf16>
    %swap3A_195 = vector.shape_cast %convert_element_type3A_189 : vector<512x64xbf16> to vector<1x512x64xbf16>
    tpu.vector_store %arg7[%swap3A_190, %swap3A_191, %swap3A_192], %swap3A_195 {strides = array<i32>} : memref<16x512x64xbf16, #tpu.memory_space<vmem>>, vector<1x512x64xbf16>,
    %slice3A_196 = vector.extract_strided_slice %add3A_22 {offsets = [0, 512], sizes = [512, 64], strides = [1, 1]} : vector<512x2048xf32> to vector<512x64xf32>
    %roll3A_197 = arith.constant 63 : i32
    %roll3A_198 = tpu.dynamic_rotate %slice3A_196 by %roll3A_197 dim 1 : vector<512x64xf32>, i32 -> vector<512x64xf32>
    %roll3A_199 = arith.constant 1 : i32
    %roll3A_200 = tpu.dynamic_rotate %slice3A_196 by %roll3A_199 dim 1 : vector<512x64xf32>, i32 -> vector<512x64xf32>
    %select_n3A_201 = arith.select %eq3A_46, %roll3A_198, %roll3A_200 : vector<512x64xi1>, vector<512x64xf32>
    %mul3A_202 = arith.mulf %slice3A_196, %get3A_28 : vector<512x64xf32>
    %mul3A_203 = arith.mulf %select_n3A_201, %get3A_25 : vector<512x64xf32>
    %add3A_204 = arith.addf %mul3A_202, %mul3A_203 : vector<512x64xf32>
    %mul3A_205 = arith.constant 1.250000e-01 : f32
    %mul3A_206 = vector.broadcast %mul3A_205 : f32 to vector<512x64xf32>
    %mul3A_207 = arith.mulf %add3A_204, %mul3A_206 : vector<512x64xf32>
    %convert_element_type3A_208 = arith.truncf %mul3A_207 : vector<512x64xf32> to vector<512x64xbf16>
    %swap3A_209 = arith.constant 8 : index
    %swap3A_210 = arith.constant 0 : index
    %swap3A_211 = arith.constant 0 : index
    %swap3A_212 = vector.load %arg7[%swap3A_209, %swap3A_210, %swap3A_211] : memref<16x512x64xbf16, #tpu.memory_space<vmem>>, vector<1x512x64xbf16>
    %swap3A_213 = vector.shape_cast %swap3A_212 : vector<1x512x64xbf16> to vector<512x64xbf16>
    %swap3A_214 = vector.shape_cast %convert_element_type3A_208 : vector<512x64xbf16> to vector<1x512x64xbf16>
    tpu.vector_store %arg7[%swap3A_209, %swap3A_210, %swap3A_211], %swap3A_214 {strides = array<i32>} : memref<16x512x64xbf16, #tpu.memory_space<vmem>>, vector<1x512x64xbf16>,
    %slice3A_215 = vector.extract_strided_slice %add3A_22 {offsets = [0, 576], sizes = [512, 64], strides = [1, 1]} : vector<512x2048xf32> to vector<512x64xf32>
    %roll3A_216 = arith.constant 63 : i32
    %roll3A_217 = tpu.dynamic_rotate %slice3A_215 by %roll3A_216 dim 1 : vector<512x64xf32>, i32 -> vector<512x64xf32>
    %roll3A_218 = arith.constant 1 : i32
    %roll3A_219 = tpu.dynamic_rotate %slice3A_215 by %roll3A_218 dim 1 : vector<512x64xf32>, i32 -> vector<512x64xf32>
    %select_n3A_220 = arith.select %eq3A_46, %roll3A_217, %roll3A_219 : vector<512x64xi1>, vector<512x64xf32>
    %mul3A_221 = arith.mulf %slice3A_215, %get3A_28 : vector<512x64xf32>
    %mul3A_222 = arith.mulf %select_n3A_220, %get3A_25 : vector<512x64xf32>
    %add3A_223 = arith.addf %mul3A_221, %mul3A_222 : vector<512x64xf32>
    %mul3A_224 = arith.constant 1.250000e-01 : f32
    %mul3A_225 = vector.broadcast %mul3A_224 : f32 to vector<512x64xf32>
    %mul3A_226 = arith.mulf %add3A_223, %mul3A_225 : vector<512x64xf32>
    %convert_element_type3A_227 = arith.truncf %mul3A_226 : vector<512x64xf32> to vector<512x64xbf16>
    %swap3A_228 = arith.constant 9 : index
    %swap3A_229 = arith.constant 0 : index
    %swap3A_230 = arith.constant 0 : index
    %swap3A_231 = vector.load %arg7[%swap3A_228, %swap3A_229, %swap3A_230] : memref<16x512x64xbf16, #tpu.memory_space<vmem>>, vector<1x512x64xbf16>
    %swap3A_232 = vector.shape_cast %swap3A_231 : vector<1x512x64xbf16> to vector<512x64xbf16>
    %swap3A_233 = vector.shape_cast %convert_element_type3A_227 : vector<512x64xbf16> to vector<1x512x64xbf16>
    tpu.vector_store %arg7[%swap3A_228, %swap3A_229, %swap3A_230], %swap3A_233 {strides = array<i32>} : memref<16x512x64xbf16, #tpu.memory_space<vmem>>, vector<1x512x64xbf16>,
    %slice3A_234 = vector.extract_strided_slice %add3A_22 {offsets = [0, 640], sizes = [512, 64], strides = [1, 1]} : vector<512x2048xf32> to vector<512x64xf32>
    %roll3A_235 = arith.constant 63 : i32
    %roll3A_236 = tpu.dynamic_rotate %slice3A_234 by %roll3A_235 dim 1 : vector<512x64xf32>, i32 -> vector<512x64xf32>
    %roll3A_237 = arith.constant 1 : i32
    %roll3A_238 = tpu.dynamic_rotate %slice3A_234 by %roll3A_237 dim 1 : vector<512x64xf32>, i32 -> vector<512x64xf32>
    %select_n3A_239 = arith.select %eq3A_46, %roll3A_236, %roll3A_238 : vector<512x64xi1>, vector<512x64xf32>
    %mul3A_240 = arith.mulf %slice3A_234, %get3A_28 : vector<512x64xf32>
    %mul3A_241 = arith.mulf %select_n3A_239, %get3A_25 : vector<512x64xf32>
    %add3A_242 = arith.addf %mul3A_240, %mul3A_241 : vector<512x64xf32>
    %mul3A_243 = arith.constant 1.250000e-01 : f32
    %mul3A_244 = vector.broadcast %mul3A_243 : f32 to vector<512x64xf32>
    %mul3A_245 = arith.mulf %add3A_242, %mul3A_244 : vector<512x64xf32>
    %convert_element_type3A_246 = arith.truncf %mul3A_245 : vector<512x64xf32> to vector<512x64xbf16>
    %swap3A_247 = arith.constant 10 : index
    %swap3A_248 = arith.constant 0 : index
    %swap3A_249 = arith.constant 0 : index
    %swap3A_250 = vector.load %arg7[%swap3A_247, %swap3A_248, %swap3A_249] : memref<16x512x64xbf16, #tpu.memory_space<vmem>>, vector<1x512x64xbf16>
    %swap3A_251 = vector.shape_cast %swap3A_250 : vector<1x512x64xbf16> to vector<512x64xbf16>
    %swap3A_252 = vector.shape_cast %convert_element_type3A_246 : vector<512x64xbf16> to vector<1x512x64xbf16>
    tpu.vector_store %arg7[%swap3A_247, %swap3A_248, %swap3A_249], %swap3A_252 {strides = array<i32>} : memref<16x512x64xbf16, #tpu.memory_space<vmem>>, vector<1x512x64xbf16>,
    %slice3A_253 = vector.extract_strided_slice %add3A_22 {offsets = [0, 704], sizes = [512, 64], strides = [1, 1]} : vector<512x2048xf32> to vector<512x64xf32>
    %roll3A_254 = arith.constant 63 : i32
    %roll3A_255 = tpu.dynamic_rotate %slice3A_253 by %roll3A_254 dim 1 : vector<512x64xf32>, i32 -> vector<512x64xf32>
    %roll3A_256 = arith.constant 1 : i32
    %roll3A_257 = tpu.dynamic_rotate %slice3A_253 by %roll3A_256 dim 1 : vector<512x64xf32>, i32 -> vector<512x64xf32>
    %select_n3A_258 = arith.select %eq3A_46, %roll3A_255, %roll3A_257 : vector<512x64xi1>, vector<512x64xf32>
    %mul3A_259 = arith.mulf %slice3A_253, %get3A_28 : vector<512x64xf32>
    %mul3A_260 = arith.mulf %select_n3A_258, %get3A_25 : vector<512x64xf32>
    %add3A_261 = arith.addf %mul3A_259, %mul3A_260 : vector<512x64xf32>
    %mul3A_262 = arith.constant 1.250000e-01 : f32
    %mul3A_263 = vector.broadcast %mul3A_262 : f32 to vector<512x64xf32>
    %mul3A_264 = arith.mulf %add3A_261, %mul3A_263 : vector<512x64xf32>
    %convert_element_type3A_265 = arith.truncf %mul3A_264 : vector<512x64xf32> to vector<512x64xbf16>
    %swap3A_266 = arith.constant 11 : index
    %swap3A_267 = arith.constant 0 : index
    %swap3A_268 = arith.constant 0 : index
    %swap3A_269 = vector.load %arg7[%swap3A_266, %swap3A_267, %swap3A_268] : memref<16x512x64xbf16, #tpu.memory_space<vmem>>, vector<1x512x64xbf16>
    %swap3A_270 = vector.shape_cast %swap3A_269 : vector<1x512x64xbf16> to vector<512x64xbf16>
    %swap3A_271 = vector.shape_cast %convert_element_type3A_265 : vector<512x64xbf16> to vector<1x512x64xbf16>
    tpu.vector_store %arg7[%swap3A_266, %swap3A_267, %swap3A_268], %swap3A_271 {strides = array<i32>} : memref<16x512x64xbf16, #tpu.memory_space<vmem>>, vector<1x512x64xbf16>,
    %slice3A_272 = vector.extract_strided_slice %add3A_22 {offsets = [0, 768], sizes = [512, 64], strides = [1, 1]} : vector<512x2048xf32> to vector<512x64xf32>
    %roll3A_273 = arith.constant 63 : i32
    %roll3A_274 = tpu.dynamic_rotate %slice3A_272 by %roll3A_273 dim 1 : vector<512x64xf32>, i32 -> vector<512x64xf32>
    %roll3A_275 = arith.constant 1 : i32
    %roll3A_276 = tpu.dynamic_rotate %slice3A_272 by %roll3A_275 dim 1 : vector<512x64xf32>, i32 -> vector<512x64xf32>
    %select_n3A_277 = arith.select %eq3A_46, %roll3A_274, %roll3A_276 : vector<512x64xi1>, vector<512x64xf32>
    %mul3A_278 = arith.mulf %slice3A_272, %get3A_28 : vector<512x64xf32>
    %mul3A_279 = arith.mulf %select_n3A_277, %get3A_25 : vector<512x64xf32>
    %add3A_280 = arith.addf %mul3A_278, %mul3A_279 : vector<512x64xf32>
    %mul3A_281 = arith.constant 1.250000e-01 : f32
    %mul3A_282 = vector.broadcast %mul3A_281 : f32 to vector<512x64xf32>
    %mul3A_283 = arith.mulf %add3A_280, %mul3A_282 : vector<512x64xf32>
    %convert_element_type3A_284 = arith.truncf %mul3A_283 : vector<512x64xf32> to vector<512x64xbf16>
    %swap3A_285 = arith.constant 12 : index
    %swap3A_286 = arith.constant 0 : index
    %swap3A_287 = arith.constant 0 : index
    %swap3A_288 = vector.load %arg7[%swap3A_285, %swap3A_286, %swap3A_287] : memref<16x512x64xbf16, #tpu.memory_space<vmem>>, vector<1x512x64xbf16>
    %swap3A_289 = vector.shape_cast %swap3A_288 : vector<1x512x64xbf16> to vector<512x64xbf16>
    %swap3A_290 = vector.shape_cast %convert_element_type3A_284 : vector<512x64xbf16> to vector<1x512x64xbf16>
    tpu.vector_store %arg7[%swap3A_285, %swap3A_286, %swap3A_287], %swap3A_290 {strides = array<i32>} : memref<16x512x64xbf16, #tpu.memory_space<vmem>>, vector<1x512x64xbf16>,
    %slice3A_291 = vector.extract_strided_slice %add3A_22 {offsets = [0, 832], sizes = [512, 64], strides = [1, 1]} : vector<512x2048xf32> to vector<512x64xf32>
    %roll3A_292 = arith.constant 63 : i32
    %roll3A_293 = tpu.dynamic_rotate %slice3A_291 by %roll3A_292 dim 1 : vector<512x64xf32>, i32 -> vector<512x64xf32>
    %roll3A_294 = arith.constant 1 : i32
    %roll3A_295 = tpu.dynamic_rotate %slice3A_291 by %roll3A_294 dim 1 : vector<512x64xf32>, i32 -> vector<512x64xf32>
    %select_n3A_296 = arith.select %eq3A_46, %roll3A_293, %roll3A_295 : vector<512x64xi1>, vector<512x64xf32>
    %mul3A_297 = arith.mulf %slice3A_291, %get3A_28 : vector<512x64xf32>
    %mul3A_298 = arith.mulf %select_n3A_296, %get3A_25 : vector<512x64xf32>
    %add3A_299 = arith.addf %mul3A_297, %mul3A_298 : vector<512x64xf32>
    %mul3A_300 = arith.constant 1.250000e-01 : f32
    %mul3A_301 = vector.broadcast %mul3A_300 : f32 to vector<512x64xf32>
    %mul3A_302 = arith.mulf %add3A_299, %mul3A_301 : vector<512x64xf32>
    %convert_element_type3A_303 = arith.truncf %mul3A_302 : vector<512x64xf32> to vector<512x64xbf16>
    %swap3A_304 = arith.constant 13 : index
    %swap3A_305 = arith.constant 0 : index
    %swap3A_306 = arith.constant 0 : index
    %swap3A_307 = vector.load %arg7[%swap3A_304, %swap3A_305, %swap3A_306] : memref<16x512x64xbf16, #tpu.memory_space<vmem>>, vector<1x512x64xbf16>
    %swap3A_308 = vector.shape_cast %swap3A_307 : vector<1x512x64xbf16> to vector<512x64xbf16>
    %swap3A_309 = vector.shape_cast %convert_element_type3A_303 : vector<512x64xbf16> to vector<1x512x64xbf16>
    tpu.vector_store %arg7[%swap3A_304, %swap3A_305, %swap3A_306], %swap3A_309 {strides = array<i32>} : memref<16x512x64xbf16, #tpu.memory_space<vmem>>, vector<1x512x64xbf16>,
    %slice3A_310 = vector.extract_strided_slice %add3A_22 {offsets = [0, 896], sizes = [512, 64], strides = [1, 1]} : vector<512x2048xf32> to vector<512x64xf32>
    %roll3A_311 = arith.constant 63 : i32
    %roll3A_312 = tpu.dynamic_rotate %slice3A_310 by %roll3A_311 dim 1 : vector<512x64xf32>, i32 -> vector<512x64xf32>
    %roll3A_313 = arith.constant 1 : i32
    %roll3A_314 = tpu.dynamic_rotate %slice3A_310 by %roll3A_313 dim 1 : vector<512x64xf32>, i32 -> vector<512x64xf32>
    %select_n3A_315 = arith.select %eq3A_46, %roll3A_312, %roll3A_314 : vector<512x64xi1>, vector<512x64xf32>
    %mul3A_316 = arith.mulf %slice3A_310, %get3A_28 : vector<512x64xf32>
    %mul3A_317 = arith.mulf %select_n3A_315, %get3A_25 : vector<512x64xf32>
    %add3A_318 = arith.addf %mul3A_316, %mul3A_317 : vector<512x64xf32>
    %mul3A_319 = arith.constant 1.250000e-01 : f32
    %mul3A_320 = vector.broadcast %mul3A_319 : f32 to vector<512x64xf32>
    %mul3A_321 = arith.mulf %add3A_318, %mul3A_320 : vector<512x64xf32>
    %convert_element_type3A_322 = arith.truncf %mul3A_321 : vector<512x64xf32> to vector<512x64xbf16>
    %swap3A_323 = arith.constant 14 : index
    %swap3A_324 = arith.constant 0 : index
    %swap3A_325 = arith.constant 0 : index
    %swap3A_326 = vector.load %arg7[%swap3A_323, %swap3A_324, %swap3A_325] : memref<16x512x64xbf16, #tpu.memory_space<vmem>>, vector<1x512x64xbf16>
    %swap3A_327 = vector.shape_cast %swap3A_326 : vector<1x512x64xbf16> to vector<512x64xbf16>
    %swap3A_328 = vector.shape_cast %convert_element_type3A_322 : vector<512x64xbf16> to vector<1x512x64xbf16>
    tpu.vector_store %arg7[%swap3A_323, %swap3A_324, %swap3A_325], %swap3A_328 {strides = array<i32>} : memref<16x512x64xbf16, #tpu.memory_space<vmem>>, vector<1x512x64xbf16>,
    %slice3A_329 = vector.extract_strided_slice %add3A_22 {offsets = [0, 960], sizes = [512, 64], strides = [1, 1]} : vector<512x2048xf32> to vector<512x64xf32>
    %roll3A_330 = arith.constant 63 : i32
    %roll3A_331 = tpu.dynamic_rotate %slice3A_329 by %roll3A_330 dim 1 : vector<512x64xf32>, i32 -> vector<512x64xf32>
    %roll3A_332 = arith.constant 1 : i32
    %roll3A_333 = tpu.dynamic_rotate %slice3A_329 by %roll3A_332 dim 1 : vector<512x64xf32>, i32 -> vector<512x64xf32>
    %select_n3A_334 = arith.select %eq3A_46, %roll3A_331, %roll3A_333 : vector<512x64xi1>, vector<512x64xf32>
    %mul3A_335 = arith.mulf %slice3A_329, %get3A_28 : vector<512x64xf32>
    %mul3A_336 = arith.mulf %select_n3A_334, %get3A_25 : vector<512x64xf32>
    %add3A_337 = arith.addf %mul3A_335, %mul3A_336 : vector<512x64xf32>
    %mul3A_338 = arith.constant 1.250000e-01 : f32
    %mul3A_339 = vector.broadcast %mul3A_338 : f32 to vector<512x64xf32>
    %mul3A_340 = arith.mulf %add3A_337, %mul3A_339 : vector<512x64xf32>
    %convert_element_type3A_341 = arith.truncf %mul3A_340 : vector<512x64xf32> to vector<512x64xbf16>
    %swap3A_342 = arith.constant 15 : index
    %swap3A_343 = arith.constant 0 : index
    %swap3A_344 = arith.constant 0 : index
    %swap3A_345 = vector.load %arg7[%swap3A_342, %swap3A_343, %swap3A_344] : memref<16x512x64xbf16, #tpu.memory_space<vmem>>, vector<1x512x64xbf16>
    %swap3A_346 = vector.shape_cast %swap3A_345 : vector<1x512x64xbf16> to vector<512x64xbf16>
    %swap3A_347 = vector.shape_cast %convert_element_type3A_341 : vector<512x64xbf16> to vector<1x512x64xbf16>
    tpu.vector_store %arg7[%swap3A_342, %swap3A_343, %swap3A_344], %swap3A_347 {strides = array<i32>} : memref<16x512x64xbf16, #tpu.memory_space<vmem>>, vector<1x512x64xbf16>,
    %broadcast_in_dim3A_348 = arith.constant 1.000000e+00 : f32
    %broadcast_in_dim3A_349 = vector.broadcast %broadcast_in_dim3A_348 : f32 to vector<512x1xf32>
    %broadcast_in_dim3A_350 = arith.constant 0.000000e+00 : f32
    %broadcast_in_dim3A_351 = vector.broadcast %broadcast_in_dim3A_350 : f32 to vector<512x63xf32>
    %slice3A_352 = vector.extract_strided_slice %add3A_22 {offsets = [0, 1024], sizes = [512, 64], strides = [1, 1]} : vector<512x2048xf32> to vector<512x64xf32>
    %roll3A_353 = arith.constant 63 : i32
    %roll3A_354 = tpu.dynamic_rotate %slice3A_352 by %roll3A_353 dim 1 : vector<512x64xf32>, i32 -> vector<512x64xf32>
    %roll3A_355 = arith.constant 1 : i32
    %roll3A_356 = tpu.dynamic_rotate %slice3A_352 by %roll3A_355 dim 1 : vector<512x64xf32>, i32 -> vector<512x64xf32>
    %select_n3A_357 = arith.select %eq3A_46, %roll3A_354, %roll3A_356 : vector<512x64xi1>, vector<512x64xf32>
    %mul3A_358 = arith.mulf %slice3A_352, %get3A_28 : vector<512x64xf32>
    %mul3A_359 = arith.mulf %select_n3A_357, %get3A_25 : vector<512x64xf32>
    %add3A_360 = arith.addf %mul3A_358, %mul3A_359 : vector<512x64xf32>
    %convert_element_type3A_361 = arith.truncf %add3A_360 : vector<512x64xf32> to vector<512x64xbf16>
    %swap3A_362 = arith.constant 0 : index
    %swap3A_363 = arith.constant 0 : index
    %swap3A_364 = arith.constant 0 : index
    %swap3A_365 = vector.load %arg8[%swap3A_362, %swap3A_363, %swap3A_364] : memref<8x512x64xbf16, #tpu.memory_space<vmem>>, vector<1x512x64xbf16>
    %swap3A_366 = vector.shape_cast %swap3A_365 : vector<1x512x64xbf16> to vector<512x64xbf16>
    %swap3A_367 = vector.shape_cast %convert_element_type3A_361 : vector<512x64xbf16> to vector<1x512x64xbf16>
    tpu.vector_store %arg8[%swap3A_362, %swap3A_363, %swap3A_364], %swap3A_367 {strides = array<i32>} : memref<8x512x64xbf16, #tpu.memory_space<vmem>>, vector<1x512x64xbf16>,
    %slice3A_368 = vector.extract_strided_slice %add3A_22 {offsets = [0, 1536], sizes = [512, 64], strides = [1, 1]} : vector<512x2048xf32> to vector<512x64xf32>
    %concatenate3A = tpu.concatenate %slice3A_368, %broadcast_in_dim3A_349, %broadcast_in_dim3A_351 in 1 : vector<512x64xf32>, vector<512x1xf32>, vector<512x63xf32> -> vector<512x128xf32>
    %convert_element_type3A_369 = arith.truncf %concatenate3A : vector<512x128xf32> to vector<512x128xbf16>
    %swap3A_370 = arith.constant 0 : index
    %swap3A_371 = arith.constant 0 : index
    %swap3A_372 = arith.constant 0 : index
    %swap3A_373 = vector.load %arg9[%swap3A_370, %swap3A_371, %swap3A_372] : memref<8x512x128xbf16, #tpu.memory_space<vmem>>, vector<1x512x128xbf16>
    %swap3A_374 = vector.shape_cast %swap3A_373 : vector<1x512x128xbf16> to vector<512x128xbf16>
    %swap3A_375 = vector.shape_cast %convert_element_type3A_369 : vector<512x128xbf16> to vector<1x512x128xbf16>
    tpu.vector_store %arg9[%swap3A_370, %swap3A_371, %swap3A_372], %swap3A_375 {strides = array<i32>} : memref<8x512x128xbf16, #tpu.memory_space<vmem>>, vector<1x512x128xbf16>,
    %slice3A_376 = vector.extract_strided_slice %add3A_22 {offsets = [0, 1088], sizes = [512, 64], strides = [1, 1]} : vector<512x2048xf32> to vector<512x64xf32>
    %roll3A_377 = arith.constant 63 : i32
    %roll3A_378 = tpu.dynamic_rotate %slice3A_376 by %roll3A_377 dim 1 : vector<512x64xf32>, i32 -> vector<512x64xf32>
    %roll3A_379 = arith.constant 1 : i32
    %roll3A_380 = tpu.dynamic_rotate %slice3A_376 by %roll3A_379 dim 1 : vector<512x64xf32>, i32 -> vector<512x64xf32>
    %select_n3A_381 = arith.select %eq3A_46, %roll3A_378, %roll3A_380 : vector<512x64xi1>, vector<512x64xf32>
    %mul3A_382 = arith.mulf %slice3A_376, %get3A_28 : vector<512x64xf32>
    %mul3A_383 = arith.mulf %select_n3A_381, %get3A_25 : vector<512x64xf32>
    %add3A_384 = arith.addf %mul3A_382, %mul3A_383 : vector<512x64xf32>
    %convert_element_type3A_385 = arith.truncf %add3A_384 : vector<512x64xf32> to vector<512x64xbf16>
    %swap3A_386 = arith.constant 1 : index
    %swap3A_387 = arith.constant 0 : index
    %swap3A_388 = arith.constant 0 : index
    %swap3A_389 = vector.load %arg8[%swap3A_386, %swap3A_387, %swap3A_388] : memref<8x512x64xbf16, #tpu.memory_space<vmem>>, vector<1x512x64xbf16>
    %swap3A_390 = vector.shape_cast %swap3A_389 : vector<1x512x64xbf16> to vector<512x64xbf16>
    %swap3A_391 = vector.shape_cast %convert_element_type3A_385 : vector<512x64xbf16> to vector<1x512x64xbf16>
    tpu.vector_store %arg8[%swap3A_386, %swap3A_387, %swap3A_388], %swap3A_391 {strides = array<i32>} : memref<8x512x64xbf16, #tpu.memory_space<vmem>>, vector<1x512x64xbf16>,
    %slice3A_392 = vector.extract_strided_slice %add3A_22 {offsets = [0, 1600], sizes = [512, 64], strides = [1, 1]} : vector<512x2048xf32> to vector<512x64xf32>
    %concatenate3A_393 = tpu.concatenate %slice3A_392, %broadcast_in_dim3A_349, %broadcast_in_dim3A_351 in 1 : vector<512x64xf32>, vector<512x1xf32>, vector<512x63xf32> -> vector<512x128xf32>
    %convert_element_type3A_394 = arith.truncf %concatenate3A_393 : vector<512x128xf32> to vector<512x128xbf16>
    %swap3A_395 = arith.constant 1 : index
    %swap3A_396 = arith.constant 0 : index
    %swap3A_397 = arith.constant 0 : index
    %swap3A_398 = vector.load %arg9[%swap3A_395, %swap3A_396, %swap3A_397] : memref<8x512x128xbf16, #tpu.memory_space<vmem>>, vector<1x512x128xbf16>
    %swap3A_399 = vector.shape_cast %swap3A_398 : vector<1x512x128xbf16> to vector<512x128xbf16>
    %swap3A_400 = vector.shape_cast %convert_element_type3A_394 : vector<512x128xbf16> to vector<1x512x128xbf16>
    tpu.vector_store %arg9[%swap3A_395, %swap3A_396, %swap3A_397], %swap3A_400 {strides = array<i32>} : memref<8x512x128xbf16, #tpu.memory_space<vmem>>, vector<1x512x128xbf16>,
    %slice3A_401 = vector.extract_strided_slice %add3A_22 {offsets = [0, 1152], sizes = [512, 64], strides = [1, 1]} : vector<512x2048xf32> to vector<512x64xf32>
    %roll3A_402 = arith.constant 63 : i32
    %roll3A_403 = tpu.dynamic_rotate %slice3A_401 by %roll3A_402 dim 1 : vector<512x64xf32>, i32 -> vector<512x64xf32>
    %roll3A_404 = arith.constant 1 : i32
    %roll3A_405 = tpu.dynamic_rotate %slice3A_401 by %roll3A_404 dim 1 : vector<512x64xf32>, i32 -> vector<512x64xf32>
    %select_n3A_406 = arith.select %eq3A_46, %roll3A_403, %roll3A_405 : vector<512x64xi1>, vector<512x64xf32>
    %mul3A_407 = arith.mulf %slice3A_401, %get3A_28 : vector<512x64xf32>
    %mul3A_408 = arith.mulf %select_n3A_406, %get3A_25 : vector<512x64xf32>
    %add3A_409 = arith.addf %mul3A_407, %mul3A_408 : vector<512x64xf32>
    %convert_element_type3A_410 = arith.truncf %add3A_409 : vector<512x64xf32> to vector<512x64xbf16>
    %swap3A_411 = arith.constant 2 : index
    %swap3A_412 = arith.constant 0 : index
    %swap3A_413 = arith.constant 0 : index
    %swap3A_414 = vector.load %arg8[%swap3A_411, %swap3A_412, %swap3A_413] : memref<8x512x64xbf16, #tpu.memory_space<vmem>>, vector<1x512x64xbf16>
    %swap3A_415 = vector.shape_cast %swap3A_414 : vector<1x512x64xbf16> to vector<512x64xbf16>
    %swap3A_416 = vector.shape_cast %convert_element_type3A_410 : vector<512x64xbf16> to vector<1x512x64xbf16>
    tpu.vector_store %arg8[%swap3A_411, %swap3A_412, %swap3A_413], %swap3A_416 {strides = array<i32>} : memref<8x512x64xbf16, #tpu.memory_space<vmem>>, vector<1x512x64xbf16>,
    %slice3A_417 = vector.extract_strided_slice %add3A_22 {offsets = [0, 1664], sizes = [512, 64], strides = [1, 1]} : vector<512x2048xf32> to vector<512x64xf32>
    %concatenate3A_418 = tpu.concatenate %slice3A_417, %broadcast_in_dim3A_349, %broadcast_in_dim3A_351 in 1 : vector<512x64xf32>, vector<512x1xf32>, vector<512x63xf32> -> vector<512x128xf32>
    %convert_element_type3A_419 = arith.truncf %concatenate3A_418 : vector<512x128xf32> to vector<512x128xbf16>
    %swap3A_420 = arith.constant 2 : index
    %swap3A_421 = arith.constant 0 : index
    %swap3A_422 = arith.constant 0 : index
    %swap3A_423 = vector.load %arg9[%swap3A_420, %swap3A_421, %swap3A_422] : memref<8x512x128xbf16, #tpu.memory_space<vmem>>, vector<1x512x128xbf16>
    %swap3A_424 = vector.shape_cast %swap3A_423 : vector<1x512x128xbf16> to vector<512x128xbf16>
    %swap3A_425 = vector.shape_cast %convert_element_type3A_419 : vector<512x128xbf16> to vector<1x512x128xbf16>
    tpu.vector_store %arg9[%swap3A_420, %swap3A_421, %swap3A_422], %swap3A_425 {strides = array<i32>} : memref<8x512x128xbf16, #tpu.memory_space<vmem>>, vector<1x512x128xbf16>,
    %slice3A_426 = vector.extract_strided_slice %add3A_22 {offsets = [0, 1216], sizes = [512, 64], strides = [1, 1]} : vector<512x2048xf32> to vector<512x64xf32>
    %roll3A_427 = arith.constant 63 : i32
    %roll3A_428 = tpu.dynamic_rotate %slice3A_426 by %roll3A_427 dim 1 : vector<512x64xf32>, i32 -> vector<512x64xf32>
    %roll3A_429 = arith.constant 1 : i32
    %roll3A_430 = tpu.dynamic_rotate %slice3A_426 by %roll3A_429 dim 1 : vector<512x64xf32>, i32 -> vector<512x64xf32>
    %select_n3A_431 = arith.select %eq3A_46, %roll3A_428, %roll3A_430 : vector<512x64xi1>, vector<512x64xf32>
    %mul3A_432 = arith.mulf %slice3A_426, %get3A_28 : vector<512x64xf32>
    %mul3A_433 = arith.mulf %select_n3A_431, %get3A_25 : vector<512x64xf32>
    %add3A_434 = arith.addf %mul3A_432, %mul3A_433 : vector<512x64xf32>
    %convert_element_type3A_435 = arith.truncf %add3A_434 : vector<512x64xf32> to vector<512x64xbf16>
    %swap3A_436 = arith.constant 3 : index
    %swap3A_437 = arith.constant 0 : index
    %swap3A_438 = arith.constant 0 : index
    %swap3A_439 = vector.load %arg8[%swap3A_436, %swap3A_437, %swap3A_438] : memref<8x512x64xbf16, #tpu.memory_space<vmem>>, vector<1x512x64xbf16>
    %swap3A_440 = vector.shape_cast %swap3A_439 : vector<1x512x64xbf16> to vector<512x64xbf16>
    %swap3A_441 = vector.shape_cast %convert_element_type3A_435 : vector<512x64xbf16> to vector<1x512x64xbf16>
    tpu.vector_store %arg8[%swap3A_436, %swap3A_437, %swap3A_438], %swap3A_441 {strides = array<i32>} : memref<8x512x64xbf16, #tpu.memory_space<vmem>>, vector<1x512x64xbf16>,
    %slice3A_442 = vector.extract_strided_slice %add3A_22 {offsets = [0, 1728], sizes = [512, 64], strides = [1, 1]} : vector<512x2048xf32> to vector<512x64xf32>
    %concatenate3A_443 = tpu.concatenate %slice3A_442, %broadcast_in_dim3A_349, %broadcast_in_dim3A_351 in 1 : vector<512x64xf32>, vector<512x1xf32>, vector<512x63xf32> -> vector<512x128xf32>
    %convert_element_type3A_444 = arith.truncf %concatenate3A_443 : vector<512x128xf32> to vector<512x128xbf16>
    %swap3A_445 = arith.constant 3 : index
    %swap3A_446 = arith.constant 0 : index
    %swap3A_447 = arith.constant 0 : index
    %swap3A_448 = vector.load %arg9[%swap3A_445, %swap3A_446, %swap3A_447] : memref<8x512x128xbf16, #tpu.memory_space<vmem>>, vector<1x512x128xbf16>
    %swap3A_449 = vector.shape_cast %swap3A_448 : vector<1x512x128xbf16> to vector<512x128xbf16>
    %swap3A_450 = vector.shape_cast %convert_element_type3A_444 : vector<512x128xbf16> to vector<1x512x128xbf16>
    tpu.vector_store %arg9[%swap3A_445, %swap3A_446, %swap3A_447], %swap3A_450 {strides = array<i32>} : memref<8x512x128xbf16, #tpu.memory_space<vmem>>, vector<1x512x128xbf16>,
    %slice3A_451 = vector.extract_strided_slice %add3A_22 {offsets = [0, 1280], sizes = [512, 64], strides = [1, 1]} : vector<512x2048xf32> to vector<512x64xf32>
    %roll3A_452 = arith.constant 63 : i32
    %roll3A_453 = tpu.dynamic_rotate %slice3A_451 by %roll3A_452 dim 1 : vector<512x64xf32>, i32 -> vector<512x64xf32>
    %roll3A_454 = arith.constant 1 : i32
    %roll3A_455 = tpu.dynamic_rotate %slice3A_451 by %roll3A_454 dim 1 : vector<512x64xf32>, i32 -> vector<512x64xf32>
    %select_n3A_456 = arith.select %eq3A_46, %roll3A_453, %roll3A_455 : vector<512x64xi1>, vector<512x64xf32>
    %mul3A_457 = arith.mulf %slice3A_451, %get3A_28 : vector<512x64xf32>
    %mul3A_458 = arith.mulf %select_n3A_456, %get3A_25 : vector<512x64xf32>
    %add3A_459 = arith.addf %mul3A_457, %mul3A_458 : vector<512x64xf32>
    %convert_element_type3A_460 = arith.truncf %add3A_459 : vector<512x64xf32> to vector<512x64xbf16>
    %swap3A_461 = arith.constant 4 : index
    %swap3A_462 = arith.constant 0 : index
    %swap3A_463 = arith.constant 0 : index
    %swap3A_464 = vector.load %arg8[%swap3A_461, %swap3A_462, %swap3A_463] : memref<8x512x64xbf16, #tpu.memory_space<vmem>>, vector<1x512x64xbf16>
    %swap3A_465 = vector.shape_cast %swap3A_464 : vector<1x512x64xbf16> to vector<512x64xbf16>
    %swap3A_466 = vector.shape_cast %convert_element_type3A_460 : vector<512x64xbf16> to vector<1x512x64xbf16>
    tpu.vector_store %arg8[%swap3A_461, %swap3A_462, %swap3A_463], %swap3A_466 {strides = array<i32>} : memref<8x512x64xbf16, #tpu.memory_space<vmem>>, vector<1x512x64xbf16>,
    %slice3A_467 = vector.extract_strided_slice %add3A_22 {offsets = [0, 1792], sizes = [512, 64], strides = [1, 1]} : vector<512x2048xf32> to vector<512x64xf32>
    %concatenate3A_468 = tpu.concatenate %slice3A_467, %broadcast_in_dim3A_349, %broadcast_in_dim3A_351 in 1 : vector<512x64xf32>, vector<512x1xf32>, vector<512x63xf32> -> vector<512x128xf32>
    %convert_element_type3A_469 = arith.truncf %concatenate3A_468 : vector<512x128xf32> to vector<512x128xbf16>
    %swap3A_470 = arith.constant 4 : index
    %swap3A_471 = arith.constant 0 : index
    %swap3A_472 = arith.constant 0 : index
    %swap3A_473 = vector.load %arg9[%swap3A_470, %swap3A_471, %swap3A_472] : memref<8x512x128xbf16, #tpu.memory_space<vmem>>, vector<1x512x128xbf16>
    %swap3A_474 = vector.shape_cast %swap3A_473 : vector<1x512x128xbf16> to vector<512x128xbf16>
    %swap3A_475 = vector.shape_cast %convert_element_type3A_469 : vector<512x128xbf16> to vector<1x512x128xbf16>
    tpu.vector_store %arg9[%swap3A_470, %swap3A_471, %swap3A_472], %swap3A_475 {strides = array<i32>} : memref<8x512x128xbf16, #tpu.memory_space<vmem>>, vector<1x512x128xbf16>,
    %slice3A_476 = vector.extract_strided_slice %add3A_22 {offsets = [0, 1344], sizes = [512, 64], strides = [1, 1]} : vector<512x2048xf32> to vector<512x64xf32>
    %roll3A_477 = arith.constant 63 : i32
    %roll3A_478 = tpu.dynamic_rotate %slice3A_476 by %roll3A_477 dim 1 : vector<512x64xf32>, i32 -> vector<512x64xf32>
    %roll3A_479 = arith.constant 1 : i32
    %roll3A_480 = tpu.dynamic_rotate %slice3A_476 by %roll3A_479 dim 1 : vector<512x64xf32>, i32 -> vector<512x64xf32>
    %select_n3A_481 = arith.select %eq3A_46, %roll3A_478, %roll3A_480 : vector<512x64xi1>, vector<512x64xf32>
    %mul3A_482 = arith.mulf %slice3A_476, %get3A_28 : vector<512x64xf32>
    %mul3A_483 = arith.mulf %select_n3A_481, %get3A_25 : vector<512x64xf32>
    %add3A_484 = arith.addf %mul3A_482, %mul3A_483 : vector<512x64xf32>
    %convert_element_type3A_485 = arith.truncf %add3A_484 : vector<512x64xf32> to vector<512x64xbf16>
    %swap3A_486 = arith.constant 5 : index
    %swap3A_487 = arith.constant 0 : index
    %swap3A_488 = arith.constant 0 : index
    %swap3A_489 = vector.load %arg8[%swap3A_486, %swap3A_487, %swap3A_488] : memref<8x512x64xbf16, #tpu.memory_space<vmem>>, vector<1x512x64xbf16>
    %swap3A_490 = vector.shape_cast %swap3A_489 : vector<1x512x64xbf16> to vector<512x64xbf16>
    %swap3A_491 = vector.shape_cast %convert_element_type3A_485 : vector<512x64xbf16> to vector<1x512x64xbf16>
    tpu.vector_store %arg8[%swap3A_486, %swap3A_487, %swap3A_488], %swap3A_491 {strides = array<i32>} : memref<8x512x64xbf16, #tpu.memory_space<vmem>>, vector<1x512x64xbf16>,
    %slice3A_492 = vector.extract_strided_slice %add3A_22 {offsets = [0, 1856], sizes = [512, 64], strides = [1, 1]} : vector<512x2048xf32> to vector<512x64xf32>
    %concatenate3A_493 = tpu.concatenate %slice3A_492, %broadcast_in_dim3A_349, %broadcast_in_dim3A_351 in 1 : vector<512x64xf32>, vector<512x1xf32>, vector<512x63xf32> -> vector<512x128xf32>
    %convert_element_type3A_494 = arith.truncf %concatenate3A_493 : vector<512x128xf32> to vector<512x128xbf16>
    %swap3A_495 = arith.constant 5 : index
    %swap3A_496 = arith.constant 0 : index
    %swap3A_497 = arith.constant 0 : index
    %swap3A_498 = vector.load %arg9[%swap3A_495, %swap3A_496, %swap3A_497] : memref<8x512x128xbf16, #tpu.memory_space<vmem>>, vector<1x512x128xbf16>
    %swap3A_499 = vector.shape_cast %swap3A_498 : vector<1x512x128xbf16> to vector<512x128xbf16>
    %swap3A_500 = vector.shape_cast %convert_element_type3A_494 : vector<512x128xbf16> to vector<1x512x128xbf16>
    tpu.vector_store %arg9[%swap3A_495, %swap3A_496, %swap3A_497], %swap3A_500 {strides = array<i32>} : memref<8x512x128xbf16, #tpu.memory_space<vmem>>, vector<1x512x128xbf16>,
    %slice3A_501 = vector.extract_strided_slice %add3A_22 {offsets = [0, 1408], sizes = [512, 64], strides = [1, 1]} : vector<512x2048xf32> to vector<512x64xf32>
    %roll3A_502 = arith.constant 63 : i32
    %roll3A_503 = tpu.dynamic_rotate %slice3A_501 by %roll3A_502 dim 1 : vector<512x64xf32>, i32 -> vector<512x64xf32>
    %roll3A_504 = arith.constant 1 : i32
    %roll3A_505 = tpu.dynamic_rotate %slice3A_501 by %roll3A_504 dim 1 : vector<512x64xf32>, i32 -> vector<512x64xf32>
    %select_n3A_506 = arith.select %eq3A_46, %roll3A_503, %roll3A_505 : vector<512x64xi1>, vector<512x64xf32>
    %mul3A_507 = arith.mulf %slice3A_501, %get3A_28 : vector<512x64xf32>
    %mul3A_508 = arith.mulf %select_n3A_506, %get3A_25 : vector<512x64xf32>
    %add3A_509 = arith.addf %mul3A_507, %mul3A_508 : vector<512x64xf32>
    %convert_element_type3A_510 = arith.truncf %add3A_509 : vector<512x64xf32> to vector<512x64xbf16>
    %swap3A_511 = arith.constant 6 : index
    %swap3A_512 = arith.constant 0 : index
    %swap3A_513 = arith.constant 0 : index
    %swap3A_514 = vector.load %arg8[%swap3A_511, %swap3A_512, %swap3A_513] : memref<8x512x64xbf16, #tpu.memory_space<vmem>>, vector<1x512x64xbf16>
    %swap3A_515 = vector.shape_cast %swap3A_514 : vector<1x512x64xbf16> to vector<512x64xbf16>
    %swap3A_516 = vector.shape_cast %convert_element_type3A_510 : vector<512x64xbf16> to vector<1x512x64xbf16>
    tpu.vector_store %arg8[%swap3A_511, %swap3A_512, %swap3A_513], %swap3A_516 {strides = array<i32>} : memref<8x512x64xbf16, #tpu.memory_space<vmem>>, vector<1x512x64xbf16>,
    %slice3A_517 = vector.extract_strided_slice %add3A_22 {offsets = [0, 1920], sizes = [512, 64], strides = [1, 1]} : vector<512x2048xf32> to vector<512x64xf32>
    %concatenate3A_518 = tpu.concatenate %slice3A_517, %broadcast_in_dim3A_349, %broadcast_in_dim3A_351 in 1 : vector<512x64xf32>, vector<512x1xf32>, vector<512x63xf32> -> vector<512x128xf32>
    %convert_element_type3A_519 = arith.truncf %concatenate3A_518 : vector<512x128xf32> to vector<512x128xbf16>
    %swap3A_520 = arith.constant 6 : index
    %swap3A_521 = arith.constant 0 : index
    %swap3A_522 = arith.constant 0 : index
    %swap3A_523 = vector.load %arg9[%swap3A_520, %swap3A_521, %swap3A_522] : memref<8x512x128xbf16, #tpu.memory_space<vmem>>, vector<1x512x128xbf16>
    %swap3A_524 = vector.shape_cast %swap3A_523 : vector<1x512x128xbf16> to vector<512x128xbf16>
    %swap3A_525 = vector.shape_cast %convert_element_type3A_519 : vector<512x128xbf16> to vector<1x512x128xbf16>
    tpu.vector_store %arg9[%swap3A_520, %swap3A_521, %swap3A_522], %swap3A_525 {strides = array<i32>} : memref<8x512x128xbf16, #tpu.memory_space<vmem>>, vector<1x512x128xbf16>,
    %slice3A_526 = vector.extract_strided_slice %add3A_22 {offsets = [0, 1472], sizes = [512, 64], strides = [1, 1]} : vector<512x2048xf32> to vector<512x64xf32>
    %roll3A_527 = arith.constant 63 : i32
    %roll3A_528 = tpu.dynamic_rotate %slice3A_526 by %roll3A_527 dim 1 : vector<512x64xf32>, i32 -> vector<512x64xf32>
    %roll3A_529 = arith.constant 1 : i32
    %roll3A_530 = tpu.dynamic_rotate %slice3A_526 by %roll3A_529 dim 1 : vector<512x64xf32>, i32 -> vector<512x64xf32>
    %select_n3A_531 = arith.select %eq3A_46, %roll3A_528, %roll3A_530 : vector<512x64xi1>, vector<512x64xf32>
    %mul3A_532 = arith.mulf %slice3A_526, %get3A_28 : vector<512x64xf32>
    %mul3A_533 = arith.mulf %select_n3A_531, %get3A_25 : vector<512x64xf32>
    %add3A_534 = arith.addf %mul3A_532, %mul3A_533 : vector<512x64xf32>
    %convert_element_type3A_535 = arith.truncf %add3A_534 : vector<512x64xf32> to vector<512x64xbf16>
    %swap3A_536 = arith.constant 7 : index
    %swap3A_537 = arith.constant 0 : index
    %swap3A_538 = arith.constant 0 : index
    %swap3A_539 = vector.load %arg8[%swap3A_536, %swap3A_537, %swap3A_538] : memref<8x512x64xbf16, #tpu.memory_space<vmem>>, vector<1x512x64xbf16>
    %swap3A_540 = vector.shape_cast %swap3A_539 : vector<1x512x64xbf16> to vector<512x64xbf16>
    %swap3A_541 = vector.shape_cast %convert_element_type3A_535 : vector<512x64xbf16> to vector<1x512x64xbf16>
    tpu.vector_store %arg8[%swap3A_536, %swap3A_537, %swap3A_538], %swap3A_541 {strides = array<i32>} : memref<8x512x64xbf16, #tpu.memory_space<vmem>>, vector<1x512x64xbf16>,
    %slice3A_542 = vector.extract_strided_slice %add3A_22 {offsets = [0, 1984], sizes = [512, 64], strides = [1, 1]} : vector<512x2048xf32> to vector<512x64xf32>
    %concatenate3A_543 = tpu.concatenate %slice3A_542, %broadcast_in_dim3A_349, %broadcast_in_dim3A_351 in 1 : vector<512x64xf32>, vector<512x1xf32>, vector<512x63xf32> -> vector<512x128xf32>
    %convert_element_type3A_544 = arith.truncf %concatenate3A_543 : vector<512x128xf32> to vector<512x128xbf16>
    %swap3A_545 = arith.constant 7 : index
    %swap3A_546 = arith.constant 0 : index
    %swap3A_547 = arith.constant 0 : index
    %swap3A_548 = vector.load %arg9[%swap3A_545, %swap3A_546, %swap3A_547] : memref<8x512x128xbf16, #tpu.memory_space<vmem>>, vector<1x512x128xbf16>
    %swap3A_549 = vector.shape_cast %swap3A_548 : vector<1x512x128xbf16> to vector<512x128xbf16>
    %swap3A_550 = vector.shape_cast %convert_element_type3A_544 : vector<512x128xbf16> to vector<1x512x128xbf16>
    tpu.vector_store %arg9[%swap3A_545, %swap3A_546, %swap3A_547], %swap3A_550 {strides = array<i32>} : memref<8x512x128xbf16, #tpu.memory_space<vmem>>, vector<1x512x128xbf16>,
    return
  }
  func.func @transform_0(%arg0: i32) -> (i32, i32) {
    %c0_i32 = arith.constant 0 : i32
    %c0_i32_0 = arith.constant 0 : i32
    return %arg0, %c0_i32 : i32, i32
  }
  func.func @transform_1(%arg0: i32) -> (i32, i32) {
    %c0_i32 = arith.constant 0 : i32
    %c0_i32_0 = arith.constant 0 : i32
    %c0_i32_1 = arith.constant 0 : i32
    return %c0_i32, %c0_i32_0 : i32, i32
  }
  func.func @transform_2(%arg0: i32) -> (i32, i32) {
    %c0_i32 = arith.constant 0 : i32
    %c0_i32_0 = arith.constant 0 : i32
    %c0_i32_1 = arith.constant 0 : i32
    return %c0_i32, %c0_i32_0 : i32, i32
  }
  func.func @transform_3(%arg0: i32) -> (i32, i32) {
    %c0_i32 = arith.constant 0 : i32
    %c0_i32_0 = arith.constant 0 : i32
    %c0_i32_1 = arith.constant 0 : i32
    return %c0_i32, %c0_i32_0 : i32, i32
  }
  func.func @transform_4(%arg0: i32) -> (i32, i32) {
    %c0_i32 = arith.constant 0 : i32
    %c0_i32_0 = arith.constant 0 : i32
    return %arg0, %c0_i32 : i32, i32
  }
  func.func @transform_5(%arg0: i32) -> (i32, i32) {
    %c0_i32 = arith.constant 0 : i32
    %c0_i32_0 = arith.constant 0 : i32
    return %arg0, %c0_i32 : i32, i32
  }
  func.func @transform_6(%arg0: i32) -> (i32, i32, i32) {
    %c0_i32 = arith.constant 0 : i32
    %c0_i32_0 = arith.constant 0 : i32
    %c0_i32_1 = arith.constant 0 : i32
    return %c0_i32, %arg0, %c0_i32_0 : i32, i32, i32
  }
  func.func @transform_7(%arg0: i32) -> (i32, i32, i32) {
    %c0_i32 = arith.constant 0 : i32
    %c0_i32_0 = arith.constant 0 : i32
    %c0_i32_1 = arith.constant 0 : i32
    return %c0_i32, %arg0, %c0_i32_0 : i32, i32, i32
  }
  func.func @transform_8(%arg0: i32) -> (i32, i32, i32) {
    %c0_i32 = arith.constant 0 : i32
    %c0_i32_0 = arith.constant 0 : i32
    %c0_i32_1 = arith.constant 0 : i32
    return %c0_i32, %arg0, %c0_i32_0 : i32, i32, i32
  }
}

module attributes {stable_mosaic.version = 14 : i64} {
  func.func @_attn_body(%arg0: i32, %arg1: i32, %arg2: memref<1x512x64xbf16, #tpu.memory_space<vmem>>, %arg3: memref<1x2048x64xbf16, #tpu.memory_space<vmem>>, %arg4: memref<1x2048x128xbf16, #tpu.memory_space<vmem>>, %arg5: memref<1x1x1xf32, #tpu.memory_space<vmem>>, %arg6: memref<512x1024xf32, #tpu.memory_space<vmem>>, %arg7: memref<64x1024xbf16, #tpu.memory_space<vmem>>, %arg8: memref<1x1024xf32, #tpu.memory_space<vmem>>, %arg9: memref<512x1024xf32, #tpu.memory_space<vmem>>, %arg10: memref<512x128xf32, #tpu.memory_space<vmem>>) attributes {dimension_semantics = [#tpu.dimension_semantics<arbitrary>, #tpu.dimension_semantics<arbitrary>], iteration_bounds = array<i64: 4, 16>, scalar_prefetch = 0 : i64, scratch_operands = 1 : i64, tpu.core_type = #tpu.core_type<tc>, window_params = [{transform_indices = @transform_0, window_bounds = array<i64: 1, 512, 64>}, {transform_indices = @transform_1, window_bounds = array<i64: 1, 2048, 64>}, {transform_indices = @transform_2, window_bounds = array<i64: 1, 2048, 128>}, {transform_indices = @transform_3, window_bounds = array<i64: 1, 1, 1>}, {transform_indices = @transform_4, window_bounds = array<i64: 512, 1024>}, {transform_indices = @transform_5, window_bounds = array<i64: 64, 1024>}, {pipeline_mode = #tpu.pipeline_mode<synchronous>, transform_indices = @transform_6, window_bounds = array<i64: 1, 1024>}, {transform_indices = @transform_7, window_bounds = array<i64: 512, 1024>}]} {
    %get3A = arith.constant 0 : index
    %get3A_0 = arith.constant 0 : index
    %get3A_1 = arith.constant 0 : index
    %get3A_2 = vector.load %arg2[%get3A, %get3A_0, %get3A_1] : memref<1x512x64xbf16, #tpu.memory_space<vmem>>, vector<1x512x64xbf16>
    %get3A_3 = vector.shape_cast %get3A_2 : vector<1x512x64xbf16> to vector<512x64xbf16>
    %get3A_4 = arith.constant 0 : index
    %get3A_5 = arith.constant 0 : index
    %get3A_6 = arith.constant 0 : index
    %get3A_7 = vector.load %arg5[%get3A_4, %get3A_5, %get3A_6] : memref<1x1x1xf32, #tpu.memory_space<vmem>>, vector<1x1x1xf32>
    %get3A_8 = vector.extract %get3A_7[0, 0, 0] : f32 from vector<1x1x1xf32>
    %broadcast_in_dim3A = arith.constant 0.000000e+00 : f32
    %broadcast_in_dim3A_9 = vector.broadcast %broadcast_in_dim3A : f32 to vector<512x128xf32>
    %swap3A = arith.constant 0 : index
    %swap3A_10 = arith.constant 0 : index
    %swap3A_11 = vector.load %arg10[%swap3A, %swap3A_10] : memref<512x128xf32, #tpu.memory_space<vmem>>, vector<512x128xf32>
    tpu.vector_store %arg10[%swap3A, %swap3A_10], %broadcast_in_dim3A_9 {strides = array<i32>} : memref<512x128xf32, #tpu.memory_space<vmem>>, vector<512x128xf32>,
    %broadcast_in_dim3A_12 = arith.constant 0xFF800000 : f32
    %broadcast_in_dim3A_13 = vector.broadcast %broadcast_in_dim3A_12 : f32 to vector<512x1xf32>
    %while3A = arith.constant 0 : i32
    %while3A_14 = arith.subi %arg0, %while3A : i32
    %while3A_15 = arith.addi %while3A, %while3A_14 : i32
    %while3A_16 = arith.constant 1 : i32
    %while3A_17 = arith.divsi %while3A_14, %while3A_16 : i32
    %while3A_18 = arith.muli %while3A_17, %while3A_16 : i32
    %while3A_19 = arith.addi %while3A, %while3A_18 : i32
    %while3A_20 = arith.constant 1 : i32
    %while3A_21 = scf.for %while3A_86 = %while3A to %while3A_19 step %while3A_20 iter_args(%while3A_87 = %broadcast_in_dim3A_13) -> (vector<512x1xf32>)  : i32 {
      %mul3A_88 = arith.constant 512 : i32
      %mul3A_89 = arith.muli %while3A_86, %mul3A_88 : i32
      %get3A_90 = arith.constant 0 : index
      %get3A_91 = arith.index_cast %mul3A_89 : i32 to index
      %get3A_92 = arith.constant 0 : index
      %get3A_93 = vector.load %arg3[%get3A_90, %get3A_91, %get3A_92] : memref<1x2048x64xbf16, #tpu.memory_space<vmem>>, vector<1x512x64xbf16>
      %get3A_94 = vector.shape_cast %get3A_93 : vector<1x512x64xbf16> to vector<512x64xbf16>
      %mul3A_95 = arith.constant 512 : i32
      %mul3A_96 = arith.muli %while3A_86, %mul3A_95 : i32
      %get3A_97 = arith.constant 0 : index
      %get3A_98 = arith.index_cast %mul3A_96 : i32 to index
      %get3A_99 = arith.constant 0 : index
      %get3A_100 = vector.load %arg4[%get3A_97, %get3A_98, %get3A_99] : memref<1x2048x128xbf16, #tpu.memory_space<vmem>>, vector<1x512x128xbf16>
      %get3A_101 = vector.shape_cast %get3A_100 : vector<1x512x128xbf16> to vector<512x128xbf16>
      %dot_general3A_102 = arith.constant dense<0.000000e+00> : vector<512x512xf32>
      %dot_general3A_103 = tpu.matmul %get3A_3, %get3A_94, %dot_general3A_102 {dimension_numbers = #tpu.dot_dimension_numbers<[1], [1], [0], [0], [0, 0, 1, 0], [], []>, transpose_lhs_hint = false} : vector<512x64xbf16>, vector<512x64xbf16>, vector<512x512xf32> -> vector<512x512xf32>
      %reduce_max3A_104 = arith.constant dense<0xFF800000> : vector<512xf32>
      %reduce_max3A_105 = vector.multi_reduction <maximumf>, %dot_general3A_103, %reduce_max3A_104 [1] : vector<512x512xf32> to vector<512xf32>
      %broadcast_in_dim3A_106 = vector.shape_cast %reduce_max3A_105 : vector<512xf32> to vector<512x1xf32>
      %max3A_107 = arith.maximumf %while3A_87, %broadcast_in_dim3A_106 : vector<512x1xf32>
      %sub3A_108 = vector.broadcast %max3A_107 : vector<512x1xf32> to vector<512x512xf32>
      %sub3A_109 = arith.subf %dot_general3A_103, %sub3A_108 : vector<512x512xf32>
      %convert_element_type3A_110 = arith.truncf %sub3A_109 : vector<512x512xf32> to vector<512x512xbf16>
      %exp3A_111 = math.exp %convert_element_type3A_110 : vector<512x512xbf16>
      %dot_general3A_112 = arith.constant dense<0.000000e+00> : vector<512x128xf32>
      %dot_general3A_113 = tpu.matmul %exp3A_111, %get3A_101, %dot_general3A_112 {dimension_numbers = #tpu.dot_dimension_numbers<[1], [0], [0], [1], [0, 0, 1, 1], [], []>, transpose_lhs_hint = false} : vector<512x512xbf16>, vector<512x128xbf16>, vector<512x128xf32> -> vector<512x128xf32>
      %get3A_114 = arith.constant 0 : index
      %get3A_115 = arith.constant 0 : index
      %get3A_116 = vector.load %arg10[%get3A_114, %get3A_115] : memref<512x128xf32, #tpu.memory_space<vmem>>, vector<512x128xf32>
      %sub3A_117 = arith.subf %while3A_87, %max3A_107 : vector<512x1xf32>
      %exp3A_118 = math.exp %sub3A_117 : vector<512x1xf32>
      %mul3A_119 = vector.broadcast %exp3A_118 : vector<512x1xf32> to vector<512x128xf32>
      %mul3A_120 = arith.mulf %get3A_116, %mul3A_119 : vector<512x128xf32>
      %add3A_121 = arith.addf %mul3A_120, %dot_general3A_113 : vector<512x128xf32>
      %swap3A_122 = arith.constant 0 : index
      %swap3A_123 = arith.constant 0 : index
      %swap3A_124 = vector.load %arg10[%swap3A_122, %swap3A_123] : memref<512x128xf32, #tpu.memory_space<vmem>>, vector<512x128xf32>
      tpu.vector_store %arg10[%swap3A_122, %swap3A_123], %add3A_121 {strides = array<i32>} : memref<512x128xf32, #tpu.memory_space<vmem>>, vector<512x128xf32>,
      scf.yield %max3A_107 : vector<512x1xf32>
    }
    %while3A_22 = arith.constant 1 : i32
    %while3A_23 = scf.for %while3A_86 = %while3A_19 to %while3A_15 step %while3A_22 iter_args(%while3A_87 = %while3A_21) -> (vector<512x1xf32>)  : i32 {
      %mul3A_88 = arith.constant 512 : i32
      %mul3A_89 = arith.muli %while3A_86, %mul3A_88 : i32
      %get3A_90 = arith.constant 0 : index
      %get3A_91 = arith.index_cast %mul3A_89 : i32 to index
      %get3A_92 = arith.constant 0 : index
      %get3A_93 = vector.load %arg3[%get3A_90, %get3A_91, %get3A_92] : memref<1x2048x64xbf16, #tpu.memory_space<vmem>>, vector<1x512x64xbf16>
      %get3A_94 = vector.shape_cast %get3A_93 : vector<1x512x64xbf16> to vector<512x64xbf16>
      %mul3A_95 = arith.constant 512 : i32
      %mul3A_96 = arith.muli %while3A_86, %mul3A_95 : i32
      %get3A_97 = arith.constant 0 : index
      %get3A_98 = arith.index_cast %mul3A_96 : i32 to index
      %get3A_99 = arith.constant 0 : index
      %get3A_100 = vector.load %arg4[%get3A_97, %get3A_98, %get3A_99] : memref<1x2048x128xbf16, #tpu.memory_space<vmem>>, vector<1x512x128xbf16>
      %get3A_101 = vector.shape_cast %get3A_100 : vector<1x512x128xbf16> to vector<512x128xbf16>
      %dot_general3A_102 = arith.constant dense<0.000000e+00> : vector<512x512xf32>
      %dot_general3A_103 = tpu.matmul %get3A_3, %get3A_94, %dot_general3A_102 {dimension_numbers = #tpu.dot_dimension_numbers<[1], [1], [0], [0], [0, 0, 1, 0], [], []>, transpose_lhs_hint = false} : vector<512x64xbf16>, vector<512x64xbf16>, vector<512x512xf32> -> vector<512x512xf32>
      %reduce_max3A_104 = arith.constant dense<0xFF800000> : vector<512xf32>
      %reduce_max3A_105 = vector.multi_reduction <maximumf>, %dot_general3A_103, %reduce_max3A_104 [1] : vector<512x512xf32> to vector<512xf32>
      %broadcast_in_dim3A_106 = vector.shape_cast %reduce_max3A_105 : vector<512xf32> to vector<512x1xf32>
      %max3A_107 = arith.maximumf %while3A_87, %broadcast_in_dim3A_106 : vector<512x1xf32>
      %sub3A_108 = vector.broadcast %max3A_107 : vector<512x1xf32> to vector<512x512xf32>
      %sub3A_109 = arith.subf %dot_general3A_103, %sub3A_108 : vector<512x512xf32>
      %convert_element_type3A_110 = arith.truncf %sub3A_109 : vector<512x512xf32> to vector<512x512xbf16>
      %exp3A_111 = math.exp %convert_element_type3A_110 : vector<512x512xbf16>
      %dot_general3A_112 = arith.constant dense<0.000000e+00> : vector<512x128xf32>
      %dot_general3A_113 = tpu.matmul %exp3A_111, %get3A_101, %dot_general3A_112 {dimension_numbers = #tpu.dot_dimension_numbers<[1], [0], [0], [1], [0, 0, 1, 1], [], []>, transpose_lhs_hint = false} : vector<512x512xbf16>, vector<512x128xbf16>, vector<512x128xf32> -> vector<512x128xf32>
      %get3A_114 = arith.constant 0 : index
      %get3A_115 = arith.constant 0 : index
      %get3A_116 = vector.load %arg10[%get3A_114, %get3A_115] : memref<512x128xf32, #tpu.memory_space<vmem>>, vector<512x128xf32>
      %sub3A_117 = arith.subf %while3A_87, %max3A_107 : vector<512x1xf32>
      %exp3A_118 = math.exp %sub3A_117 : vector<512x1xf32>
      %mul3A_119 = vector.broadcast %exp3A_118 : vector<512x1xf32> to vector<512x128xf32>
      %mul3A_120 = arith.mulf %get3A_116, %mul3A_119 : vector<512x128xf32>
      %add3A_121 = arith.addf %mul3A_120, %dot_general3A_113 : vector<512x128xf32>
      %swap3A_122 = arith.constant 0 : index
      %swap3A_123 = arith.constant 0 : index
      %swap3A_124 = vector.load %arg10[%swap3A_122, %swap3A_123] : memref<512x128xf32, #tpu.memory_space<vmem>>, vector<512x128xf32>
      tpu.vector_store %arg10[%swap3A_122, %swap3A_123], %add3A_121 {strides = array<i32>} : memref<512x128xf32, #tpu.memory_space<vmem>>, vector<512x128xf32>,
      scf.yield %max3A_107 : vector<512x1xf32>
    }
    %mul3A = arith.constant 512 : i32
    %mul3A_24 = arith.muli %arg0, %mul3A : i32
    %get3A_25 = arith.constant 0 : index
    %get3A_26 = arith.index_cast %mul3A_24 : i32 to index
    %get3A_27 = arith.constant 0 : index
    %get3A_28 = vector.load %arg3[%get3A_25, %get3A_26, %get3A_27] : memref<1x2048x64xbf16, #tpu.memory_space<vmem>>, vector<1x512x64xbf16>
    %get3A_29 = vector.shape_cast %get3A_28 : vector<1x512x64xbf16> to vector<512x64xbf16>
    %mul3A_30 = arith.constant 512 : i32
    %mul3A_31 = arith.muli %arg0, %mul3A_30 : i32
    %get3A_32 = arith.constant 0 : index
    %get3A_33 = arith.index_cast %mul3A_31 : i32 to index
    %get3A_34 = arith.constant 0 : index
    %get3A_35 = vector.load %arg4[%get3A_32, %get3A_33, %get3A_34] : memref<1x2048x128xbf16, #tpu.memory_space<vmem>>, vector<1x512x128xbf16>
    %get3A_36 = vector.shape_cast %get3A_35 : vector<1x512x128xbf16> to vector<512x128xbf16>
    %dot_general3A = arith.constant dense<0.000000e+00> : vector<512x512xf32>
    %dot_general3A_37 = tpu.matmul %get3A_3, %get3A_29, %dot_general3A {dimension_numbers = #tpu.dot_dimension_numbers<[1], [1], [0], [0], [0, 0, 1, 0], [], []>, transpose_lhs_hint = false} : vector<512x64xbf16>, vector<512x64xbf16>, vector<512x512xf32> -> vector<512x512xf32>
    %iota3A = tpu.iota {dimensions = array<i32: 0>} : vector<512x512xi32>
    %iota3A_38 = tpu.iota {dimensions = array<i32: 1>} : vector<512x512xi32>
    %gt3A = arith.cmpi sgt, %iota3A_38, %iota3A : vector<512x512xi32>
    %jit3A = arith.constant 0xFF800000 : f32
    %broadcast_in_dim3A_39 = vector.broadcast %jit3A : f32 to vector<512x512xf32>
    %select_n3A = arith.select %gt3A, %broadcast_in_dim3A_39, %dot_general3A_37 : vector<512x512xi1>, vector<512x512xf32>
    %reduce_max3A = arith.constant dense<0xFF800000> : vector<512xf32>
    %reduce_max3A_40 = vector.multi_reduction <maximumf>, %select_n3A, %reduce_max3A [1] : vector<512x512xf32> to vector<512xf32>
    %broadcast_in_dim3A_41 = vector.shape_cast %reduce_max3A_40 : vector<512xf32> to vector<512x1xf32>
    %max3A = arith.maximumf %while3A_23, %broadcast_in_dim3A_41 : vector<512x1xf32>
    %sub3A = vector.broadcast %max3A : vector<512x1xf32> to vector<512x512xf32>
    %sub3A_42 = arith.subf %select_n3A, %sub3A : vector<512x512xf32>
    %convert_element_type3A = arith.truncf %sub3A_42 : vector<512x512xf32> to vector<512x512xbf16>
    %exp3A = math.exp %convert_element_type3A : vector<512x512xbf16>
    %dot_general3A_43 = arith.constant dense<0.000000e+00> : vector<512x128xf32>
    %dot_general3A_44 = tpu.matmul %exp3A, %get3A_36, %dot_general3A_43 {dimension_numbers = #tpu.dot_dimension_numbers<[1], [0], [0], [1], [0, 0, 1, 1], [], []>, transpose_lhs_hint = false} : vector<512x512xbf16>, vector<512x128xbf16>, vector<512x128xf32> -> vector<512x128xf32>
    %get3A_45 = arith.constant 0 : index
    %get3A_46 = arith.constant 0 : index
    %get3A_47 = vector.load %arg10[%get3A_45, %get3A_46] : memref<512x128xf32, #tpu.memory_space<vmem>>, vector<512x128xf32>
    %sub3A_48 = arith.subf %while3A_23, %max3A : vector<512x1xf32>
    %exp3A_49 = math.exp %sub3A_48 : vector<512x1xf32>
    %mul3A_50 = vector.broadcast %exp3A_49 : vector<512x1xf32> to vector<512x128xf32>
    %mul3A_51 = arith.mulf %get3A_47, %mul3A_50 : vector<512x128xf32>
    %add3A = arith.addf %mul3A_51, %dot_general3A_44 : vector<512x128xf32>
    %swap3A_52 = arith.constant 0 : index
    %swap3A_53 = arith.constant 0 : index
    %swap3A_54 = vector.load %arg10[%swap3A_52, %swap3A_53] : memref<512x128xf32, #tpu.memory_space<vmem>>, vector<512x128xf32>
    tpu.vector_store %arg10[%swap3A_52, %swap3A_53], %add3A {strides = array<i32>} : memref<512x128xf32, #tpu.memory_space<vmem>>, vector<512x128xf32>,
    %max3A_55 = vector.broadcast %get3A_8 : f32 to vector<512x1xf32>
    %max3A_56 = arith.maximumf %max3A, %max3A_55 : vector<512x1xf32>
    %get3A_57 = arith.constant 0 : index
    %get3A_58 = arith.constant 0 : index
    %get3A_59 = vector.load %arg10[%get3A_57, %get3A_58] : memref<512x128xf32, #tpu.memory_space<vmem>>, vector<512x128xf32>
    %slice3A = vector.extract_strided_slice %get3A_59 {offsets = [0, 64], sizes = [512, 1], strides = [1, 1]} : vector<512x128xf32> to vector<512x1xf32>
    %sub3A_60 = arith.subf %max3A, %max3A_56 : vector<512x1xf32>
    %exp3A_61 = math.exp %sub3A_60 : vector<512x1xf32>
    %mul3A_62 = arith.mulf %slice3A, %exp3A_61 : vector<512x1xf32>
    %sub3A_63 = vector.broadcast %get3A_8 : f32 to vector<512x1xf32>
    %sub3A_64 = arith.subf %sub3A_63, %max3A_56 : vector<512x1xf32>
    %exp3A_65 = math.exp %sub3A_64 : vector<512x1xf32>
    %add3A_66 = arith.addf %mul3A_62, %exp3A_65 : vector<512x1xf32>
    %slice3A_67 = vector.extract_strided_slice %get3A_59 {offsets = [0, 0], sizes = [512, 64], strides = [1, 1]} : vector<512x128xf32> to vector<512x64xf32>
    %sub3A_68 = arith.subf %max3A, %max3A_56 : vector<512x1xf32>
    %exp3A_69 = math.exp %sub3A_68 : vector<512x1xf32>
    %div3A = arith.divf %exp3A_69, %add3A_66 : vector<512x1xf32>
    %mul3A_70 = vector.broadcast %div3A : vector<512x1xf32> to vector<512x64xf32>
    %mul3A_71 = arith.mulf %slice3A_67, %mul3A_70 : vector<512x64xf32>
    %convert_element_type3A_72 = arith.truncf %mul3A_71 : vector<512x64xf32> to vector<512x64xbf16>
    %get3A_73 = arith.constant 0 : index
    %get3A_74 = arith.constant 0 : index
    %get3A_75 = vector.load %arg7[%get3A_73, %get3A_74] : memref<64x1024xbf16, #tpu.memory_space<vmem>>, vector<64x1024xbf16>
    %dot_general3A_76 = arith.constant dense<0.000000e+00> : vector<512x1024xf32>
    %dot_general3A_77 = tpu.matmul %convert_element_type3A_72, %get3A_75, %dot_general3A_76 {dimension_numbers = #tpu.dot_dimension_numbers<[1], [0], [0], [1], [0, 0, 1, 1], [], []>, transpose_lhs_hint = false} : vector<512x64xbf16>, vector<64x1024xbf16>, vector<512x1024xf32> -> vector<512x1024xf32>
    %eq3A = arith.constant 0 : i32
    %eq3A_78 = arith.cmpi eq, %arg1, %eq3A : i32
    %convert_element_type3A_79 = arith.extui %eq3A_78 : i1 to i32
    %cond3A = arith.constant 0 : i32
    %cond3A_80 = arith.cmpi ne, %convert_element_type3A_79, %cond3A : i32
    scf.if %cond3A_80 {
      %get3A_86 = arith.constant 0 : index
      %get3A_87 = arith.constant 0 : index
      %get3A_88 = vector.load %arg6[%get3A_86, %get3A_87] : memref<512x1024xf32, #tpu.memory_space<vmem>>, vector<512x1024xf32>
      %get3A_89 = arith.constant 0 : index
      %get3A_90 = arith.constant 0 : index
      %get3A_91 = vector.load %arg8[%get3A_89, %get3A_90] : memref<1x1024xf32, #tpu.memory_space<vmem>>, vector<1x1024xf32>
      %add3A_92 = vector.broadcast %get3A_91 : vector<1x1024xf32> to vector<512x1024xf32>
      %add3A_93 = arith.addf %get3A_88, %add3A_92 : vector<512x1024xf32>
      %add3A_94 = arith.addf %add3A_93, %dot_general3A_77 : vector<512x1024xf32>
      %swap3A_95 = arith.constant 0 : index
      %swap3A_96 = arith.constant 0 : index
      %swap3A_97 = vector.load %arg9[%swap3A_95, %swap3A_96] : memref<512x1024xf32, #tpu.memory_space<vmem>>, vector<512x1024xf32>
      tpu.vector_store %arg9[%swap3A_95, %swap3A_96], %add3A_94 {strides = array<i32>} : memref<512x1024xf32, #tpu.memory_space<vmem>>, vector<512x1024xf32>,
    } else {
    }
    %gt3A_81 = arith.constant 0 : i32
    %gt3A_82 = arith.cmpi sgt, %arg1, %gt3A_81 : i32
    %convert_element_type3A_83 = arith.extui %gt3A_82 : i1 to i32
    %cond3A_84 = arith.constant 0 : i32
    %cond3A_85 = arith.cmpi ne, %convert_element_type3A_83, %cond3A_84 : i32
    scf.if %cond3A_85 {
      %get3A_86 = arith.constant 0 : index
      %get3A_87 = arith.constant 0 : index
      %get3A_88 = vector.load %arg9[%get3A_86, %get3A_87] : memref<512x1024xf32, #tpu.memory_space<vmem>>, vector<512x1024xf32>
      %add3A_89 = arith.addf %get3A_88, %dot_general3A_77 : vector<512x1024xf32>
      %swap3A_90 = arith.constant 0 : index
      %swap3A_91 = arith.constant 0 : index
      %swap3A_92 = vector.load %arg9[%swap3A_90, %swap3A_91] : memref<512x1024xf32, #tpu.memory_space<vmem>>, vector<512x1024xf32>
      tpu.vector_store %arg9[%swap3A_90, %swap3A_91], %add3A_89 {strides = array<i32>} : memref<512x1024xf32, #tpu.memory_space<vmem>>, vector<512x1024xf32>,
    } else {
    }
    return
  }
  func.func @transform_0(%arg0: i32, %arg1: i32) -> (i32, i32, i32) {
    %c0_i32 = arith.constant 0 : i32
    %c0_i32_0 = arith.constant 0 : i32
    return %arg1, %arg0, %c0_i32 : i32, i32, i32
  }
  func.func @transform_1(%arg0: i32, %arg1: i32) -> (i32, i32, i32) {
    %jit3A = arith.constant 2 : i32
    %div3A = arith.divsi %arg1, %jit3A : i32
    %sign3A = arith.constant 0 : i32
    %sign3A_0 = arith.cmpi sgt, %arg1, %sign3A : i32
    %sign3A_1 = arith.extui %sign3A_0 : i1 to i32
    %sign3A_2 = arith.constant 0 : i32
    %sign3A_3 = arith.cmpi slt, %arg1, %sign3A_2 : i32
    %sign3A_4 = arith.extui %sign3A_3 : i1 to i32
    %sign3A_5 = arith.subi %sign3A_1, %sign3A_4 : i32
    %sign3A_6 = arith.constant 0 : i32
    %sign3A_7 = arith.cmpi sgt, %jit3A, %sign3A_6 : i32
    %sign3A_8 = arith.extui %sign3A_7 : i1 to i32
    %sign3A_9 = arith.constant 0 : i32
    %sign3A_10 = arith.cmpi slt, %jit3A, %sign3A_9 : i32
    %sign3A_11 = arith.extui %sign3A_10 : i1 to i32
    %sign3A_12 = arith.subi %sign3A_8, %sign3A_11 : i32
    %ne3A = arith.cmpi ne, %sign3A_5, %sign3A_12 : i32
    %rem3A = arith.remsi %arg1, %jit3A : i32
    %ne3A_13 = arith.constant 0 : i32
    %ne3A_14 = arith.cmpi ne, %rem3A, %ne3A_13 : i32
    %and3A = arith.andi %ne3A, %ne3A_14 : i1
    %sub3A = arith.constant 1 : i32
    %sub3A_15 = arith.subi %div3A, %sub3A : i32
    %select_n3A = arith.select %and3A, %sub3A_15, %div3A : i32
    %c0_i32 = arith.constant 0 : i32
    %c0_i32_16 = arith.constant 0 : i32
    %c0_i32_17 = arith.constant 0 : i32
    return %select_n3A, %c0_i32, %c0_i32_16 : i32, i32, i32
  }
  func.func @transform_2(%arg0: i32, %arg1: i32) -> (i32, i32, i32) {
    %jit3A = arith.constant 2 : i32
    %div3A = arith.divsi %arg1, %jit3A : i32
    %sign3A = arith.constant 0 : i32
    %sign3A_0 = arith.cmpi sgt, %arg1, %sign3A : i32
    %sign3A_1 = arith.extui %sign3A_0 : i1 to i32
    %sign3A_2 = arith.constant 0 : i32
    %sign3A_3 = arith.cmpi slt, %arg1, %sign3A_2 : i32
    %sign3A_4 = arith.extui %sign3A_3 : i1 to i32
    %sign3A_5 = arith.subi %sign3A_1, %sign3A_4 : i32
    %sign3A_6 = arith.constant 0 : i32
    %sign3A_7 = arith.cmpi sgt, %jit3A, %sign3A_6 : i32
    %sign3A_8 = arith.extui %sign3A_7 : i1 to i32
    %sign3A_9 = arith.constant 0 : i32
    %sign3A_10 = arith.cmpi slt, %jit3A, %sign3A_9 : i32
    %sign3A_11 = arith.extui %sign3A_10 : i1 to i32
    %sign3A_12 = arith.subi %sign3A_8, %sign3A_11 : i32
    %ne3A = arith.cmpi ne, %sign3A_5, %sign3A_12 : i32
    %rem3A = arith.remsi %arg1, %jit3A : i32
    %ne3A_13 = arith.constant 0 : i32
    %ne3A_14 = arith.cmpi ne, %rem3A, %ne3A_13 : i32
    %and3A = arith.andi %ne3A, %ne3A_14 : i1
    %sub3A = arith.constant 1 : i32
    %sub3A_15 = arith.subi %div3A, %sub3A : i32
    %select_n3A = arith.select %and3A, %sub3A_15, %div3A : i32
    %c0_i32 = arith.constant 0 : i32
    %c0_i32_16 = arith.constant 0 : i32
    %c0_i32_17 = arith.constant 0 : i32
    return %select_n3A, %c0_i32, %c0_i32_16 : i32, i32, i32
  }
  func.func @transform_3(%arg0: i32, %arg1: i32) -> (i32, i32, i32) {
    %c0_i32 = arith.constant 0 : i32
    %c0_i32_0 = arith.constant 0 : i32
    %c0_i32_1 = arith.constant 0 : i32
    return %arg1, %c0_i32, %c0_i32_0 : i32, i32, i32
  }
  func.func @transform_4(%arg0: i32, %arg1: i32) -> (i32, i32) {
    %c0_i32 = arith.constant 0 : i32
    %c0_i32_0 = arith.constant 0 : i32
    return %arg0, %c0_i32 : i32, i32
  }
  func.func @transform_5(%arg0: i32, %arg1: i32) -> (i32, i32) {
    %c0_i32 = arith.constant 0 : i32
    %c0_i32_0 = arith.constant 0 : i32
    return %arg1, %c0_i32 : i32, i32
  }
  func.func @transform_6(%arg0: i32, %arg1: i32) -> (i32, i32) {
    %c0_i32 = arith.constant 0 : i32
    %c0_i32_0 = arith.constant 0 : i32
    %c0_i32_1 = arith.constant 0 : i32
    return %c0_i32, %c0_i32_0 : i32, i32
  }
  func.func @transform_7(%arg0: i32, %arg1: i32) -> (i32, i32) {
    %c0_i32 = arith.constant 0 : i32
    %c0_i32_0 = arith.constant 0 : i32
    return %arg0, %c0_i32 : i32, i32
  }
}

module attributes {stable_mosaic.version = 14 : i64} {
  func.func @_router_body(%arg0: memref<2048x1024xf32, #tpu.memory_space<vmem>>, %arg1: memref<1x1024xf32, #tpu.memory_space<vmem>>, %arg2: memref<1024x128xbf16, #tpu.memory_space<vmem>>, %arg3: memref<1x128xf32, #tpu.memory_space<vmem>>, %arg4: memref<2048x1024xf32, #tpu.memory_space<vmem>>, %arg5: memref<2048x2xf32, #tpu.memory_space<vmem>>, %arg6: memref<2048x2xi32, #tpu.memory_space<vmem>>, %arg7: memref<1x128xi32, #tpu.memory_space<vmem>>) attributes {dimension_semantics = [], scalar_prefetch = 0 : i64, scratch_operands = 0 : i64, tpu.core_type = #tpu.core_type<tc>} {
    %get3A = arith.constant 0 : index
    %get3A_0 = arith.constant 0 : index
    %get3A_1 = vector.load %arg0[%get3A, %get3A_0] : memref<2048x1024xf32, #tpu.memory_space<vmem>>, vector<2048x1024xf32>
    %mul3A = arith.mulf %get3A_1, %get3A_1 : vector<2048x1024xf32>
    %reduce_sum3A = arith.constant dense<0.000000e+00> : vector<2048xf32>
    %reduce_sum3A_2 = vector.multi_reduction <add>, %mul3A, %reduce_sum3A [1] : vector<2048x1024xf32> to vector<2048xf32>
    %broadcast_in_dim3A = vector.shape_cast %reduce_sum3A_2 : vector<2048xf32> to vector<2048x1xf32>
    %div3A = arith.constant 1.024000e+03 : f32
    %div3A_3 = vector.broadcast %div3A : f32 to vector<2048x1xf32>
    %div3A_4 = arith.divf %broadcast_in_dim3A, %div3A_3 : vector<2048x1xf32>
    %add3A = arith.constant 9.99999974E-6 : f32
    %add3A_5 = vector.broadcast %add3A : f32 to vector<2048x1xf32>
    %add3A_6 = arith.addf %div3A_4, %add3A_5 : vector<2048x1xf32>
    %rsqrt3A = math.rsqrt %add3A_6 : vector<2048x1xf32>
    %mul3A_7 = vector.broadcast %rsqrt3A : vector<2048x1xf32> to vector<2048x1024xf32>
    %mul3A_8 = arith.mulf %get3A_1, %mul3A_7 : vector<2048x1024xf32>
    %get3A_9 = arith.constant 0 : index
    %get3A_10 = arith.constant 0 : index
    %get3A_11 = vector.load %arg1[%get3A_9, %get3A_10] : memref<1x1024xf32, #tpu.memory_space<vmem>>, vector<1x1024xf32>
    %mul3A_12 = vector.broadcast %get3A_11 : vector<1x1024xf32> to vector<2048x1024xf32>
    %mul3A_13 = arith.mulf %mul3A_8, %mul3A_12 : vector<2048x1024xf32>
    %swap3A = arith.constant 0 : index
    %swap3A_14 = arith.constant 0 : index
    %swap3A_15 = vector.load %arg4[%swap3A, %swap3A_14] : memref<2048x1024xf32, #tpu.memory_space<vmem>>, vector<2048x1024xf32>
    tpu.vector_store %arg4[%swap3A, %swap3A_14], %mul3A_13 {strides = array<i32>} : memref<2048x1024xf32, #tpu.memory_space<vmem>>, vector<2048x1024xf32>,
    %convert_element_type3A = arith.truncf %mul3A_13 : vector<2048x1024xf32> to vector<2048x1024xbf16>
    %get3A_16 = arith.constant 0 : index
    %get3A_17 = arith.constant 0 : index
    %get3A_18 = vector.load %arg2[%get3A_16, %get3A_17] : memref<1024x128xbf16, #tpu.memory_space<vmem>>, vector<1024x128xbf16>
    %dot_general3A = arith.constant dense<0.000000e+00> : vector<2048x128xf32>
    %dot_general3A_19 = tpu.matmul %convert_element_type3A, %get3A_18, %dot_general3A {dimension_numbers = #tpu.dot_dimension_numbers<[1], [0], [0], [1], [0, 0, 1, 1], [], []>, transpose_lhs_hint = false} : vector<2048x1024xbf16>, vector<1024x128xbf16>, vector<2048x128xf32> -> vector<2048x128xf32>
    %get3A_20 = arith.constant 0 : index
    %get3A_21 = arith.constant 0 : index
    %get3A_22 = vector.load %arg3[%get3A_20, %get3A_21] : memref<1x128xf32, #tpu.memory_space<vmem>>, vector<1x128xf32>
    %add3A_23 = vector.broadcast %get3A_22 : vector<1x128xf32> to vector<2048x128xf32>
    %add3A_24 = arith.addf %dot_general3A_19, %add3A_23 : vector<2048x128xf32>
    %iota3A = tpu.iota {dimensions = array<i32: 1>} : vector<2048x128xi32>
    %lt3A = arith.constant 8 : i32
    %lt3A_25 = vector.broadcast %lt3A : i32 to vector<2048x128xi32>
    %lt3A_26 = arith.cmpi slt, %iota3A, %lt3A_25 : vector<2048x128xi32>
    %jit3A = arith.constant 0xFF800000 : f32
    %broadcast_in_dim3A_27 = vector.broadcast %jit3A : f32 to vector<2048x128xf32>
    %select_n3A = arith.select %lt3A_26, %add3A_24, %broadcast_in_dim3A_27 : vector<2048x128xi1>, vector<2048x128xf32>
    %reduce_max3A = arith.constant dense<0xFF800000> : vector<2048xf32>
    %reduce_max3A_28 = vector.multi_reduction <maximumf>, %select_n3A, %reduce_max3A [1] : vector<2048x128xf32> to vector<2048xf32>
    %broadcast_in_dim3A_29 = vector.shape_cast %reduce_max3A_28 : vector<2048xf32> to vector<2048x1xf32>
    %eq3A = vector.broadcast %broadcast_in_dim3A_29 : vector<2048x1xf32> to vector<2048x128xf32>
    %eq3A_30 = arith.cmpf oeq, %select_n3A, %eq3A : vector<2048x128xf32>
    %jit3A_31 = arith.constant 128 : i32
    %broadcast_in_dim3A_32 = vector.broadcast %jit3A_31 : i32 to vector<2048x128xi32>
    %select_n3A_33 = arith.select %eq3A_30, %iota3A, %broadcast_in_dim3A_32 : vector<2048x128xi1>, vector<2048x128xi32>
    %reduce_min3A = arith.constant dense<2147483647> : vector<2048xi32>
    %reduce_min3A_34 = vector.multi_reduction <minsi>, %select_n3A_33, %reduce_min3A [1] : vector<2048x128xi32> to vector<2048xi32>
    %broadcast_in_dim3A_35 = vector.shape_cast %reduce_min3A_34 : vector<2048xi32> to vector<2048x1xi32>
    %eq3A_36 = vector.broadcast %broadcast_in_dim3A_35 : vector<2048x1xi32> to vector<2048x128xi32>
    %eq3A_37 = arith.cmpi eq, %iota3A, %eq3A_36 : vector<2048x128xi32>
    %jit3A_38 = arith.constant 0xFF800000 : f32
    %broadcast_in_dim3A_39 = vector.broadcast %jit3A_38 : f32 to vector<2048x128xf32>
    %select_n3A_40 = arith.select %eq3A_37, %broadcast_in_dim3A_39, %select_n3A : vector<2048x128xi1>, vector<2048x128xf32>
    %reduce_max3A_41 = arith.constant dense<0xFF800000> : vector<2048xf32>
    %reduce_max3A_42 = vector.multi_reduction <maximumf>, %select_n3A_40, %reduce_max3A_41 [1] : vector<2048x128xf32> to vector<2048xf32>
    %broadcast_in_dim3A_43 = vector.shape_cast %reduce_max3A_42 : vector<2048xf32> to vector<2048x1xf32>
    %eq3A_44 = vector.broadcast %broadcast_in_dim3A_43 : vector<2048x1xf32> to vector<2048x128xf32>
    %eq3A_45 = arith.cmpf oeq, %select_n3A_40, %eq3A_44 : vector<2048x128xf32>
    %jit3A_46 = arith.constant 128 : i32
    %broadcast_in_dim3A_47 = vector.broadcast %jit3A_46 : i32 to vector<2048x128xi32>
    %select_n3A_48 = arith.select %eq3A_45, %iota3A, %broadcast_in_dim3A_47 : vector<2048x128xi1>, vector<2048x128xi32>
    %reduce_min3A_49 = arith.constant dense<2147483647> : vector<2048xi32>
    %reduce_min3A_50 = vector.multi_reduction <minsi>, %select_n3A_48, %reduce_min3A_49 [1] : vector<2048x128xi32> to vector<2048xi32>
    %broadcast_in_dim3A_51 = vector.shape_cast %reduce_min3A_50 : vector<2048xi32> to vector<2048x1xi32>
    %sub3A = arith.subf %broadcast_in_dim3A_29, %broadcast_in_dim3A_43 : vector<2048x1xf32>
    %logistic3A = arith.negf %sub3A : vector<2048x1xf32>
    %logistic3A_52 = math.exp %logistic3A : vector<2048x1xf32>
    %logistic3A_53 = arith.constant 1.000000e+00 : f32
    %logistic3A_54 = vector.broadcast %logistic3A_53 : f32 to vector<2048x1xf32>
    %logistic3A_55 = arith.addf %logistic3A_54, %logistic3A_52 : vector<2048x1xf32>
    %logistic3A_56 = arith.divf %logistic3A_54, %logistic3A_55 : vector<2048x1xf32>
    %swap3A_57 = arith.constant 0 : index
    %swap3A_58 = arith.constant 0 : index
    %swap3A_59 = vector.load %arg5[%swap3A_57, %swap3A_58] : memref<2048x2xf32, #tpu.memory_space<vmem>>, vector<2048x1xf32>
    tpu.vector_store %arg5[%swap3A_57, %swap3A_58], %logistic3A_56 {strides = array<i32>} : memref<2048x2xf32, #tpu.memory_space<vmem>>, vector<2048x1xf32>,
    %sub3A_60 = arith.subf %broadcast_in_dim3A_43, %broadcast_in_dim3A_29 : vector<2048x1xf32>
    %logistic3A_61 = arith.negf %sub3A_60 : vector<2048x1xf32>
    %logistic3A_62 = math.exp %logistic3A_61 : vector<2048x1xf32>
    %logistic3A_63 = arith.constant 1.000000e+00 : f32
    %logistic3A_64 = vector.broadcast %logistic3A_63 : f32 to vector<2048x1xf32>
    %logistic3A_65 = arith.addf %logistic3A_64, %logistic3A_62 : vector<2048x1xf32>
    %logistic3A_66 = arith.divf %logistic3A_64, %logistic3A_65 : vector<2048x1xf32>
    %swap3A_67 = arith.constant 0 : index
    %swap3A_68 = arith.constant 1 : index
    %swap3A_69 = vector.load %arg5[%swap3A_67, %swap3A_68] : memref<2048x2xf32, #tpu.memory_space<vmem>>, vector<2048x1xf32>
    tpu.vector_store %arg5[%swap3A_67, %swap3A_68], %logistic3A_66 {strides = array<i32>} : memref<2048x2xf32, #tpu.memory_space<vmem>>, vector<2048x1xf32>,
    %eq3A_70 = vector.broadcast %broadcast_in_dim3A_35 : vector<2048x1xi32> to vector<2048x128xi32>
    %eq3A_71 = arith.cmpi eq, %iota3A, %eq3A_70 : vector<2048x128xi32>
    %convert_element_type3A_72 = arith.extui %eq3A_71 : vector<2048x128xi1> to vector<2048x128xi32>
    %convert_element_type3A_73 = arith.sitofp %convert_element_type3A_72 : vector<2048x128xi32> to vector<2048x128xf32>
    %eq3A_74 = vector.broadcast %broadcast_in_dim3A_51 : vector<2048x1xi32> to vector<2048x128xi32>
    %eq3A_75 = arith.cmpi eq, %iota3A, %eq3A_74 : vector<2048x128xi32>
    %convert_element_type3A_76 = arith.extui %eq3A_75 : vector<2048x128xi1> to vector<2048x128xi32>
    %convert_element_type3A_77 = arith.sitofp %convert_element_type3A_76 : vector<2048x128xi32> to vector<2048x128xf32>
    %add3A_78 = arith.addf %convert_element_type3A_73, %convert_element_type3A_77 : vector<2048x128xf32>
    %reduce_sum3A_79 = arith.constant dense<0.000000e+00> : vector<128xf32>
    %reduce_sum3A_80 = vector.multi_reduction <add>, %add3A_78, %reduce_sum3A_79 [0] : vector<2048x128xf32> to vector<128xf32>
    %broadcast_in_dim3A_81 = vector.shape_cast %reduce_sum3A_80 : vector<128xf32> to vector<1x128xf32>
    %mul3A_82 = arith.constant 3.906250e-03 : f32
    %mul3A_83 = vector.broadcast %mul3A_82 : f32 to vector<1x128xf32>
    %mul3A_84 = arith.mulf %broadcast_in_dim3A_81, %mul3A_83 : vector<1x128xf32>
    %ceil3A = math.ceil %mul3A_84 : vector<1x128xf32>
    %mul3A_85 = arith.constant 2.560000e+02 : f32
    %mul3A_86 = vector.broadcast %mul3A_85 : f32 to vector<1x128xf32>
    %mul3A_87 = arith.mulf %ceil3A, %mul3A_86 : vector<1x128xf32>
    %iota3A_88 = tpu.iota {dimensions = array<i32: 0>} : vector<128x128xi32>
    %iota3A_89 = tpu.iota {dimensions = array<i32: 1>} : vector<128x128xi32>
    %lt3A_90 = arith.cmpi slt, %iota3A_88, %iota3A_89 : vector<128x128xi32>
    %convert_element_type3A_91 = arith.extui %lt3A_90 : vector<128x128xi1> to vector<128x128xi32>
    %convert_element_type3A_92 = arith.sitofp %convert_element_type3A_91 : vector<128x128xi32> to vector<128x128xf32>
    %dot_general3A_93 = arith.constant dense<0.000000e+00> : vector<1x128xf32>
    %dot_general3A_94 = tpu.matmul %mul3A_87, %convert_element_type3A_92, %dot_general3A_93 {dimension_numbers = #tpu.dot_dimension_numbers<[1], [0], [0], [1], [0, 0, 1, 1], [], []>, transpose_lhs_hint = false} : vector<1x128xf32>, vector<128x128xf32>, vector<1x128xf32> -> vector<1x128xf32>
    %iota3A_95 = tpu.iota {dimensions = array<i32: 0>} : vector<256x256xi32>
    %iota3A_96 = tpu.iota {dimensions = array<i32: 1>} : vector<256x256xi32>
    %lt3A_97 = arith.cmpi slt, %iota3A_96, %iota3A_95 : vector<256x256xi32>
    %convert_element_type3A_98 = arith.extui %lt3A_97 : vector<256x256xi1> to vector<256x256xi32>
    %convert_element_type3A_99 = arith.sitofp %convert_element_type3A_98 : vector<256x256xi32> to vector<256x256xf32>
    %broadcast_in_dim3A_100 = arith.constant 0.000000e+00 : f32
    %broadcast_in_dim3A_101 = vector.broadcast %broadcast_in_dim3A_100 : f32 to vector<1x128xf32>
    %slice3A = vector.extract_strided_slice %add3A_78 {offsets = [0, 0], sizes = [256, 128], strides = [1, 1]} : vector<2048x128xf32> to vector<256x128xf32>
    %dot_general3A_102 = arith.constant dense<0.000000e+00> : vector<256x128xf32>
    %dot_general3A_103 = tpu.matmul %convert_element_type3A_99, %slice3A, %dot_general3A_102 {dimension_numbers = #tpu.dot_dimension_numbers<[1], [0], [0], [1], [0, 0, 1, 1], [], []>, transpose_lhs_hint = false} : vector<256x256xf32>, vector<256x128xf32>, vector<256x128xf32> -> vector<256x128xf32>
    %add3A_104 = vector.broadcast %broadcast_in_dim3A_101 : vector<1x128xf32> to vector<256x128xf32>
    %add3A_105 = arith.addf %dot_general3A_103, %add3A_104 : vector<256x128xf32>
    %add3A_106 = vector.broadcast %dot_general3A_94 : vector<1x128xf32> to vector<256x128xf32>
    %add3A_107 = arith.addf %add3A_105, %add3A_106 : vector<256x128xf32>
    %slice3A_108 = vector.extract_strided_slice %convert_element_type3A_73 {offsets = [0, 0], sizes = [256, 128], strides = [1, 1]} : vector<2048x128xf32> to vector<256x128xf32>
    %slice3A_109 = vector.extract_strided_slice %convert_element_type3A_77 {offsets = [0, 0], sizes = [256, 128], strides = [1, 1]} : vector<2048x128xf32> to vector<256x128xf32>
    %mul3A_110 = arith.mulf %add3A_107, %slice3A_108 : vector<256x128xf32>
    %reduce_sum3A_111 = arith.constant dense<0.000000e+00> : vector<256xf32>
    %reduce_sum3A_112 = vector.multi_reduction <add>, %mul3A_110, %reduce_sum3A_111 [1] : vector<256x128xf32> to vector<256xf32>
    %broadcast_in_dim3A_113 = vector.shape_cast %reduce_sum3A_112 : vector<256xf32> to vector<256x1xf32>
    %mul3A_114 = arith.mulf %add3A_107, %slice3A_109 : vector<256x128xf32>
    %reduce_sum3A_115 = arith.constant dense<0.000000e+00> : vector<256xf32>
    %reduce_sum3A_116 = vector.multi_reduction <add>, %mul3A_114, %reduce_sum3A_115 [1] : vector<256x128xf32> to vector<256xf32>
    %broadcast_in_dim3A_117 = vector.shape_cast %reduce_sum3A_116 : vector<256xf32> to vector<256x1xf32>
    %convert_element_type3A_118 = arith.fptosi %broadcast_in_dim3A_113 : vector<256x1xf32> to vector<256x1xi32>
    %swap3A_119 = arith.constant 0 : index
    %swap3A_120 = arith.constant 0 : index
    %swap3A_121 = vector.load %arg6[%swap3A_119, %swap3A_120] : memref<2048x2xi32, #tpu.memory_space<vmem>>, vector<256x1xi32>
    tpu.vector_store %arg6[%swap3A_119, %swap3A_120], %convert_element_type3A_118 {strides = array<i32>} : memref<2048x2xi32, #tpu.memory_space<vmem>>, vector<256x1xi32>,
    %convert_element_type3A_122 = arith.fptosi %broadcast_in_dim3A_117 : vector<256x1xf32> to vector<256x1xi32>
    %swap3A_123 = arith.constant 0 : index
    %swap3A_124 = arith.constant 1 : index
    %swap3A_125 = vector.load %arg6[%swap3A_123, %swap3A_124] : memref<2048x2xi32, #tpu.memory_space<vmem>>, vector<256x1xi32>
    tpu.vector_store %arg6[%swap3A_123, %swap3A_124], %convert_element_type3A_122 {strides = array<i32>} : memref<2048x2xi32, #tpu.memory_space<vmem>>, vector<256x1xi32>,
    %reduce_sum3A_126 = arith.constant dense<0.000000e+00> : vector<128xf32>
    %reduce_sum3A_127 = vector.multi_reduction <add>, %slice3A, %reduce_sum3A_126 [0] : vector<256x128xf32> to vector<128xf32>
    %broadcast_in_dim3A_128 = vector.shape_cast %reduce_sum3A_127 : vector<128xf32> to vector<1x128xf32>
    %add3A_129 = arith.addf %broadcast_in_dim3A_101, %broadcast_in_dim3A_128 : vector<1x128xf32>
    %slice3A_130 = vector.extract_strided_slice %add3A_78 {offsets = [256, 0], sizes = [256, 128], strides = [1, 1]} : vector<2048x128xf32> to vector<256x128xf32>
    %dot_general3A_131 = arith.constant dense<0.000000e+00> : vector<256x128xf32>
    %dot_general3A_132 = tpu.matmul %convert_element_type3A_99, %slice3A_130, %dot_general3A_131 {dimension_numbers = #tpu.dot_dimension_numbers<[1], [0], [0], [1], [0, 0, 1, 1], [], []>, transpose_lhs_hint = false} : vector<256x256xf32>, vector<256x128xf32>, vector<256x128xf32> -> vector<256x128xf32>
    %add3A_133 = vector.broadcast %add3A_129 : vector<1x128xf32> to vector<256x128xf32>
    %add3A_134 = arith.addf %dot_general3A_132, %add3A_133 : vector<256x128xf32>
    %add3A_135 = vector.broadcast %dot_general3A_94 : vector<1x128xf32> to vector<256x128xf32>
    %add3A_136 = arith.addf %add3A_134, %add3A_135 : vector<256x128xf32>
    %slice3A_137 = vector.extract_strided_slice %convert_element_type3A_73 {offsets = [256, 0], sizes = [256, 128], strides = [1, 1]} : vector<2048x128xf32> to vector<256x128xf32>
    %slice3A_138 = vector.extract_strided_slice %convert_element_type3A_77 {offsets = [256, 0], sizes = [256, 128], strides = [1, 1]} : vector<2048x128xf32> to vector<256x128xf32>
    %mul3A_139 = arith.mulf %add3A_136, %slice3A_137 : vector<256x128xf32>
    %reduce_sum3A_140 = arith.constant dense<0.000000e+00> : vector<256xf32>
    %reduce_sum3A_141 = vector.multi_reduction <add>, %mul3A_139, %reduce_sum3A_140 [1] : vector<256x128xf32> to vector<256xf32>
    %broadcast_in_dim3A_142 = vector.shape_cast %reduce_sum3A_141 : vector<256xf32> to vector<256x1xf32>
    %mul3A_143 = arith.mulf %add3A_136, %slice3A_138 : vector<256x128xf32>
    %reduce_sum3A_144 = arith.constant dense<0.000000e+00> : vector<256xf32>
    %reduce_sum3A_145 = vector.multi_reduction <add>, %mul3A_143, %reduce_sum3A_144 [1] : vector<256x128xf32> to vector<256xf32>
    %broadcast_in_dim3A_146 = vector.shape_cast %reduce_sum3A_145 : vector<256xf32> to vector<256x1xf32>
    %convert_element_type3A_147 = arith.fptosi %broadcast_in_dim3A_142 : vector<256x1xf32> to vector<256x1xi32>
    %swap3A_148 = arith.constant 256 : index
    %swap3A_149 = arith.constant 0 : index
    %swap3A_150 = vector.load %arg6[%swap3A_148, %swap3A_149] : memref<2048x2xi32, #tpu.memory_space<vmem>>, vector<256x1xi32>
    tpu.vector_store %arg6[%swap3A_148, %swap3A_149], %convert_element_type3A_147 {strides = array<i32>} : memref<2048x2xi32, #tpu.memory_space<vmem>>, vector<256x1xi32>,
    %convert_element_type3A_151 = arith.fptosi %broadcast_in_dim3A_146 : vector<256x1xf32> to vector<256x1xi32>
    %swap3A_152 = arith.constant 256 : index
    %swap3A_153 = arith.constant 1 : index
    %swap3A_154 = vector.load %arg6[%swap3A_152, %swap3A_153] : memref<2048x2xi32, #tpu.memory_space<vmem>>, vector<256x1xi32>
    tpu.vector_store %arg6[%swap3A_152, %swap3A_153], %convert_element_type3A_151 {strides = array<i32>} : memref<2048x2xi32, #tpu.memory_space<vmem>>, vector<256x1xi32>,
    %reduce_sum3A_155 = arith.constant dense<0.000000e+00> : vector<128xf32>
    %reduce_sum3A_156 = vector.multi_reduction <add>, %slice3A_130, %reduce_sum3A_155 [0] : vector<256x128xf32> to vector<128xf32>
    %broadcast_in_dim3A_157 = vector.shape_cast %reduce_sum3A_156 : vector<128xf32> to vector<1x128xf32>
    %add3A_158 = arith.addf %add3A_129, %broadcast_in_dim3A_157 : vector<1x128xf32>
    %slice3A_159 = vector.extract_strided_slice %add3A_78 {offsets = [512, 0], sizes = [256, 128], strides = [1, 1]} : vector<2048x128xf32> to vector<256x128xf32>
    %dot_general3A_160 = arith.constant dense<0.000000e+00> : vector<256x128xf32>
    %dot_general3A_161 = tpu.matmul %convert_element_type3A_99, %slice3A_159, %dot_general3A_160 {dimension_numbers = #tpu.dot_dimension_numbers<[1], [0], [0], [1], [0, 0, 1, 1], [], []>, transpose_lhs_hint = false} : vector<256x256xf32>, vector<256x128xf32>, vector<256x128xf32> -> vector<256x128xf32>
    %add3A_162 = vector.broadcast %add3A_158 : vector<1x128xf32> to vector<256x128xf32>
    %add3A_163 = arith.addf %dot_general3A_161, %add3A_162 : vector<256x128xf32>
    %add3A_164 = vector.broadcast %dot_general3A_94 : vector<1x128xf32> to vector<256x128xf32>
    %add3A_165 = arith.addf %add3A_163, %add3A_164 : vector<256x128xf32>
    %slice3A_166 = vector.extract_strided_slice %convert_element_type3A_73 {offsets = [512, 0], sizes = [256, 128], strides = [1, 1]} : vector<2048x128xf32> to vector<256x128xf32>
    %slice3A_167 = vector.extract_strided_slice %convert_element_type3A_77 {offsets = [512, 0], sizes = [256, 128], strides = [1, 1]} : vector<2048x128xf32> to vector<256x128xf32>
    %mul3A_168 = arith.mulf %add3A_165, %slice3A_166 : vector<256x128xf32>
    %reduce_sum3A_169 = arith.constant dense<0.000000e+00> : vector<256xf32>
    %reduce_sum3A_170 = vector.multi_reduction <add>, %mul3A_168, %reduce_sum3A_169 [1] : vector<256x128xf32> to vector<256xf32>
    %broadcast_in_dim3A_171 = vector.shape_cast %reduce_sum3A_170 : vector<256xf32> to vector<256x1xf32>
    %mul3A_172 = arith.mulf %add3A_165, %slice3A_167 : vector<256x128xf32>
    %reduce_sum3A_173 = arith.constant dense<0.000000e+00> : vector<256xf32>
    %reduce_sum3A_174 = vector.multi_reduction <add>, %mul3A_172, %reduce_sum3A_173 [1] : vector<256x128xf32> to vector<256xf32>
    %broadcast_in_dim3A_175 = vector.shape_cast %reduce_sum3A_174 : vector<256xf32> to vector<256x1xf32>
    %convert_element_type3A_176 = arith.fptosi %broadcast_in_dim3A_171 : vector<256x1xf32> to vector<256x1xi32>
    %swap3A_177 = arith.constant 512 : index
    %swap3A_178 = arith.constant 0 : index
    %swap3A_179 = vector.load %arg6[%swap3A_177, %swap3A_178] : memref<2048x2xi32, #tpu.memory_space<vmem>>, vector<256x1xi32>
    tpu.vector_store %arg6[%swap3A_177, %swap3A_178], %convert_element_type3A_176 {strides = array<i32>} : memref<2048x2xi32, #tpu.memory_space<vmem>>, vector<256x1xi32>,
    %convert_element_type3A_180 = arith.fptosi %broadcast_in_dim3A_175 : vector<256x1xf32> to vector<256x1xi32>
    %swap3A_181 = arith.constant 512 : index
    %swap3A_182 = arith.constant 1 : index
    %swap3A_183 = vector.load %arg6[%swap3A_181, %swap3A_182] : memref<2048x2xi32, #tpu.memory_space<vmem>>, vector<256x1xi32>
    tpu.vector_store %arg6[%swap3A_181, %swap3A_182], %convert_element_type3A_180 {strides = array<i32>} : memref<2048x2xi32, #tpu.memory_space<vmem>>, vector<256x1xi32>,
    %reduce_sum3A_184 = arith.constant dense<0.000000e+00> : vector<128xf32>
    %reduce_sum3A_185 = vector.multi_reduction <add>, %slice3A_159, %reduce_sum3A_184 [0] : vector<256x128xf32> to vector<128xf32>
    %broadcast_in_dim3A_186 = vector.shape_cast %reduce_sum3A_185 : vector<128xf32> to vector<1x128xf32>
    %add3A_187 = arith.addf %add3A_158, %broadcast_in_dim3A_186 : vector<1x128xf32>
    %slice3A_188 = vector.extract_strided_slice %add3A_78 {offsets = [768, 0], sizes = [256, 128], strides = [1, 1]} : vector<2048x128xf32> to vector<256x128xf32>
    %dot_general3A_189 = arith.constant dense<0.000000e+00> : vector<256x128xf32>
    %dot_general3A_190 = tpu.matmul %convert_element_type3A_99, %slice3A_188, %dot_general3A_189 {dimension_numbers = #tpu.dot_dimension_numbers<[1], [0], [0], [1], [0, 0, 1, 1], [], []>, transpose_lhs_hint = false} : vector<256x256xf32>, vector<256x128xf32>, vector<256x128xf32> -> vector<256x128xf32>
    %add3A_191 = vector.broadcast %add3A_187 : vector<1x128xf32> to vector<256x128xf32>
    %add3A_192 = arith.addf %dot_general3A_190, %add3A_191 : vector<256x128xf32>
    %add3A_193 = vector.broadcast %dot_general3A_94 : vector<1x128xf32> to vector<256x128xf32>
    %add3A_194 = arith.addf %add3A_192, %add3A_193 : vector<256x128xf32>
    %slice3A_195 = vector.extract_strided_slice %convert_element_type3A_73 {offsets = [768, 0], sizes = [256, 128], strides = [1, 1]} : vector<2048x128xf32> to vector<256x128xf32>
    %slice3A_196 = vector.extract_strided_slice %convert_element_type3A_77 {offsets = [768, 0], sizes = [256, 128], strides = [1, 1]} : vector<2048x128xf32> to vector<256x128xf32>
    %mul3A_197 = arith.mulf %add3A_194, %slice3A_195 : vector<256x128xf32>
    %reduce_sum3A_198 = arith.constant dense<0.000000e+00> : vector<256xf32>
    %reduce_sum3A_199 = vector.multi_reduction <add>, %mul3A_197, %reduce_sum3A_198 [1] : vector<256x128xf32> to vector<256xf32>
    %broadcast_in_dim3A_200 = vector.shape_cast %reduce_sum3A_199 : vector<256xf32> to vector<256x1xf32>
    %mul3A_201 = arith.mulf %add3A_194, %slice3A_196 : vector<256x128xf32>
    %reduce_sum3A_202 = arith.constant dense<0.000000e+00> : vector<256xf32>
    %reduce_sum3A_203 = vector.multi_reduction <add>, %mul3A_201, %reduce_sum3A_202 [1] : vector<256x128xf32> to vector<256xf32>
    %broadcast_in_dim3A_204 = vector.shape_cast %reduce_sum3A_203 : vector<256xf32> to vector<256x1xf32>
    %convert_element_type3A_205 = arith.fptosi %broadcast_in_dim3A_200 : vector<256x1xf32> to vector<256x1xi32>
    %swap3A_206 = arith.constant 768 : index
    %swap3A_207 = arith.constant 0 : index
    %swap3A_208 = vector.load %arg6[%swap3A_206, %swap3A_207] : memref<2048x2xi32, #tpu.memory_space<vmem>>, vector<256x1xi32>
    tpu.vector_store %arg6[%swap3A_206, %swap3A_207], %convert_element_type3A_205 {strides = array<i32>} : memref<2048x2xi32, #tpu.memory_space<vmem>>, vector<256x1xi32>,
    %convert_element_type3A_209 = arith.fptosi %broadcast_in_dim3A_204 : vector<256x1xf32> to vector<256x1xi32>
    %swap3A_210 = arith.constant 768 : index
    %swap3A_211 = arith.constant 1 : index
    %swap3A_212 = vector.load %arg6[%swap3A_210, %swap3A_211] : memref<2048x2xi32, #tpu.memory_space<vmem>>, vector<256x1xi32>
    tpu.vector_store %arg6[%swap3A_210, %swap3A_211], %convert_element_type3A_209 {strides = array<i32>} : memref<2048x2xi32, #tpu.memory_space<vmem>>, vector<256x1xi32>,
    %reduce_sum3A_213 = arith.constant dense<0.000000e+00> : vector<128xf32>
    %reduce_sum3A_214 = vector.multi_reduction <add>, %slice3A_188, %reduce_sum3A_213 [0] : vector<256x128xf32> to vector<128xf32>
    %broadcast_in_dim3A_215 = vector.shape_cast %reduce_sum3A_214 : vector<128xf32> to vector<1x128xf32>
    %add3A_216 = arith.addf %add3A_187, %broadcast_in_dim3A_215 : vector<1x128xf32>
    %slice3A_217 = vector.extract_strided_slice %add3A_78 {offsets = [1024, 0], sizes = [256, 128], strides = [1, 1]} : vector<2048x128xf32> to vector<256x128xf32>
    %dot_general3A_218 = arith.constant dense<0.000000e+00> : vector<256x128xf32>
    %dot_general3A_219 = tpu.matmul %convert_element_type3A_99, %slice3A_217, %dot_general3A_218 {dimension_numbers = #tpu.dot_dimension_numbers<[1], [0], [0], [1], [0, 0, 1, 1], [], []>, transpose_lhs_hint = false} : vector<256x256xf32>, vector<256x128xf32>, vector<256x128xf32> -> vector<256x128xf32>
    %add3A_220 = vector.broadcast %add3A_216 : vector<1x128xf32> to vector<256x128xf32>
    %add3A_221 = arith.addf %dot_general3A_219, %add3A_220 : vector<256x128xf32>
    %add3A_222 = vector.broadcast %dot_general3A_94 : vector<1x128xf32> to vector<256x128xf32>
    %add3A_223 = arith.addf %add3A_221, %add3A_222 : vector<256x128xf32>
    %slice3A_224 = vector.extract_strided_slice %convert_element_type3A_73 {offsets = [1024, 0], sizes = [256, 128], strides = [1, 1]} : vector<2048x128xf32> to vector<256x128xf32>
    %slice3A_225 = vector.extract_strided_slice %convert_element_type3A_77 {offsets = [1024, 0], sizes = [256, 128], strides = [1, 1]} : vector<2048x128xf32> to vector<256x128xf32>
    %mul3A_226 = arith.mulf %add3A_223, %slice3A_224 : vector<256x128xf32>
    %reduce_sum3A_227 = arith.constant dense<0.000000e+00> : vector<256xf32>
    %reduce_sum3A_228 = vector.multi_reduction <add>, %mul3A_226, %reduce_sum3A_227 [1] : vector<256x128xf32> to vector<256xf32>
    %broadcast_in_dim3A_229 = vector.shape_cast %reduce_sum3A_228 : vector<256xf32> to vector<256x1xf32>
    %mul3A_230 = arith.mulf %add3A_223, %slice3A_225 : vector<256x128xf32>
    %reduce_sum3A_231 = arith.constant dense<0.000000e+00> : vector<256xf32>
    %reduce_sum3A_232 = vector.multi_reduction <add>, %mul3A_230, %reduce_sum3A_231 [1] : vector<256x128xf32> to vector<256xf32>
    %broadcast_in_dim3A_233 = vector.shape_cast %reduce_sum3A_232 : vector<256xf32> to vector<256x1xf32>
    %convert_element_type3A_234 = arith.fptosi %broadcast_in_dim3A_229 : vector<256x1xf32> to vector<256x1xi32>
    %swap3A_235 = arith.constant 1024 : index
    %swap3A_236 = arith.constant 0 : index
    %swap3A_237 = vector.load %arg6[%swap3A_235, %swap3A_236] : memref<2048x2xi32, #tpu.memory_space<vmem>>, vector<256x1xi32>
    tpu.vector_store %arg6[%swap3A_235, %swap3A_236], %convert_element_type3A_234 {strides = array<i32>} : memref<2048x2xi32, #tpu.memory_space<vmem>>, vector<256x1xi32>,
    %convert_element_type3A_238 = arith.fptosi %broadcast_in_dim3A_233 : vector<256x1xf32> to vector<256x1xi32>
    %swap3A_239 = arith.constant 1024 : index
    %swap3A_240 = arith.constant 1 : index
    %swap3A_241 = vector.load %arg6[%swap3A_239, %swap3A_240] : memref<2048x2xi32, #tpu.memory_space<vmem>>, vector<256x1xi32>
    tpu.vector_store %arg6[%swap3A_239, %swap3A_240], %convert_element_type3A_238 {strides = array<i32>} : memref<2048x2xi32, #tpu.memory_space<vmem>>, vector<256x1xi32>,
    %reduce_sum3A_242 = arith.constant dense<0.000000e+00> : vector<128xf32>
    %reduce_sum3A_243 = vector.multi_reduction <add>, %slice3A_217, %reduce_sum3A_242 [0] : vector<256x128xf32> to vector<128xf32>
    %broadcast_in_dim3A_244 = vector.shape_cast %reduce_sum3A_243 : vector<128xf32> to vector<1x128xf32>
    %add3A_245 = arith.addf %add3A_216, %broadcast_in_dim3A_244 : vector<1x128xf32>
    %slice3A_246 = vector.extract_strided_slice %add3A_78 {offsets = [1280, 0], sizes = [256, 128], strides = [1, 1]} : vector<2048x128xf32> to vector<256x128xf32>
    %dot_general3A_247 = arith.constant dense<0.000000e+00> : vector<256x128xf32>
    %dot_general3A_248 = tpu.matmul %convert_element_type3A_99, %slice3A_246, %dot_general3A_247 {dimension_numbers = #tpu.dot_dimension_numbers<[1], [0], [0], [1], [0, 0, 1, 1], [], []>, transpose_lhs_hint = false} : vector<256x256xf32>, vector<256x128xf32>, vector<256x128xf32> -> vector<256x128xf32>
    %add3A_249 = vector.broadcast %add3A_245 : vector<1x128xf32> to vector<256x128xf32>
    %add3A_250 = arith.addf %dot_general3A_248, %add3A_249 : vector<256x128xf32>
    %add3A_251 = vector.broadcast %dot_general3A_94 : vector<1x128xf32> to vector<256x128xf32>
    %add3A_252 = arith.addf %add3A_250, %add3A_251 : vector<256x128xf32>
    %slice3A_253 = vector.extract_strided_slice %convert_element_type3A_73 {offsets = [1280, 0], sizes = [256, 128], strides = [1, 1]} : vector<2048x128xf32> to vector<256x128xf32>
    %slice3A_254 = vector.extract_strided_slice %convert_element_type3A_77 {offsets = [1280, 0], sizes = [256, 128], strides = [1, 1]} : vector<2048x128xf32> to vector<256x128xf32>
    %mul3A_255 = arith.mulf %add3A_252, %slice3A_253 : vector<256x128xf32>
    %reduce_sum3A_256 = arith.constant dense<0.000000e+00> : vector<256xf32>
    %reduce_sum3A_257 = vector.multi_reduction <add>, %mul3A_255, %reduce_sum3A_256 [1] : vector<256x128xf32> to vector<256xf32>
    %broadcast_in_dim3A_258 = vector.shape_cast %reduce_sum3A_257 : vector<256xf32> to vector<256x1xf32>
    %mul3A_259 = arith.mulf %add3A_252, %slice3A_254 : vector<256x128xf32>
    %reduce_sum3A_260 = arith.constant dense<0.000000e+00> : vector<256xf32>
    %reduce_sum3A_261 = vector.multi_reduction <add>, %mul3A_259, %reduce_sum3A_260 [1] : vector<256x128xf32> to vector<256xf32>
    %broadcast_in_dim3A_262 = vector.shape_cast %reduce_sum3A_261 : vector<256xf32> to vector<256x1xf32>
    %convert_element_type3A_263 = arith.fptosi %broadcast_in_dim3A_258 : vector<256x1xf32> to vector<256x1xi32>
    %swap3A_264 = arith.constant 1280 : index
    %swap3A_265 = arith.constant 0 : index
    %swap3A_266 = vector.load %arg6[%swap3A_264, %swap3A_265] : memref<2048x2xi32, #tpu.memory_space<vmem>>, vector<256x1xi32>
    tpu.vector_store %arg6[%swap3A_264, %swap3A_265], %convert_element_type3A_263 {strides = array<i32>} : memref<2048x2xi32, #tpu.memory_space<vmem>>, vector<256x1xi32>,
    %convert_element_type3A_267 = arith.fptosi %broadcast_in_dim3A_262 : vector<256x1xf32> to vector<256x1xi32>
    %swap3A_268 = arith.constant 1280 : index
    %swap3A_269 = arith.constant 1 : index
    %swap3A_270 = vector.load %arg6[%swap3A_268, %swap3A_269] : memref<2048x2xi32, #tpu.memory_space<vmem>>, vector<256x1xi32>
    tpu.vector_store %arg6[%swap3A_268, %swap3A_269], %convert_element_type3A_267 {strides = array<i32>} : memref<2048x2xi32, #tpu.memory_space<vmem>>, vector<256x1xi32>,
    %reduce_sum3A_271 = arith.constant dense<0.000000e+00> : vector<128xf32>
    %reduce_sum3A_272 = vector.multi_reduction <add>, %slice3A_246, %reduce_sum3A_271 [0] : vector<256x128xf32> to vector<128xf32>
    %broadcast_in_dim3A_273 = vector.shape_cast %reduce_sum3A_272 : vector<128xf32> to vector<1x128xf32>
    %add3A_274 = arith.addf %add3A_245, %broadcast_in_dim3A_273 : vector<1x128xf32>
    %slice3A_275 = vector.extract_strided_slice %add3A_78 {offsets = [1536, 0], sizes = [256, 128], strides = [1, 1]} : vector<2048x128xf32> to vector<256x128xf32>
    %dot_general3A_276 = arith.constant dense<0.000000e+00> : vector<256x128xf32>
    %dot_general3A_277 = tpu.matmul %convert_element_type3A_99, %slice3A_275, %dot_general3A_276 {dimension_numbers = #tpu.dot_dimension_numbers<[1], [0], [0], [1], [0, 0, 1, 1], [], []>, transpose_lhs_hint = false} : vector<256x256xf32>, vector<256x128xf32>, vector<256x128xf32> -> vector<256x128xf32>
    %add3A_278 = vector.broadcast %add3A_274 : vector<1x128xf32> to vector<256x128xf32>
    %add3A_279 = arith.addf %dot_general3A_277, %add3A_278 : vector<256x128xf32>
    %add3A_280 = vector.broadcast %dot_general3A_94 : vector<1x128xf32> to vector<256x128xf32>
    %add3A_281 = arith.addf %add3A_279, %add3A_280 : vector<256x128xf32>
    %slice3A_282 = vector.extract_strided_slice %convert_element_type3A_73 {offsets = [1536, 0], sizes = [256, 128], strides = [1, 1]} : vector<2048x128xf32> to vector<256x128xf32>
    %slice3A_283 = vector.extract_strided_slice %convert_element_type3A_77 {offsets = [1536, 0], sizes = [256, 128], strides = [1, 1]} : vector<2048x128xf32> to vector<256x128xf32>
    %mul3A_284 = arith.mulf %add3A_281, %slice3A_282 : vector<256x128xf32>
    %reduce_sum3A_285 = arith.constant dense<0.000000e+00> : vector<256xf32>
    %reduce_sum3A_286 = vector.multi_reduction <add>, %mul3A_284, %reduce_sum3A_285 [1] : vector<256x128xf32> to vector<256xf32>
    %broadcast_in_dim3A_287 = vector.shape_cast %reduce_sum3A_286 : vector<256xf32> to vector<256x1xf32>
    %mul3A_288 = arith.mulf %add3A_281, %slice3A_283 : vector<256x128xf32>
    %reduce_sum3A_289 = arith.constant dense<0.000000e+00> : vector<256xf32>
    %reduce_sum3A_290 = vector.multi_reduction <add>, %mul3A_288, %reduce_sum3A_289 [1] : vector<256x128xf32> to vector<256xf32>
    %broadcast_in_dim3A_291 = vector.shape_cast %reduce_sum3A_290 : vector<256xf32> to vector<256x1xf32>
    %convert_element_type3A_292 = arith.fptosi %broadcast_in_dim3A_287 : vector<256x1xf32> to vector<256x1xi32>
    %swap3A_293 = arith.constant 1536 : index
    %swap3A_294 = arith.constant 0 : index
    %swap3A_295 = vector.load %arg6[%swap3A_293, %swap3A_294] : memref<2048x2xi32, #tpu.memory_space<vmem>>, vector<256x1xi32>
    tpu.vector_store %arg6[%swap3A_293, %swap3A_294], %convert_element_type3A_292 {strides = array<i32>} : memref<2048x2xi32, #tpu.memory_space<vmem>>, vector<256x1xi32>,
    %convert_element_type3A_296 = arith.fptosi %broadcast_in_dim3A_291 : vector<256x1xf32> to vector<256x1xi32>
    %swap3A_297 = arith.constant 1536 : index
    %swap3A_298 = arith.constant 1 : index
    %swap3A_299 = vector.load %arg6[%swap3A_297, %swap3A_298] : memref<2048x2xi32, #tpu.memory_space<vmem>>, vector<256x1xi32>
    tpu.vector_store %arg6[%swap3A_297, %swap3A_298], %convert_element_type3A_296 {strides = array<i32>} : memref<2048x2xi32, #tpu.memory_space<vmem>>, vector<256x1xi32>,
    %reduce_sum3A_300 = arith.constant dense<0.000000e+00> : vector<128xf32>
    %reduce_sum3A_301 = vector.multi_reduction <add>, %slice3A_275, %reduce_sum3A_300 [0] : vector<256x128xf32> to vector<128xf32>
    %broadcast_in_dim3A_302 = vector.shape_cast %reduce_sum3A_301 : vector<128xf32> to vector<1x128xf32>
    %add3A_303 = arith.addf %add3A_274, %broadcast_in_dim3A_302 : vector<1x128xf32>
    %slice3A_304 = vector.extract_strided_slice %add3A_78 {offsets = [1792, 0], sizes = [256, 128], strides = [1, 1]} : vector<2048x128xf32> to vector<256x128xf32>
    %dot_general3A_305 = arith.constant dense<0.000000e+00> : vector<256x128xf32>
    %dot_general3A_306 = tpu.matmul %convert_element_type3A_99, %slice3A_304, %dot_general3A_305 {dimension_numbers = #tpu.dot_dimension_numbers<[1], [0], [0], [1], [0, 0, 1, 1], [], []>, transpose_lhs_hint = false} : vector<256x256xf32>, vector<256x128xf32>, vector<256x128xf32> -> vector<256x128xf32>
    %add3A_307 = vector.broadcast %add3A_303 : vector<1x128xf32> to vector<256x128xf32>
    %add3A_308 = arith.addf %dot_general3A_306, %add3A_307 : vector<256x128xf32>
    %add3A_309 = vector.broadcast %dot_general3A_94 : vector<1x128xf32> to vector<256x128xf32>
    %add3A_310 = arith.addf %add3A_308, %add3A_309 : vector<256x128xf32>
    %slice3A_311 = vector.extract_strided_slice %convert_element_type3A_73 {offsets = [1792, 0], sizes = [256, 128], strides = [1, 1]} : vector<2048x128xf32> to vector<256x128xf32>
    %slice3A_312 = vector.extract_strided_slice %convert_element_type3A_77 {offsets = [1792, 0], sizes = [256, 128], strides = [1, 1]} : vector<2048x128xf32> to vector<256x128xf32>
    %mul3A_313 = arith.mulf %add3A_310, %slice3A_311 : vector<256x128xf32>
    %reduce_sum3A_314 = arith.constant dense<0.000000e+00> : vector<256xf32>
    %reduce_sum3A_315 = vector.multi_reduction <add>, %mul3A_313, %reduce_sum3A_314 [1] : vector<256x128xf32> to vector<256xf32>
    %broadcast_in_dim3A_316 = vector.shape_cast %reduce_sum3A_315 : vector<256xf32> to vector<256x1xf32>
    %mul3A_317 = arith.mulf %add3A_310, %slice3A_312 : vector<256x128xf32>
    %reduce_sum3A_318 = arith.constant dense<0.000000e+00> : vector<256xf32>
    %reduce_sum3A_319 = vector.multi_reduction <add>, %mul3A_317, %reduce_sum3A_318 [1] : vector<256x128xf32> to vector<256xf32>
    %broadcast_in_dim3A_320 = vector.shape_cast %reduce_sum3A_319 : vector<256xf32> to vector<256x1xf32>
    %convert_element_type3A_321 = arith.fptosi %broadcast_in_dim3A_316 : vector<256x1xf32> to vector<256x1xi32>
    %swap3A_322 = arith.constant 1792 : index
    %swap3A_323 = arith.constant 0 : index
    %swap3A_324 = vector.load %arg6[%swap3A_322, %swap3A_323] : memref<2048x2xi32, #tpu.memory_space<vmem>>, vector<256x1xi32>
    tpu.vector_store %arg6[%swap3A_322, %swap3A_323], %convert_element_type3A_321 {strides = array<i32>} : memref<2048x2xi32, #tpu.memory_space<vmem>>, vector<256x1xi32>,
    %convert_element_type3A_325 = arith.fptosi %broadcast_in_dim3A_320 : vector<256x1xf32> to vector<256x1xi32>
    %swap3A_326 = arith.constant 1792 : index
    %swap3A_327 = arith.constant 1 : index
    %swap3A_328 = vector.load %arg6[%swap3A_326, %swap3A_327] : memref<2048x2xi32, #tpu.memory_space<vmem>>, vector<256x1xi32>
    tpu.vector_store %arg6[%swap3A_326, %swap3A_327], %convert_element_type3A_325 {strides = array<i32>} : memref<2048x2xi32, #tpu.memory_space<vmem>>, vector<256x1xi32>,
    %mul3A_329 = arith.constant 3.906250e-03 : f32
    %mul3A_330 = vector.broadcast %mul3A_329 : f32 to vector<1x128xf32>
    %mul3A_331 = arith.mulf %mul3A_87, %mul3A_330 : vector<1x128xf32>
    %le3A = arith.cmpi sle, %iota3A_88, %iota3A_89 : vector<128x128xi32>
    %convert_element_type3A_332 = arith.extui %le3A : vector<128x128xi1> to vector<128x128xi32>
    %convert_element_type3A_333 = arith.sitofp %convert_element_type3A_332 : vector<128x128xi32> to vector<128x128xf32>
    %dot_general3A_334 = arith.constant dense<0.000000e+00> : vector<1x128xf32>
    %dot_general3A_335 = tpu.matmul %mul3A_331, %convert_element_type3A_333, %dot_general3A_334 {dimension_numbers = #tpu.dot_dimension_numbers<[1], [0], [0], [1], [0, 0, 1, 1], [], []>, transpose_lhs_hint = false} : vector<1x128xf32>, vector<128x128xf32>, vector<1x128xf32> -> vector<1x128xf32>
    %iota3A_336 = tpu.iota {dimensions = array<i32: 1>} : vector<1x128xi32>
    %convert_element_type3A_337 = arith.sitofp %iota3A_336 : vector<1x128xi32> to vector<1x128xf32>
    %broadcast_in_dim3A_338 = arith.constant 0.000000e+00 : f32
    %broadcast_in_dim3A_339 = vector.broadcast %broadcast_in_dim3A_338 : f32 to vector<1x128xf32>
    %slice3A_340 = vector.extract_strided_slice %iota3A {offsets = [0, 0], sizes = [1, 128], strides = [1, 1]} : vector<2048x128xi32> to vector<1x128xi32>
    %eq3A_341 = arith.constant 0 : i32
    %eq3A_342 = vector.broadcast %eq3A_341 : i32 to vector<1x128xi32>
    %eq3A_343 = arith.cmpi eq, %slice3A_340, %eq3A_342 : vector<1x128xi32>
    %jit3A_344 = arith.constant 0.000000e+00 : f32
    %broadcast_in_dim3A_345 = vector.broadcast %jit3A_344 : f32 to vector<1x128xf32>
    %select_n3A_346 = arith.select %eq3A_343, %dot_general3A_335, %broadcast_in_dim3A_345 : vector<1x128xi1>, vector<1x128xf32>
    %reduce_sum3A_347 = vector.shape_cast %select_n3A_346 : vector<1x128xf32> to vector<1x1x128xf32>
    %reduce_sum3A_348 = arith.constant dense<0.000000e+00> : vector<1xf32>
    %reduce_sum3A_349 = vector.multi_reduction <add>, %reduce_sum3A_347, %reduce_sum3A_348 [1, 2] : vector<1x1x128xf32> to vector<1xf32>
    %reduce_sum3A_350 = vector.shape_cast %reduce_sum3A_349 : vector<1xf32> to vector<1x1x1xf32>
    %reduce_sum3A_351 = vector.extract %reduce_sum3A_350[0, 0, 0] : f32 from vector<1x1x1xf32>
    %ge3A = vector.broadcast %reduce_sum3A_351 : f32 to vector<1x128xf32>
    %ge3A_352 = arith.cmpf oge, %convert_element_type3A_337, %ge3A : vector<1x128xf32>
    %convert_element_type3A_353 = arith.extui %ge3A_352 : vector<1x128xi1> to vector<1x128xi32>
    %convert_element_type3A_354 = arith.sitofp %convert_element_type3A_353 : vector<1x128xi32> to vector<1x128xf32>
    %add3A_355 = arith.addf %broadcast_in_dim3A_339, %convert_element_type3A_354 : vector<1x128xf32>
    %slice3A_356 = vector.extract_strided_slice %iota3A {offsets = [0, 0], sizes = [1, 128], strides = [1, 1]} : vector<2048x128xi32> to vector<1x128xi32>
    %eq3A_357 = arith.constant 1 : i32
    %eq3A_358 = vector.broadcast %eq3A_357 : i32 to vector<1x128xi32>
    %eq3A_359 = arith.cmpi eq, %slice3A_356, %eq3A_358 : vector<1x128xi32>
    %jit3A_360 = arith.constant 0.000000e+00 : f32
    %broadcast_in_dim3A_361 = vector.broadcast %jit3A_360 : f32 to vector<1x128xf32>
    %select_n3A_362 = arith.select %eq3A_359, %dot_general3A_335, %broadcast_in_dim3A_361 : vector<1x128xi1>, vector<1x128xf32>
    %reduce_sum3A_363 = vector.shape_cast %select_n3A_362 : vector<1x128xf32> to vector<1x1x128xf32>
    %reduce_sum3A_364 = arith.constant dense<0.000000e+00> : vector<1xf32>
    %reduce_sum3A_365 = vector.multi_reduction <add>, %reduce_sum3A_363, %reduce_sum3A_364 [1, 2] : vector<1x1x128xf32> to vector<1xf32>
    %reduce_sum3A_366 = vector.shape_cast %reduce_sum3A_365 : vector<1xf32> to vector<1x1x1xf32>
    %reduce_sum3A_367 = vector.extract %reduce_sum3A_366[0, 0, 0] : f32 from vector<1x1x1xf32>
    %ge3A_368 = vector.broadcast %reduce_sum3A_367 : f32 to vector<1x128xf32>
    %ge3A_369 = arith.cmpf oge, %convert_element_type3A_337, %ge3A_368 : vector<1x128xf32>
    %convert_element_type3A_370 = arith.extui %ge3A_369 : vector<1x128xi1> to vector<1x128xi32>
    %convert_element_type3A_371 = arith.sitofp %convert_element_type3A_370 : vector<1x128xi32> to vector<1x128xf32>
    %add3A_372 = arith.addf %add3A_355, %convert_element_type3A_371 : vector<1x128xf32>
    %slice3A_373 = vector.extract_strided_slice %iota3A {offsets = [0, 0], sizes = [1, 128], strides = [1, 1]} : vector<2048x128xi32> to vector<1x128xi32>
    %eq3A_374 = arith.constant 2 : i32
    %eq3A_375 = vector.broadcast %eq3A_374 : i32 to vector<1x128xi32>
    %eq3A_376 = arith.cmpi eq, %slice3A_373, %eq3A_375 : vector<1x128xi32>
    %jit3A_377 = arith.constant 0.000000e+00 : f32
    %broadcast_in_dim3A_378 = vector.broadcast %jit3A_377 : f32 to vector<1x128xf32>
    %select_n3A_379 = arith.select %eq3A_376, %dot_general3A_335, %broadcast_in_dim3A_378 : vector<1x128xi1>, vector<1x128xf32>
    %reduce_sum3A_380 = vector.shape_cast %select_n3A_379 : vector<1x128xf32> to vector<1x1x128xf32>
    %reduce_sum3A_381 = arith.constant dense<0.000000e+00> : vector<1xf32>
    %reduce_sum3A_382 = vector.multi_reduction <add>, %reduce_sum3A_380, %reduce_sum3A_381 [1, 2] : vector<1x1x128xf32> to vector<1xf32>
    %reduce_sum3A_383 = vector.shape_cast %reduce_sum3A_382 : vector<1xf32> to vector<1x1x1xf32>
    %reduce_sum3A_384 = vector.extract %reduce_sum3A_383[0, 0, 0] : f32 from vector<1x1x1xf32>
    %ge3A_385 = vector.broadcast %reduce_sum3A_384 : f32 to vector<1x128xf32>
    %ge3A_386 = arith.cmpf oge, %convert_element_type3A_337, %ge3A_385 : vector<1x128xf32>
    %convert_element_type3A_387 = arith.extui %ge3A_386 : vector<1x128xi1> to vector<1x128xi32>
    %convert_element_type3A_388 = arith.sitofp %convert_element_type3A_387 : vector<1x128xi32> to vector<1x128xf32>
    %add3A_389 = arith.addf %add3A_372, %convert_element_type3A_388 : vector<1x128xf32>
    %slice3A_390 = vector.extract_strided_slice %iota3A {offsets = [0, 0], sizes = [1, 128], strides = [1, 1]} : vector<2048x128xi32> to vector<1x128xi32>
    %eq3A_391 = arith.constant 3 : i32
    %eq3A_392 = vector.broadcast %eq3A_391 : i32 to vector<1x128xi32>
    %eq3A_393 = arith.cmpi eq, %slice3A_390, %eq3A_392 : vector<1x128xi32>
    %jit3A_394 = arith.constant 0.000000e+00 : f32
    %broadcast_in_dim3A_395 = vector.broadcast %jit3A_394 : f32 to vector<1x128xf32>
    %select_n3A_396 = arith.select %eq3A_393, %dot_general3A_335, %broadcast_in_dim3A_395 : vector<1x128xi1>, vector<1x128xf32>
    %reduce_sum3A_397 = vector.shape_cast %select_n3A_396 : vector<1x128xf32> to vector<1x1x128xf32>
    %reduce_sum3A_398 = arith.constant dense<0.000000e+00> : vector<1xf32>
    %reduce_sum3A_399 = vector.multi_reduction <add>, %reduce_sum3A_397, %reduce_sum3A_398 [1, 2] : vector<1x1x128xf32> to vector<1xf32>
    %reduce_sum3A_400 = vector.shape_cast %reduce_sum3A_399 : vector<1xf32> to vector<1x1x1xf32>
    %reduce_sum3A_401 = vector.extract %reduce_sum3A_400[0, 0, 0] : f32 from vector<1x1x1xf32>
    %ge3A_402 = vector.broadcast %reduce_sum3A_401 : f32 to vector<1x128xf32>
    %ge3A_403 = arith.cmpf oge, %convert_element_type3A_337, %ge3A_402 : vector<1x128xf32>
    %convert_element_type3A_404 = arith.extui %ge3A_403 : vector<1x128xi1> to vector<1x128xi32>
    %convert_element_type3A_405 = arith.sitofp %convert_element_type3A_404 : vector<1x128xi32> to vector<1x128xf32>
    %add3A_406 = arith.addf %add3A_389, %convert_element_type3A_405 : vector<1x128xf32>
    %slice3A_407 = vector.extract_strided_slice %iota3A {offsets = [0, 0], sizes = [1, 128], strides = [1, 1]} : vector<2048x128xi32> to vector<1x128xi32>
    %eq3A_408 = arith.constant 4 : i32
    %eq3A_409 = vector.broadcast %eq3A_408 : i32 to vector<1x128xi32>
    %eq3A_410 = arith.cmpi eq, %slice3A_407, %eq3A_409 : vector<1x128xi32>
    %jit3A_411 = arith.constant 0.000000e+00 : f32
    %broadcast_in_dim3A_412 = vector.broadcast %jit3A_411 : f32 to vector<1x128xf32>
    %select_n3A_413 = arith.select %eq3A_410, %dot_general3A_335, %broadcast_in_dim3A_412 : vector<1x128xi1>, vector<1x128xf32>
    %reduce_sum3A_414 = vector.shape_cast %select_n3A_413 : vector<1x128xf32> to vector<1x1x128xf32>
    %reduce_sum3A_415 = arith.constant dense<0.000000e+00> : vector<1xf32>
    %reduce_sum3A_416 = vector.multi_reduction <add>, %reduce_sum3A_414, %reduce_sum3A_415 [1, 2] : vector<1x1x128xf32> to vector<1xf32>
    %reduce_sum3A_417 = vector.shape_cast %reduce_sum3A_416 : vector<1xf32> to vector<1x1x1xf32>
    %reduce_sum3A_418 = vector.extract %reduce_sum3A_417[0, 0, 0] : f32 from vector<1x1x1xf32>
    %ge3A_419 = vector.broadcast %reduce_sum3A_418 : f32 to vector<1x128xf32>
    %ge3A_420 = arith.cmpf oge, %convert_element_type3A_337, %ge3A_419 : vector<1x128xf32>
    %convert_element_type3A_421 = arith.extui %ge3A_420 : vector<1x128xi1> to vector<1x128xi32>
    %convert_element_type3A_422 = arith.sitofp %convert_element_type3A_421 : vector<1x128xi32> to vector<1x128xf32>
    %add3A_423 = arith.addf %add3A_406, %convert_element_type3A_422 : vector<1x128xf32>
    %slice3A_424 = vector.extract_strided_slice %iota3A {offsets = [0, 0], sizes = [1, 128], strides = [1, 1]} : vector<2048x128xi32> to vector<1x128xi32>
    %eq3A_425 = arith.constant 5 : i32
    %eq3A_426 = vector.broadcast %eq3A_425 : i32 to vector<1x128xi32>
    %eq3A_427 = arith.cmpi eq, %slice3A_424, %eq3A_426 : vector<1x128xi32>
    %jit3A_428 = arith.constant 0.000000e+00 : f32
    %broadcast_in_dim3A_429 = vector.broadcast %jit3A_428 : f32 to vector<1x128xf32>
    %select_n3A_430 = arith.select %eq3A_427, %dot_general3A_335, %broadcast_in_dim3A_429 : vector<1x128xi1>, vector<1x128xf32>
    %reduce_sum3A_431 = vector.shape_cast %select_n3A_430 : vector<1x128xf32> to vector<1x1x128xf32>
    %reduce_sum3A_432 = arith.constant dense<0.000000e+00> : vector<1xf32>
    %reduce_sum3A_433 = vector.multi_reduction <add>, %reduce_sum3A_431, %reduce_sum3A_432 [1, 2] : vector<1x1x128xf32> to vector<1xf32>
    %reduce_sum3A_434 = vector.shape_cast %reduce_sum3A_433 : vector<1xf32> to vector<1x1x1xf32>
    %reduce_sum3A_435 = vector.extract %reduce_sum3A_434[0, 0, 0] : f32 from vector<1x1x1xf32>
    %ge3A_436 = vector.broadcast %reduce_sum3A_435 : f32 to vector<1x128xf32>
    %ge3A_437 = arith.cmpf oge, %convert_element_type3A_337, %ge3A_436 : vector<1x128xf32>
    %convert_element_type3A_438 = arith.extui %ge3A_437 : vector<1x128xi1> to vector<1x128xi32>
    %convert_element_type3A_439 = arith.sitofp %convert_element_type3A_438 : vector<1x128xi32> to vector<1x128xf32>
    %add3A_440 = arith.addf %add3A_423, %convert_element_type3A_439 : vector<1x128xf32>
    %slice3A_441 = vector.extract_strided_slice %iota3A {offsets = [0, 0], sizes = [1, 128], strides = [1, 1]} : vector<2048x128xi32> to vector<1x128xi32>
    %eq3A_442 = arith.constant 6 : i32
    %eq3A_443 = vector.broadcast %eq3A_442 : i32 to vector<1x128xi32>
    %eq3A_444 = arith.cmpi eq, %slice3A_441, %eq3A_443 : vector<1x128xi32>
    %jit3A_445 = arith.constant 0.000000e+00 : f32
    %broadcast_in_dim3A_446 = vector.broadcast %jit3A_445 : f32 to vector<1x128xf32>
    %select_n3A_447 = arith.select %eq3A_444, %dot_general3A_335, %broadcast_in_dim3A_446 : vector<1x128xi1>, vector<1x128xf32>
    %reduce_sum3A_448 = vector.shape_cast %select_n3A_447 : vector<1x128xf32> to vector<1x1x128xf32>
    %reduce_sum3A_449 = arith.constant dense<0.000000e+00> : vector<1xf32>
    %reduce_sum3A_450 = vector.multi_reduction <add>, %reduce_sum3A_448, %reduce_sum3A_449 [1, 2] : vector<1x1x128xf32> to vector<1xf32>
    %reduce_sum3A_451 = vector.shape_cast %reduce_sum3A_450 : vector<1xf32> to vector<1x1x1xf32>
    %reduce_sum3A_452 = vector.extract %reduce_sum3A_451[0, 0, 0] : f32 from vector<1x1x1xf32>
    %ge3A_453 = vector.broadcast %reduce_sum3A_452 : f32 to vector<1x128xf32>
    %ge3A_454 = arith.cmpf oge, %convert_element_type3A_337, %ge3A_453 : vector<1x128xf32>
    %convert_element_type3A_455 = arith.extui %ge3A_454 : vector<1x128xi1> to vector<1x128xi32>
    %convert_element_type3A_456 = arith.sitofp %convert_element_type3A_455 : vector<1x128xi32> to vector<1x128xf32>
    %add3A_457 = arith.addf %add3A_440, %convert_element_type3A_456 : vector<1x128xf32>
    %convert_element_type3A_458 = arith.fptosi %add3A_457 : vector<1x128xf32> to vector<1x128xi32>
    %swap3A_459 = arith.constant 0 : index
    %swap3A_460 = arith.constant 0 : index
    %swap3A_461 = vector.load %arg7[%swap3A_459, %swap3A_460] : memref<1x128xi32, #tpu.memory_space<vmem>>, vector<1x128xi32>
    tpu.vector_store %arg7[%swap3A_459, %swap3A_460], %convert_element_type3A_458 {strides = array<i32>} : memref<1x128xi32, #tpu.memory_space<vmem>>, vector<1x128xi32>,
    return
  }
}

module attributes {stable_mosaic.version = 14 : i64} {
  func.func @_ffn_body(%arg0: i32, %arg1: memref<23xi32, #tpu.memory_space<smem>>, %arg2: memref<256x1024xf32, #tpu.memory_space<vmem>>, %arg3: memref<1x1024x2048xf32, #tpu.memory_space<vmem>>, %arg4: memref<1x1024x1024xf32, #tpu.memory_space<vmem>>, %arg5: memref<256x1024xf32, #tpu.memory_space<vmem>>) attributes {dimension_semantics = [#tpu.dimension_semantics<arbitrary>], iteration_bounds = array<i64: 23>, scalar_prefetch = 1 : i64, scratch_operands = 0 : i64, tpu.core_type = #tpu.core_type<tc>, window_params = [{transform_indices = @transform_0, window_bounds = array<i64: 256, 1024>}, {transform_indices = @transform_1, window_bounds = array<i64: 1, 1024, 2048>}, {transform_indices = @transform_2, window_bounds = array<i64: 1, 1024, 1024>}, {transform_indices = @transform_3, window_bounds = array<i64: 256, 1024>}]} {
    %get3A = arith.constant 0 : index
    %get3A_0 = arith.constant 0 : index
    %get3A_1 = vector.load %arg2[%get3A, %get3A_0] : memref<256x1024xf32, #tpu.memory_space<vmem>>, vector<256x1024xf32>
    %convert_element_type3A = arith.truncf %get3A_1 : vector<256x1024xf32> to vector<256x1024xbf16>
    %get3A_2 = arith.constant 0 : index
    %get3A_3 = arith.constant 0 : index
    %get3A_4 = arith.constant 0 : index
    %get3A_5 = vector.load %arg3[%get3A_2, %get3A_3, %get3A_4] : memref<1x1024x2048xf32, #tpu.memory_space<vmem>>, vector<1x1024x2048xf32>
    %get3A_6 = vector.shape_cast %get3A_5 : vector<1x1024x2048xf32> to vector<1024x2048xf32>
    %convert_element_type3A_7 = arith.truncf %get3A_6 : vector<1024x2048xf32> to vector<1024x2048xbf16>
    %dot_general3A = arith.constant dense<0.000000e+00> : vector<256x2048xf32>
    %dot_general3A_8 = tpu.matmul %convert_element_type3A, %convert_element_type3A_7, %dot_general3A {dimension_numbers = #tpu.dot_dimension_numbers<[1], [0], [0], [1], [0, 0, 1, 1], [], []>, transpose_lhs_hint = false} : vector<256x1024xbf16>, vector<1024x2048xbf16>, vector<256x2048xf32> -> vector<256x2048xf32>
    %slice3A = vector.extract_strided_slice %dot_general3A_8 {offsets = [0, 0], sizes = [256, 1024], strides = [1, 1]} : vector<256x2048xf32> to vector<256x1024xf32>
    %slice3A_9 = vector.extract_strided_slice %dot_general3A_8 {offsets = [0, 1024], sizes = [256, 1024], strides = [1, 1]} : vector<256x2048xf32> to vector<256x1024xf32>
    %logistic3A = arith.negf %slice3A_9 : vector<256x1024xf32>
    %logistic3A_10 = math.exp %logistic3A : vector<256x1024xf32>
    %logistic3A_11 = arith.constant 1.000000e+00 : f32
    %logistic3A_12 = vector.broadcast %logistic3A_11 : f32 to vector<256x1024xf32>
    %logistic3A_13 = arith.addf %logistic3A_12, %logistic3A_10 : vector<256x1024xf32>
    %logistic3A_14 = arith.divf %logistic3A_12, %logistic3A_13 : vector<256x1024xf32>
    %mul3A = arith.mulf %slice3A_9, %logistic3A_14 : vector<256x1024xf32>
    %mul3A_15 = arith.mulf %mul3A, %slice3A : vector<256x1024xf32>
    %convert_element_type3A_16 = arith.truncf %mul3A_15 : vector<256x1024xf32> to vector<256x1024xbf16>
    %get3A_17 = arith.constant 0 : index
    %get3A_18 = arith.constant 0 : index
    %get3A_19 = arith.constant 0 : index
    %get3A_20 = vector.load %arg4[%get3A_17, %get3A_18, %get3A_19] : memref<1x1024x1024xf32, #tpu.memory_space<vmem>>, vector<1x1024x1024xf32>
    %get3A_21 = vector.shape_cast %get3A_20 : vector<1x1024x1024xf32> to vector<1024x1024xf32>
    %convert_element_type3A_22 = arith.truncf %get3A_21 : vector<1024x1024xf32> to vector<1024x1024xbf16>
    %dot_general3A_23 = arith.constant dense<0.000000e+00> : vector<256x1024xf32>
    %dot_general3A_24 = tpu.matmul %convert_element_type3A_16, %convert_element_type3A_22, %dot_general3A_23 {dimension_numbers = #tpu.dot_dimension_numbers<[1], [0], [0], [1], [0, 0, 1, 1], [], []>, transpose_lhs_hint = false} : vector<256x1024xbf16>, vector<1024x1024xbf16>, vector<256x1024xf32> -> vector<256x1024xf32>
    %swap3A = arith.constant 0 : index
    %swap3A_25 = arith.constant 0 : index
    %swap3A_26 = vector.load %arg5[%swap3A, %swap3A_25] : memref<256x1024xf32, #tpu.memory_space<vmem>>, vector<256x1024xf32>
    tpu.vector_store %arg5[%swap3A, %swap3A_25], %dot_general3A_24 {strides = array<i32>} : memref<256x1024xf32, #tpu.memory_space<vmem>>, vector<256x1024xf32>,
    return
  }
  func.func @transform_0(%arg0: i32, %arg1: memref<23xi32, #tpu.memory_space<smem>>) -> (i32, i32) {
    %c0_i32 = arith.constant 0 : i32
    %c0_i32_0 = arith.constant 0 : i32
    return %arg0, %c0_i32 : i32, i32
  }
  func.func @transform_1(%arg0: i32, %arg1: memref<23xi32, #tpu.memory_space<smem>>) -> (i32, i32, i32) {
    %get3A = arith.index_cast %arg0 : i32 to index
    %get3A_0 = memref.load %arg1[%get3A] : memref<23xi32, #tpu.memory_space<smem>>
    %c0_i32 = arith.constant 0 : i32
    %c0_i32_1 = arith.constant 0 : i32
    %c0_i32_2 = arith.constant 0 : i32
    return %get3A_0, %c0_i32, %c0_i32_1 : i32, i32, i32
  }
  func.func @transform_2(%arg0: i32, %arg1: memref<23xi32, #tpu.memory_space<smem>>) -> (i32, i32, i32) {
    %get3A = arith.index_cast %arg0 : i32 to index
    %get3A_0 = memref.load %arg1[%get3A] : memref<23xi32, #tpu.memory_space<smem>>
    %c0_i32 = arith.constant 0 : i32
    %c0_i32_1 = arith.constant 0 : i32
    %c0_i32_2 = arith.constant 0 : i32
    return %get3A_0, %c0_i32, %c0_i32_1 : i32, i32, i32
  }
  func.func @transform_3(%arg0: i32, %arg1: memref<23xi32, #tpu.memory_space<smem>>) -> (i32, i32) {
    %c0_i32 = arith.constant 0 : i32
    %c0_i32_0 = arith.constant 0 : i32
    return %arg0, %c0_i32 : i32, i32
  }
}

module attributes {stable_mosaic.version = 14 : i64} {
  func.func @_combine_body(%arg0: i32, %arg1: memref<512x1024xf32, #tpu.memory_space<vmem>>, %arg2: memref<512x2x1024xf32, #tpu.memory_space<vmem>>, %arg3: memref<512x2xf32, #tpu.memory_space<vmem>>, %arg4: memref<512x1024xf32, #tpu.memory_space<vmem>>) attributes {dimension_semantics = [#tpu.dimension_semantics<arbitrary>], iteration_bounds = array<i64: 4>, scalar_prefetch = 0 : i64, scratch_operands = 0 : i64, tpu.core_type = #tpu.core_type<tc>, window_params = [{transform_indices = @transform_0, window_bounds = array<i64: 512, 1024>}, {transform_indices = @transform_1, window_bounds = array<i64: 512, 2, 1024>}, {transform_indices = @transform_2, window_bounds = array<i64: 512, 2>}, {transform_indices = @transform_3, window_bounds = array<i64: 512, 1024>}]} {
    %get3A = arith.constant 0 : index
    %get3A_0 = arith.constant 0 : index
    %get3A_1 = vector.load %arg3[%get3A, %get3A_0] : memref<512x2xf32, #tpu.memory_space<vmem>>, vector<512x2xf32>
    %get3A_2 = arith.constant 0 : index
    %get3A_3 = arith.constant 0 : index
    %get3A_4 = vector.load %arg1[%get3A_2, %get3A_3] : memref<512x1024xf32, #tpu.memory_space<vmem>>, vector<512x1024xf32>
    %slice3A = vector.extract_strided_slice %get3A_1 {offsets = [0, 0], sizes = [512, 1], strides = [1, 1]} : vector<512x2xf32> to vector<512x1xf32>
    %get3A_5 = arith.constant 0 : index
    %get3A_6 = arith.constant 0 : index
    %get3A_7 = arith.constant 0 : index
    %get3A_8 = vector.load %arg2[%get3A_5, %get3A_6, %get3A_7] : memref<512x2x1024xf32, #tpu.memory_space<vmem>>, vector<512x1x1024xf32>
    %get3A_9 = vector.shape_cast %get3A_8 : vector<512x1x1024xf32> to vector<512x1024xf32>
    %mul3A = vector.broadcast %slice3A : vector<512x1xf32> to vector<512x1024xf32>
    %mul3A_10 = arith.mulf %mul3A, %get3A_9 : vector<512x1024xf32>
    %add3A = arith.addf %get3A_4, %mul3A_10 : vector<512x1024xf32>
    %slice3A_11 = vector.extract_strided_slice %get3A_1 {offsets = [0, 1], sizes = [512, 1], strides = [1, 1]} : vector<512x2xf32> to vector<512x1xf32>
    %get3A_12 = arith.constant 0 : index
    %get3A_13 = arith.constant 1 : index
    %get3A_14 = arith.constant 0 : index
    %get3A_15 = vector.load %arg2[%get3A_12, %get3A_13, %get3A_14] : memref<512x2x1024xf32, #tpu.memory_space<vmem>>, vector<512x1x1024xf32>
    %get3A_16 = vector.shape_cast %get3A_15 : vector<512x1x1024xf32> to vector<512x1024xf32>
    %mul3A_17 = vector.broadcast %slice3A_11 : vector<512x1xf32> to vector<512x1024xf32>
    %mul3A_18 = arith.mulf %mul3A_17, %get3A_16 : vector<512x1024xf32>
    %add3A_19 = arith.addf %add3A, %mul3A_18 : vector<512x1024xf32>
    %swap3A = arith.constant 0 : index
    %swap3A_20 = arith.constant 0 : index
    %swap3A_21 = vector.load %arg4[%swap3A, %swap3A_20] : memref<512x1024xf32, #tpu.memory_space<vmem>>, vector<512x1024xf32>
    tpu.vector_store %arg4[%swap3A, %swap3A_20], %add3A_19 {strides = array<i32>} : memref<512x1024xf32, #tpu.memory_space<vmem>>, vector<512x1024xf32>,
    return
  }
  func.func @transform_0(%arg0: i32) -> (i32, i32) {
    %c0_i32 = arith.constant 0 : i32
    %c0_i32_0 = arith.constant 0 : i32
    return %arg0, %c0_i32 : i32, i32
  }
  func.func @transform_1(%arg0: i32) -> (i32, i32, i32) {
    %c0_i32 = arith.constant 0 : i32
    %c0_i32_0 = arith.constant 0 : i32
    %c0_i32_1 = arith.constant 0 : i32
    return %arg0, %c0_i32, %c0_i32_0 : i32, i32, i32
  }
  func.func @transform_2(%arg0: i32) -> (i32, i32) {
    %c0_i32 = arith.constant 0 : i32
    %c0_i32_0 = arith.constant 0 : i32
    return %arg0, %c0_i32 : i32, i32
  }
  func.func @transform_3(%arg0: i32) -> (i32, i32) {
    %c0_i32 = arith.constant 0 : i32
    %c0_i32_0 = arith.constant 0 : i32
    return %arg0, %c0_i32 : i32, i32
  }
}

</mosaic_0001>

<sc_bundles>
// kernel: kernel.12.cloned.1.call-start
scs
__scs_entry_jumppad:
0x0: {  	(pc) =	sbr.rel $0x88, $3  }
0x1: {  	(tag) =	ssettag $0x0;
	lr =	simm.s32 $0x1  }
0x2: {  	[smem:$0x3F95] =	sst lr;
	_ =	strace $0xD0000000  }
0x3: {  	_ = 	snop  }
0x4: {  	_ = 	snop  }
0x5: {  	_ = 	snop  }
0x6: {  	_ = 	snop  }
0x7: {  	_ = 	snop  }
__scs_overlays_trampoline_lowered:
0x8: {  	[smem:$0x3FA4] =	sst s0  }
0x9: {  	[smem:$0x3FA5] =	sst s1  }
0xa: {  	[smem:$0x3FA6] =	sst s2  }
0xb: {  	[smem:$0x3FA7] =	sst s3  }
0xc: {  	[smem:$0x3FA8] =	sst s4  }
0xd: {  	[smem:$0x3FA9] =	sst s5  }
0xe: {  	[smem:$0x3FAA] =	sst s6  }
0xf: {  	[smem:$0x3FAB] =	sst s7  }
0x10: {  	[smem:$0x3FAC] =	sst s8  }
0x11: {  	[smem:$0x3FAD] =	sst s9;
	s0 =	simm.s32 @!p0 $0x0  }
0x12: {  	s1 =	sld [smem:$0x3F93];
	s0 =	simm.s32 @p0 $0x1  }
0x13: {  	[smem:$0x3FAE] =	sst s0;
	s0 =	simm.s32 @!p1 $0x0  }
0x14: {  	s2 =	sld [smem:$0x3F92];
	s0 =	simm.s32 @p1 $0x1  }
0x15: {  	[smem:$0x3FAF] =	sst s0;
	s0 =	simm.s32 @!p2 $0x0  }
0x16: {  	s3 =	sld [smem:$0x3FDB];
	s0 =	simm.s32 @p2 $0x1  }
0x17: {  	s4 =	simm.s32 $0x1BF5;
	[smem:$0x3FB1] =	sst s0  }
0x18: {  	s0 =	sld [smem:$0x3F94];
	_ =	swait.ge [sflag:s4], $0x0  }
0x19: {  	s7 =	sld [smem:$0x3F95]  }
0x1a: {  	s8 =	sadd.s32 $0xFFFFE003, lr  }
0x1b: {  	s9 =	sadd.s32 $0xFFFFFEF7, lr;
	s5 =	simm.s32 $0xFFFFFFFF;
	p2 =	slt.u32 s8, $0xFFFFF086  }
0x1c: {  	p1 =	slt.u32 s9, $0xF7A;
	s5 =	simm.s32 @!p2 $0x0  }
0x1d: {  	s5 =	simm.s32 @p1 $0x1;
	p0 =	seq.s32 s7, s2  }
0x1e: {  	s7 =	smul.u32 @!p0 $0xF7A, s2;
	p2 =	seq.s32 @!p0 s5, $0x0  }
0x1f: {  	s9 =	smul.u32 $0xF7A, s1;
	s8 =	simm.s32 @!p0 $0x1BF5;
	p2 =	por !p2, p0  }
0x20: {  	[sflag:s8] =	ssyncset.s32 @!p0 $0xFFFFF086;
	s6 =	sadd.s32 @!p0 s3, s7;
	s7 =	simm.s32 @!p0 $0x108  }
0x21: {  	s3 =	sadd.s32 s3, s9;
	s6 =	sadd.s32 @!p0 $0x88, s6;
	s7 =	simm.s32 @p2 $0x1082  }
0x22: {  	[simem:s7], [sflag:s8] =	dma.local @!p0 [hbm:s6], $0xF7A  }
0x23: {  	s9 =	sor.u32 $0xD0000000, s2;
	s6 =	simm.s32 $0x108;
	_ =	swait.ge @!p0 [sflag:s8], $0x0  }
0x24: {  	s3 =	sadd.s32 $0x88, s3;
	s6 =	simm.s32 @!p1 $0x1082;
	[sflag:s4] =	ssyncset.s32 $0xFFFFF086  }
0x25: {  	[simem:s6], [sflag:s4] =	dma.local [hbm:s3], $0xF7A  }
0x26: {  	[smem:$0x3F95] =	sst s1;
	(tag) =	ssettag s2;
	_ =	strace s9  }
0x27: {  	s1 =	sld [smem:$0x3FA5]  }
0x28: {  	s2 =	sld [smem:$0x3FA6]  }
0x29: {  	s4 =	sld [smem:$0x3FA8]  }
0x2a: {  	p0 =	seq.s32 s5, $0x0;
	s5 =	sld [smem:$0x3FA9]  }
0x2b: {  	s6 =	sld [smem:$0x3FAA]  }
0x2c: {  	s7 =	sld [smem:$0x3FAB]  }
0x2d: {  	s3 =	simm.s32 $0x108;
	s8 =	sld [smem:$0x3FAC]  }
0x2e: {  	s3 =	simm.s32 @!p0 $0x1082;
	s9 =	sld [smem:$0x3FAD]  }
0x2f: {  	lr =	sadd.s32 s0, s3;
	s0 =	sld [smem:$0x3FA4]  }
0x30: {  	s3 =	sld [smem:$0x3FA7]  }
0x31: {  	[smem:$0x3FB0] =	sst s10  }
0x32: {  	s10 =	sld [smem:$0x3FAE];
	_ =	sdelay $0x3  }
0x33: {  	p0 =	seq.s32 s10, $0x1;
	s10 =	sld [smem:$0x3FB0];
	_ =	sdelay $0x3  }
0x34: {  	[smem:$0x3FB0] =	sst s10  }
0x35: {  	s10 =	sld [smem:$0x3FAF];
	_ =	sdelay $0x3  }
0x36: {  	p1 =	seq.s32 s10, $0x1;
	s10 =	sld [smem:$0x3FB0];
	_ =	sdelay $0x3  }
0x37: {  	[smem:$0x3FB0] =	sst s10  }
0x38: {  	s10 =	sld [smem:$0x3FB1]  }
0x39: {  	_ = 	snop;
	(pc) =	sbr.ind lr, $3  }
0x3a: {  	_ = 	snop  }
0x3b: {  	_ = 	snop  }
0x3c: {  	p2 =	seq.s32 s10, $0x1;
	s10 =	sld [smem:$0x3FB0]  }
0x3d: {  	_ =	shalt  }
0x3e: {  	_ =	shalt  }
0x3f: {  	_ =	shalt  }
0x40: {  	_ =	shalt  }
0x41: {  	_ =	shalt  }
0x42: {  	_ =	shalt  }
0x43: {  	_ =	shalt  }
0x44: {  	_ =	shalt  }
0x45: {  	_ =	shalt  }
0x46: {  	_ =	shalt  }
0x47: {  	_ =	shalt  }
0x48: {  	_ =	shalt  }
0x49: {  	_ =	shalt  }
0x4a: {  	_ =	shalt  }
0x4b: {  	_ =	shalt  }
0x4c: {  	_ =	shalt  }
0x4d: {  	_ =	shalt  }
0x4e: {  	_ =	shalt  }
0x4f: {  	_ =	shalt  }
0x50: {  	_ =	shalt  }
0x51: {  	_ =	shalt  }
0x52: {  	_ =	shalt  }
0x53: {  	_ =	shalt  }
0x54: {  	_ =	shalt  }
0x55: {  	_ =	shalt  }
0x56: {  	_ =	shalt  }
0x57: {  	_ =	shalt  }
0x58: {  	_ =	shalt  }
0x59: {  	_ =	shalt  }
0x5a: {  	_ =	shalt  }
0x5b: {  	_ =	shalt  }
0x5c: {  	_ =	shalt  }
0x5d: {  	_ =	shalt  }
0x5e: {  	_ =	shalt  }
0x5f: {  	_ =	shalt  }
0x60: {  	_ =	shalt  }
0x61: {  	_ =	shalt  }
0x62: {  	_ =	shalt  }
0x63: {  	_ =	shalt  }
0x64: {  	_ =	shalt  }
0x65: {  	_ =	shalt  }
0x66: {  	_ =	shalt  }
0x67: {  	_ =	shalt  }
0x68: {  	_ =	shalt  }
0x69: {  	_ =	shalt  }
0x6a: {  	_ =	shalt  }
0x6b: {  	_ =	shalt  }
0x6c: {  	_ =	shalt  }
0x6d: {  	_ =	shalt  }
0x6e: {  	_ =	shalt  }
0x6f: {  	_ =	shalt  }
0x70: {  	_ =	shalt  }
0x71: {  	_ =	shalt  }
0x72: {  	_ =	shalt  }
0x73: {  	_ =	shalt  }
0x74: {  	_ =	shalt  }
0x75: {  	_ =	shalt  }
0x76: {  	_ =	shalt  }
0x77: {  	_ =	shalt  }
0x78: {  	_ =	shalt  }
0x79: {  	_ =	shalt  }
0x7a: {  	_ =	shalt  }
0x7b: {  	_ =	shalt  }
0x7c: {  	_ =	shalt  }
0x7d: {  	_ =	shalt  }
0x7e: {  	_ =	shalt  }
0x7f: {  	_ =	shalt  }
0x80: {  	_ =	shalt  }
0x81: {  	_ =	shalt  }
0x82: {  	_ =	shalt  }
0x83: {  	_ =	shalt  }
0x84: {  	_ =	shalt  }
0x85: {  	_ =	shalt  }
0x86: {  	_ =	shalt  }
0x87: {  	_ =	shalt  }
.Lfunc_end0:
.L_simem_size_0:
called_computation.1_lowered:
.L_overlay_start_0:
0x88: {  	s2 =	sld [smem:$0x3FD9]  }
0x89: {  	s3 =	sld [smem:$0x3FFE];
	_ =	sdelay $0x1  }
0x8a: {  	s1 =	srdreg.scid  }
0x8b: {  	s0 =	sand.u32 $0x1, s1  }
0x8c: {  	s16 =	sshll.u32 s0, $0xA;
	s2 =	sadd.s32 s3, s2  }
0x8d: {  	s2 =	sadd.s32 s2, s16  }
0x8e: {  	[smem:$0x3FBC] =	sst s2  }
0x8f: {  	_ = 	snop  }
0x90: {  	(tm) =	ssettm $0x1  }
0x91: {  	s17 =	sld [smem:$0x3FFB];
	_ =	sdelay $0x3  }
0x92: {  	_ =	strace s17  }
0x93: {  	s2 =	sld [smem:$0x3FFC];
	_ =	sdelay $0x3  }
0x94: {  	_ =	strace s2  }
0x95: {  	s2 =	sld [smem:$0x3FFD];
	_ =	sdelay $0x3  }
0x96: {  	_ =	strace s2  }
0x97: {  	_ =	strace $0x8FFFFFFF  }
0x98: {  	s18 =	sld [smem:$0x3FDB];
	_ =	sdelay $0x1  }
0x99: {  	s19 =	simm.s32 $_scs_section_size  }
0x9a: {  	s4 =	simm.s32 $_size__tile_overlayer_lowered;
	s5 =	simm.s32 $_tile_overlayer_lowered  }
0x9b: {  	s22 =	simm.s32 $0x1BFF;
	s21 =	sshll.u32 s5, $0x1;
	s2 =	sadd.s32 s19, s18  }
0x9c: {  	s6 =	simm.s32 $0x0;
	s20 =	sshll.u32 s4, $0x1;
	s4 =	sadd.s32 s21, s2  }
0x9d: {  	[timem:s6], [sflag:s22] =	dma.local [hbm:s4], s20  }
0x9e: {  	_ =	swait.ge [sflag:s22], s20  }
0x9f: {  	s3 =	ssub.s32 $0x0, s20;
	[sflag:s22] =	ssyncset.done $0x0  }
0xa0: {  	[sflag:s22] =	ssyncadd.s32 s3;
	_ =	sdelay $0x1  }
0xa1: {  	s23 =	simm.s32 $0x1B8B  }
0xa2: {  	_ =	swait.ge [sflag:s23], $0x1  }
0xa3: {  	[sflag:s23] =	ssyncset.done $0x0  }
0xa4: {  	s25 =	simm.s32 $0x1B8E;
	s24 =	sld [smem:$0x3FFE];
	[sflag:s23] =	ssyncadd.s32 $0xFFFFFFFF  }
0xa5: {  	s26 =	simm.s32 $execute0_lowered;
	[smem:$0x3FD2] =	sst s25  }
0xa6: {  	s4 =	sshll.u32 s26, $0x1;
	_ =	strace $0x80000049;
	[dreg:$0x1] =	wrdreg $0xFFFFFFFF  }
0xa7: {  	s28 =	simm.s32 $_size_execute0_lowered;
	s2 =	sadd.s32 s2, s4;
	[dreg:$0x0] =	wrdreg $0x0  }
0xa8: {  	s4 =	sshll.u32 s28, $0x1;
	[dreg:$0x2] =	wrdreg s2  }
0xa9: {  	[dreg:$0x3] =	wrdreg s4  }
0xaa: {  	[dreg:$0x4] =	wrdreg $0xC0  }
0xab: {  	_ =	task [dreg:s6], $0x5FFFF  }
0xac: {  	[dreg:$0x1] =	wrdreg $0xFFFFFFFF  }
0xad: {  	[dreg:$0x0] =	wrdreg $0x60  }
0xae: {  	[dreg:$0x2] =	wrdreg s24  }
0xaf: {  	[dreg:$0x3] =	wrdreg $0x9  }
0xb0: {  	_ =	task.clear_ibuf [dreg:s6], $0x4FFFF;
	_ =	strace $0x90000049  }
0xb1: {  	s29 =	simm.s32 $0x9;
	_ =	strace $0x8000004B  }
0xb2: {  	_ =	swait.ge [sflag:s29], $0x1  }
0xb3: {  	[sflag:s29] =	ssyncadd.s32 $0xFFFFFFFF  }
0xb4: {  	_ =	strace $0x9000004B  }
0xb5: {  	_ =	sfence  }
0xb6: {  	s30 =	sld [smem:$0x0];
	_ =	sdelay $0x2  }
0xb7: {  	s31 =	sshll.u32 s1, $0xD;
	s1 =	sshrl.u32 s1, $0x2  }
0xb8: {  	s3 =	sand.u32 $0x4000, s31;
	s1 =	sadd.s32 s1, s30  }
0xb9: {  	s0 =	sor.u32 s3, s0;
	s1 =	sshll.u32 s1, $0x11  }
0xba: {  	s0 =	sor.u32 s1, s0  }
0xbb: {  	s0 =	sadd.s32 $0x8F2B, s0  }
0xbc: {  	[sflag:s0] =	ssyncadd.remote.s32 $0x1  }
0xbd: {  	_ =	sfence.sel $0xFFFF  }
0xbe: {  	[dreg:$0x0] =	wrdreg $0xFFFFFFFF;
	(pc) =	sbr.abs _section_cstart, $3  }
0xbf: {  	[dreg:$0x1] =	wrdreg $0xFFFFFFFF  }
0xc0: {  	_ =	task.clear_ibuf [dreg:s6], $0x2FFFF;
	_ =	strace $0x9FFFFFFF  }
0xc1: {  	(tm) =	ssettm $0x7FFFFFFF  }
tec
execute0_lowered:
.L_overlay_start_1:
0x0: {  	(tag) =	ssettag $0x1  }
0x1: {  	s0 =	rddreg [dreg:$0x0];
	s1 =	srdreg.scid  }
0x2: {  	s2 =	simm.s32 $0x0;
	s3 =	stileid.u32;
	s18 =	simm.s32 $0x1  }
0x3: {  	s20 =	simm.s32 $0x880;
	s21 =	simm.s32 $0x1080;
	s22 =	simm.s32 $0x1880  }
0x4: {  	s23 =	simm.s32 $0x2080;
	s28 =	simm.s32 $0x4080;
	s29 =	simm.s32 $0x4880  }
0x5: {  	s30 =	simm.s32 $0x5080;
	s31 =	simm.s32 $0x5880;
	s11 =	simm.s32 $0x7880  }
0x6: {  	s12 =	simm.s32 $0x8080;
	s13 =	simm.s32 $0x8880;
	s14 =	simm.s32 $0x9080  }
0x7: {  	s15 =	simm.s32 $0x9880;
	s16 =	simm.s32 $0xA080;
	s17 =	simm.s32 $0xA880  }
0x8: {  	s1 =	sand.u32 $0x1, s1;
	[smem:$0x7FF] =	sst s2;
	s3 =	sshll.u32 s3, $0x8  }
0x9: {  	s6 =	sadd.s32 $0x2200, s0;
	s8 =	sadd.s32 $0x2400, s0;
	s4 =	sshll.u32 s1, $0x7  }
0xa: {  	_ =	strace $0x8000004A;
	s1 =	ssub.s32 $0x2, s1;
	s5 =	sor.u32 s4, s3  }
0xb: {  	s3 =	sadd.s32 $0xBA400, s0;
	s7 =	sshrl.u32 s1, $0x1;
	s4 =	sshrl.u32 s5, $0x3  }
0xc: {  	s1 =	ssub.s32 s1, s7;
	s24 =	sshll.u32 s5, $0x7;
	s9 =	sor.u32 $0x40, s5  }
0xd: {  	s5 =	sadd.s32 $0xBA600, s0;
	s4 =	sadd.s32 s6, s4;
	s7 =	sadd.s32 s8, s24  }
0xe: {  	s10 =	sshrl.u32 s9, $0x3;
	s9 =	sshll.u32 s9, $0x7;
	[dreg:$0x2] =	wrdreg s4  }
0xf: {  	s24 =	simm.s32 $0x2880;
	s4 =	sadd.s32 $0xBA500, s0;
	[dreg:$0x3] =	wrdreg s7  }
0x10: {  	s25 =	sadd.s32 s6, s10;
	s6 =	sadd.s32 $0xBA700, s0;
	s26 =	sadd.s32 s8, s9  }
0x11: {  	v2 =	vlaneseq.u32;
	s7 =	smax.u32 s1, $0x1;
	s8 =	simm.s32 $0x2;
	s0 =	simm.s32 $0x80  }
0x12: {  	vm0 =	vmmov $0xffff;
	v1 =	vshrl.u32 v2, $0x3;
	s10 =	simm.s32 $0x7080;
	s9 =	simm.s32 $0xB080;
	[dreg:$0x4] =	wrdreg s25  }
0x13: {  	v0 =	vand.u32 $0x7, v2;
	v2 =	vor.u32 $0x8, v2;
	v1 =	vmul.u32 $0x8, v1;
	[dreg:$0x5] =	wrdreg s26;
	s25 =	simm.s32 $0x3080;
	s26 =	simm.s32 $0x3880  }
.LBB2_1:
0x14: {  	s19 =	rddreg [dreg:$0x2]  }
0x15: {  	[tilespmem:s2], [sflag:$0x2] =	stream.linear.gather [hbm4b:s19+s2], $0x40, $0x38;
	[tilespmem:$0x10080] =	vst v63  }
0x16: {  	_ =	swait.ge [sflag:s8], $0x40  }
0x17: {  	[sflag:s8] =	ssyncset.done $0x0  }
0x18: {  	[sflag:s8] =	ssyncadd.s32 $0xFFFFFFC0  }
0x19: {  	v3 =	vld [tilespmem:$0x0];
	_ =	sdelay $0x4  }
0x1a: {  	v4 =	vshll.u32 v3, $0x3  }
0x1b: {  	v3 =	vand.u32 $0x7, v3;
	v4 =	vand.u32 $0xFFFFFFC0, v4  }
0x1c: {  	v3 =	vor.u32 v3, v4  }
0x1d: {  	v4 =	vperm.xlane v3, v0;
	_ =	sdelay $0x1  }
0x1e: {  	v4 =	vadd.s32 v1, v4;
	_ =	sdelay $0x4  }
0x1f: {  	[tilespmem:s0], [sflag:$0x1] =	stream.indirect_vreg.gather [hbm4b:s3+s2], $0x80, v4, vm0, $0xb8;
	[tilespmem:$0x10080] =	vst v63  }
0x20: {  	v3 =	vperm.xlane v3, v2  }
0x21: {  	[tilespmem:s20], [sflag:$0x1] =	stream.indirect_vreg.gather [hbm4b:s4+s2], $0x80, v4, vm0, $0xb8;
	[tilespmem:$0x10080] =	vst v63  }
0x22: {  	v3 =	vadd.s32 v1, v3  }
0x23: {  	[tilespmem:s21], [sflag:$0x1] =	stream.indirect_vreg.gather [hbm4b:s5+s2], $0x80, v4, vm0, $0xb8;
	[tilespmem:$0x10080] =	vst v63  }
0x24: {  	_ = 	snop  }
0x25: {  	[tilespmem:s22], [sflag:$0x1] =	stream.indirect_vreg.gather [hbm4b:s6+s2], $0x80, v4, vm0, $0xb8;
	[tilespmem:$0x10080] =	vst v63  }
0x26: {  	_ = 	snop  }
0x27: {  	[tilespmem:s23], [sflag:$0x1] =	stream.indirect_vreg.gather [hbm4b:s3+s2], $0x80, v3, vm0, $0xb8;
	[tilespmem:$0x10080] =	vst v63  }
0x28: {  	_ = 	snop  }
0x29: {  	[tilespmem:s24], [sflag:$0x1] =	stream.indirect_vreg.gather [hbm4b:s4+s2], $0x80, v3, vm0, $0xb8;
	[tilespmem:$0x10080] =	vst v63  }
0x2a: {  	_ = 	snop  }
0x2b: {  	[tilespmem:s25], [sflag:$0x1] =	stream.indirect_vreg.gather [hbm4b:s5+s2], $0x80, v3, vm0, $0xb8;
	[tilespmem:$0x10080] =	vst v63  }
0x2c: {  	_ = 	snop  }
0x2d: {  	[tilespmem:s26], [sflag:$0x1] =	stream.indirect_vreg.gather [hbm4b:s6+s2], $0x80, v3, vm0, $0xb8;
	[tilespmem:$0x10080] =	vst v63  }
0x2e: {  	v3 =	vld [tilespmem:$0x10];
	_ =	sdelay $0x4  }
0x2f: {  	v57 =	vshll.u32 v3, $0x3  }
0x30: {  	v3 =	vand.u32 $0x7, v3;
	v4 =	vand.u32 $0xFFFFFFC0, v57  }
0x31: {  	v3 =	vor.u32 v3, v4  }
0x32: {  	v4 =	vperm.xlane v3, v0;
	_ =	sdelay $0x1  }
0x33: {  	v4 =	vadd.s32 v1, v4;
	_ =	sdelay $0x4  }
0x34: {  	[tilespmem:s28], [sflag:$0x1] =	stream.indirect_vreg.gather [hbm4b:s3+s2], $0x80, v4, vm0, $0xb8;
	[tilespmem:$0x10080] =	vst v63  }
0x35: {  	v3 =	vperm.xlane v3, v2  }
0x36: {  	[tilespmem:s29], [sflag:$0x1] =	stream.indirect_vreg.gather [hbm4b:s4+s2], $0x80, v4, vm0, $0xb8;
	[tilespmem:$0x10080] =	vst v63  }
0x37: {  	v3 =	vadd.s32 v1, v3  }
0x38: {  	[tilespmem:s30], [sflag:$0x1] =	stream.indirect_vreg.gather [hbm4b:s5+s2], $0x80, v4, vm0, $0xb8;
	[tilespmem:$0x10080] =	vst v63  }
0x39: {  	_ = 	snop  }
0x3a: {  	[tilespmem:s31], [sflag:$0x1] =	stream.indirect_vreg.gather [hbm4b:s6+s2], $0x80, v4, vm0, $0xb8;
	[tilespmem:$0x10080] =	vst v63  }
0x3b: {  	s1 =	simm.s32 $0x6080  }
0x3c: {  	[tilespmem:s1], [sflag:$0x1] =	stream.indirect_vreg.gather [hbm4b:s3+s2], $0x80, v3, vm0, $0xb8;
	[tilespmem:$0x10080] =	vst v63  }
0x3d: {  	s1 =	simm.s32 $0x6880  }
0x3e: {  	[tilespmem:s1], [sflag:$0x1] =	stream.indirect_vreg.gather [hbm4b:s4+s2], $0x80, v3, vm0, $0xb8;
	[tilespmem:$0x10080] =	vst v63  }
0x3f: {  	_ = 	snop  }
0x40: {  	[tilespmem:s10], [sflag:$0x1] =	stream.indirect_vreg.gather [hbm4b:s5+s2], $0x80, v3, vm0, $0xb8;
	[tilespmem:$0x10080] =	vst v63  }
0x41: {  	_ = 	snop  }
0x42: {  	[tilespmem:s11], [sflag:$0x1] =	stream.indirect_vreg.gather [hbm4b:s6+s2], $0x80, v3, vm0, $0xb8;
	[tilespmem:$0x10080] =	vst v63  }
0x43: {  	v3 =	vld [tilespmem:$0x20];
	_ =	sdelay $0x4  }
0x44: {  	v58 =	vshll.u32 v3, $0x3  }
0x45: {  	v3 =	vand.u32 $0x7, v3;
	v4 =	vand.u32 $0xFFFFFFC0, v58  }
0x46: {  	v3 =	vor.u32 v3, v4  }
0x47: {  	v4 =	vperm.xlane v3, v0;
	_ =	sdelay $0x1  }
0x48: {  	v4 =	vadd.s32 v1, v4;
	_ =	sdelay $0x4  }
0x49: {  	[tilespmem:s12], [sflag:$0x1] =	stream.indirect_vreg.gather [hbm4b:s3+s2], $0x80, v4, vm0, $0xb8;
	[tilespmem:$0x10080] =	vst v63  }
0x4a: {  	v3 =	vperm.xlane v3, v2  }
0x4b: {  	[tilespmem:s13], [sflag:$0x1] =	stream.indirect_vreg.gather [hbm4b:s4+s2], $0x80, v4, vm0, $0xb8;
	[tilespmem:$0x10080] =	vst v63  }
0x4c: {  	v3 =	vadd.s32 v1, v3  }
0x4d: {  	[tilespmem:s14], [sflag:$0x1] =	stream.indirect_vreg.gather [hbm4b:s5+s2], $0x80, v4, vm0, $0xb8;
	[tilespmem:$0x10080] =	vst v63  }
0x4e: {  	_ = 	snop  }
0x4f: {  	[tilespmem:s15], [sflag:$0x1] =	stream.indirect_vreg.gather [hbm4b:s6+s2], $0x80, v4, vm0, $0xb8;
	[tilespmem:$0x10080] =	vst v63  }
0x50: {  	_ = 	snop  }
0x51: {  	[tilespmem:s16], [sflag:$0x1] =	stream.indirect_vreg.gather [hbm4b:s3+s2], $0x80, v3, vm0, $0xb8;
	[tilespmem:$0x10080] =	vst v63  }
0x52: {  	_ = 	snop  }
0x53: {  	[tilespmem:s17], [sflag:$0x1] =	stream.indirect_vreg.gather [hbm4b:s4+s2], $0x80, v3, vm0, $0xb8;
	[tilespmem:$0x10080] =	vst v63  }
0x54: {  	_ = 	snop  }
0x55: {  	[tilespmem:s9], [sflag:$0x1] =	stream.indirect_vreg.gather [hbm4b:s5+s2], $0x80, v3, vm0, $0xb8;
	[tilespmem:$0x10080] =	vst v63  }
0x56: {  	s19 =	simm.s32 $0xB880  }
0x57: {  	[tilespmem:s19], [sflag:$0x1] =	stream.indirect_vreg.gather [hbm4b:s6+s2], $0x80, v3, vm0, $0xb8;
	[tilespmem:$0x10080] =	vst v63  }
0x58: {  	v3 =	vld [tilespmem:$0x30];
	_ =	sdelay $0x4  }
0x59: {  	v59 =	vshll.u32 v3, $0x3  }
0x5a: {  	v3 =	vand.u32 $0x7, v3;
	v4 =	vand.u32 $0xFFFFFFC0, v59  }
0x5b: {  	v3 =	vor.u32 v3, v4  }
0x5c: {  	v4 =	vperm.xlane v3, v0;
	_ =	sdelay $0x1  }
0x5d: {  	v4 =	vadd.s32 v1, v4;
	_ =	sdelay $0x3  }
0x5e: {  	s19 =	simm.s32 $0xC080  }
0x5f: {  	[tilespmem:s19], [sflag:$0x1] =	stream.indirect_vreg.gather [hbm4b:s3+s2], $0x80, v4, vm0, $0xb8;
	[tilespmem:$0x10080] =	vst v63  }
0x60: {  	v3 =	vperm.xlane v3, v2;
	s19 =	simm.s32 $0xC880  }
0x61: {  	[tilespmem:s19], [sflag:$0x1] =	stream.indirect_vreg.gather [hbm4b:s4+s2], $0x80, v4, vm0, $0xb8;
	[tilespmem:$0x10080] =	vst v63  }
0x62: {  	v3 =	vadd.s32 v1, v3;
	s19 =	simm.s32 $0xD080  }
0x63: {  	[tilespmem:s19], [sflag:$0x1] =	stream.indirect_vreg.gather [hbm4b:s5+s2], $0x80, v4, vm0, $0xb8;
	[tilespmem:$0x10080] =	vst v63  }
0x64: {  	s19 =	simm.s32 $0xD880  }
0x65: {  	[tilespmem:s19], [sflag:$0x1] =	stream.indirect_vreg.gather [hbm4b:s6+s2], $0x80, v4, vm0, $0xb8;
	[tilespmem:$0x10080] =	vst v63  }
0x66: {  	s19 =	simm.s32 $0xE080  }
0x67: {  	[tilespmem:s19], [sflag:$0x1] =	stream.indirect_vreg.gather [hbm4b:s3+s2], $0x80, v3, vm0, $0xb8;
	[tilespmem:$0x10080] =	vst v63  }
0x68: {  	s19 =	simm.s32 $0xE880  }
0x69: {  	[tilespmem:s19], [sflag:$0x1] =	stream.indirect_vreg.gather [hbm4b:s4+s2], $0x80, v3, vm0, $0xb8;
	[tilespmem:$0x10080] =	vst v63  }
0x6a: {  	s19 =	simm.s32 $0xF080  }
0x6b: {  	[tilespmem:s19], [sflag:$0x1] =	stream.indirect_vreg.gather [hbm4b:s5+s2], $0x80, v3, vm0, $0xb8;
	[tilespmem:$0x10080] =	vst v63  }
0x6c: {  	s19 =	simm.s32 $0xF880  }
0x6d: {  	[tilespmem:s19], [sflag:$0x1] =	stream.indirect_vreg.gather [hbm4b:s6+s2], $0x80, v3, vm0, $0xb8;
	[tilespmem:$0x10080] =	vst v63  }
0x6e: {  	_ =	swait.ge [sflag:s18], $0x10000  }
0x6f: {  	[sflag:s18] =	ssyncset.done $0x0  }
0x70: {  	s19 =	rddreg [dreg:$0x3];
	[sflag:s18] =	ssyncadd.s32 $0xFFFF0000  }
0x71: {  	[hbm4b:s19+s2] =	stream.linear.scatter [tilespmem:s0], [sflag:$0x2], $0x10000, $0x38;
	[tilespmem:$0x10080] =	vst v63  }
0x72: {  	_ =	swait.ge [sflag:s8], $0x10000  }
0x73: {  	[sflag:s8] =	ssyncset.done $0x0  }
0x74: {  	s19 =	rddreg [dreg:$0x4];
	[sflag:s8] =	ssyncadd.s32 $0xFFFF0000  }
0x75: {  	[tilespmem:s2], [sflag:$0x2] =	stream.linear.gather [hbm4b:s19+s2], $0x40, $0x38;
	[tilespmem:$0x10080] =	vst v63  }
0x76: {  	_ =	swait.ge [sflag:s8], $0x40  }
0x77: {  	[sflag:s8] =	ssyncset.done $0x0  }
0x78: {  	[sflag:s8] =	ssyncadd.s32 $0xFFFFFFC0  }
0x79: {  	v3 =	vld [tilespmem:$0x0];
	_ =	sdelay $0x4  }
0x7a: {  	v60 =	vshll.u32 v3, $0x3  }
0x7b: {  	v3 =	vand.u32 $0x7, v3;
	v4 =	vand.u32 $0xFFFFFFC0, v60  }
0x7c: {  	v3 =	vor.u32 v3, v4  }
0x7d: {  	v4 =	vperm.xlane v3, v0;
	_ =	sdelay $0x1  }
0x7e: {  	v4 =	vadd.s32 v1, v4;
	_ =	sdelay $0x4  }
0x7f: {  	[tilespmem:s0], [sflag:$0x1] =	stream.indirect_vreg.gather [hbm4b:s3+s2], $0x80, v4, vm0, $0xb8;
	[tilespmem:$0x10080] =	vst v63  }
0x80: {  	v3 =	vperm.xlane v3, v2  }
0x81: {  	[tilespmem:s20], [sflag:$0x1] =	stream.indirect_vreg.gather [hbm4b:s4+s2], $0x80, v4, vm0, $0xb8;
	[tilespmem:$0x10080] =	vst v63  }
0x82: {  	v3 =	vadd.s32 v1, v3  }
0x83: {  	[tilespmem:s21], [sflag:$0x1] =	stream.indirect_vreg.gather [hbm4b:s5+s2], $0x80, v4, vm0, $0xb8;
	[tilespmem:$0x10080] =	vst v63  }
0x84: {  	_ = 	snop  }
0x85: {  	[tilespmem:s22], [sflag:$0x1] =	stream.indirect_vreg.gather [hbm4b:s6+s2], $0x80, v4, vm0, $0xb8;
	[tilespmem:$0x10080] =	vst v63  }
0x86: {  	_ = 	snop  }
0x87: {  	[tilespmem:s23], [sflag:$0x1] =	stream.indirect_vreg.gather [hbm4b:s3+s2], $0x80, v3, vm0, $0xb8;
	[tilespmem:$0x10080] =	vst v63  }
0x88: {  	_ = 	snop  }
0x89: {  	[tilespmem:s24], [sflag:$0x1] =	stream.indirect_vreg.gather [hbm4b:s4+s2], $0x80, v3, vm0, $0xb8;
	[tilespmem:$0x10080] =	vst v63  }
0x8a: {  	_ = 	snop  }
0x8b: {  	[tilespmem:s25], [sflag:$0x1] =	stream.indirect_vreg.gather [hbm4b:s5+s2], $0x80, v3, vm0, $0xb8;
	[tilespmem:$0x10080] =	vst v63  }
0x8c: {  	_ = 	snop  }
0x8d: {  	[tilespmem:s26], [sflag:$0x1] =	stream.indirect_vreg.gather [hbm4b:s6+s2], $0x80, v3, vm0, $0xb8;
	[tilespmem:$0x10080] =	vst v63  }
0x8e: {  	v3 =	vld [tilespmem:$0x10];
	_ =	sdelay $0x4  }
0x8f: {  	v61 =	vshll.u32 v3, $0x3  }
0x90: {  	v3 =	vand.u32 $0x7, v3;
	v4 =	vand.u32 $0xFFFFFFC0, v61  }
0x91: {  	v3 =	vor.u32 v3, v4  }
0x92: {  	v4 =	vperm.xlane v3, v0;
	_ =	sdelay $0x1  }
0x93: {  	v4 =	vadd.s32 v1, v4;
	_ =	sdelay $0x4  }
0x94: {  	[tilespmem:s28], [sflag:$0x1] =	stream.indirect_vreg.gather [hbm4b:s3+s2], $0x80, v4, vm0, $0xb8;
	[tilespmem:$0x10080] =	vst v63  }
0x95: {  	v3 =	vperm.xlane v3, v2  }
0x96: {  	[tilespmem:s29], [sflag:$0x1] =	stream.indirect_vreg.gather [hbm4b:s4+s2], $0x80, v4, vm0, $0xb8;
	[tilespmem:$0x10080] =	vst v63  }
0x97: {  	v3 =	vadd.s32 v1, v3  }
0x98: {  	[tilespmem:s30], [sflag:$0x1] =	stream.indirect_vreg.gather [hbm4b:s5+s2], $0x80, v4, vm0, $0xb8;
	[tilespmem:$0x10080] =	vst v63  }
0x99: {  	_ = 	snop  }
0x9a: {  	[tilespmem:s31], [sflag:$0x1] =	stream.indirect_vreg.gather [hbm4b:s6+s2], $0x80, v4, vm0, $0xb8;
	[tilespmem:$0x10080] =	vst v63  }
0x9b: {  	s19 =	simm.s32 $0x6080  }
0x9c: {  	[tilespmem:s19], [sflag:$0x1] =	stream.indirect_vreg.gather [hbm4b:s3+s2], $0x80, v3, vm0, $0xb8;
	[tilespmem:$0x10080] =	vst v63  }
0x9d: {  	_ = 	snop  }
0x9e: {  	[tilespmem:s1], [sflag:$0x1] =	stream.indirect_vreg.gather [hbm4b:s4+s2], $0x80, v3, vm0, $0xb8;
	[tilespmem:$0x10080] =	vst v63  }
0x9f: {  	_ = 	snop  }
0xa0: {  	[tilespmem:s10], [sflag:$0x1] =	stream.indirect_vreg.gather [hbm4b:s5+s2], $0x80, v3, vm0, $0xb8;
	[tilespmem:$0x10080] =	vst v63  }
0xa1: {  	_ = 	snop  }
0xa2: {  	[tilespmem:s11], [sflag:$0x1] =	stream.indirect_vreg.gather [hbm4b:s6+s2], $0x80, v3, vm0, $0xb8;
	[tilespmem:$0x10080] =	vst v63  }
0xa3: {  	v3 =	vld [tilespmem:$0x20];
	_ =	sdelay $0x4  }
0xa4: {  	v62 =	vshll.u32 v3, $0x3  }
0xa5: {  	v3 =	vand.u32 $0x7, v3;
	v4 =	vand.u32 $0xFFFFFFC0, v62  }
0xa6: {  	v3 =	vor.u32 v3, v4  }
0xa7: {  	v4 =	vperm.xlane v3, v0;
	_ =	sdelay $0x1  }
0xa8: {  	v4 =	vadd.s32 v1, v4;
	_ =	sdelay $0x4  }
0xa9: {  	[tilespmem:s12], [sflag:$0x1] =	stream.indirect_vreg.gather [hbm4b:s3+s2], $0x80, v4, vm0, $0xb8;
	[tilespmem:$0x10080] =	vst v63  }
0xaa: {  	v3 =	vperm.xlane v3, v2  }
0xab: {  	[tilespmem:s13], [sflag:$0x1] =	stream.indirect_vreg.gather [hbm4b:s4+s2], $0x80, v4, vm0, $0xb8;
	[tilespmem:$0x10080] =	vst v63  }
0xac: {  	v3 =	vadd.s32 v1, v3  }
0xad: {  	[tilespmem:s14], [sflag:$0x1] =	stream.indirect_vreg.gather [hbm4b:s5+s2], $0x80, v4, vm0, $0xb8;
	[tilespmem:$0x10080] =	vst v63  }
0xae: {  	_ = 	snop  }
0xaf: {  	[tilespmem:s15], [sflag:$0x1] =	stream.indirect_vreg.gather [hbm4b:s6+s2], $0x80, v4, vm0, $0xb8;
	[tilespmem:$0x10080] =	vst v63  }
0xb0: {  	_ = 	snop  }
0xb1: {  	[tilespmem:s16], [sflag:$0x1] =	stream.indirect_vreg.gather [hbm4b:s3+s2], $0x80, v3, vm0, $0xb8;
	[tilespmem:$0x10080] =	vst v63  }
0xb2: {  	_ = 	snop  }
0xb3: {  	[tilespmem:s17], [sflag:$0x1] =	stream.indirect_vreg.gather [hbm4b:s4+s2], $0x80, v3, vm0, $0xb8;
	[tilespmem:$0x10080] =	vst v63  }
0xb4: {  	_ = 	snop  }
0xb5: {  	[tilespmem:s9], [sflag:$0x1] =	stream.indirect_vreg.gather [hbm4b:s5+s2], $0x80, v3, vm0, $0xb8;
	[tilespmem:$0x10080] =	vst v63  }
0xb6: {  	s19 =	simm.s32 $0xB880  }
0xb7: {  	[tilespmem:s19], [sflag:$0x1] =	stream.indirect_vreg.gather [hbm4b:s6+s2], $0x80, v3, vm0, $0xb8;
	[tilespmem:$0x10080] =	vst v63  }
0xb8: {  	v3 =	vld [tilespmem:$0x30];
	_ =	sdelay $0x4  }
0xb9: {  	v63 =	vshll.u32 v3, $0x3  }
0xba: {  	v3 =	vand.u32 $0x7, v3;
	v4 =	vand.u32 $0xFFFFFFC0, v63  }
0xbb: {  	v3 =	vor.u32 v3, v4  }
0xbc: {  	v4 =	vperm.xlane v3, v0;
	_ =	sdelay $0x1  }
0xbd: {  	v4 =	vadd.s32 v1, v4;
	_ =	sdelay $0x3  }
0xbe: {  	s19 =	simm.s32 $0xC080  }
0xbf: {  	[tilespmem:s19], [sflag:$0x1] =	stream.indirect_vreg.gather [hbm4b:s3+s2], $0x80, v4, vm0, $0xb8;
	[tilespmem:$0x10080] =	vst v63  }
0xc0: {  	v3 =	vperm.xlane v3, v2;
	s19 =	simm.s32 $0xC880  }
0xc1: {  	[tilespmem:s19], [sflag:$0x1] =	stream.indirect_vreg.gather [hbm4b:s4+s2], $0x80, v4, vm0, $0xb8;
	[tilespmem:$0x10080] =	vst v63  }
0xc2: {  	v3 =	vadd.s32 v1, v3;
	s19 =	simm.s32 $0xD080  }
0xc3: {  	[tilespmem:s19], [sflag:$0x1] =	stream.indirect_vreg.gather [hbm4b:s5+s2], $0x80, v4, vm0, $0xb8;
	[tilespmem:$0x10080] =	vst v63  }
0xc4: {  	s19 =	simm.s32 $0xD880  }
0xc5: {  	[tilespmem:s19], [sflag:$0x1] =	stream.indirect_vreg.gather [hbm4b:s6+s2], $0x80, v4, vm0, $0xb8;
	[tilespmem:$0x10080] =	vst v63  }
0xc6: {  	s19 =	simm.s32 $0xE080  }
0xc7: {  	[tilespmem:s19], [sflag:$0x1] =	stream.indirect_vreg.gather [hbm4b:s3+s2], $0x80, v3, vm0, $0xb8;
	[tilespmem:$0x10080] =	vst v63  }
0xc8: {  	s19 =	simm.s32 $0xE880  }
0xc9: {  	[tilespmem:s19], [sflag:$0x1] =	stream.indirect_vreg.gather [hbm4b:s4+s2], $0x80, v3, vm0, $0xb8;
	[tilespmem:$0x10080] =	vst v63  }
0xca: {  	s19 =	simm.s32 $0xF080  }
0xcb: {  	[tilespmem:s19], [sflag:$0x1] =	stream.indirect_vreg.gather [hbm4b:s5+s2], $0x80, v3, vm0, $0xb8;
	[tilespmem:$0x10080] =	vst v63  }
0xcc: {  	s19 =	simm.s32 $0xF880  }
0xcd: {  	[tilespmem:s19], [sflag:$0x1] =	stream.indirect_vreg.gather [hbm4b:s6+s2], $0x80, v3, vm0, $0xb8;
	[tilespmem:$0x10080] =	vst v63  }
0xce: {  	_ =	swait.ge [sflag:s18], $0x10000  }
0xcf: {  	p0 =	sne.s32 s7, $0x1;
	[sflag:s18] =	ssyncset.done $0x0  }
.Ltmp0:
0xd0: {  	s1 =	rddreg [dreg:$0x5];
	[sflag:s18] =	ssyncadd.s32 $0xFFFF0000;
	(pc) =	sbr.rel @p0 .LBB2_1-.Ltmp0, $4  }
0xd1: {  	[hbm4b:s1+s2] =	stream.linear.scatter [tilespmem:s0], [sflag:$0x2], $0x10000, $0x38;
	[tilespmem:$0x10080] =	vst v63  }
0xd2: {  	_ =	swait.ge [sflag:s8], $0x10000  }
0xd3: {  	[sflag:s8] =	ssyncset.done $0x0  }
0xd4: {  	s7 =	sadd.s32 $0xFFFFFFFF, s7;
	[sflag:s8] =	ssyncadd.s32 $0xFFFF0000  }
0xd5: {  	_ =	sfence.sel $0x180000  }
0xd6: {  	[bflag:$0x0] =	sbarrier.arrive $0xFFFF  }
0xd7: {  	_ =	strace $0x9000004A  }
0xd8: {  	s0 =	stileid.u32;
	[bflag:$0x2] =	sbarrier.arrive $0xFFFF  }
0xd9: {  	p0 =	sne.s32 s0, $0x0;
	s0 =	rddreg [dreg:$0x1]  }
0xda: {  	s0 =	sadd.s32 @!p0 $0x100000, s0  }
0xdb: {  	[sflag:s0] =	ssyncadd.tile.s32 @!p0 $0x1;
	_ =	shalt  }
.Lfunc_end2:
_tile_overlayer_lowered:
.L_overlay_start_2:
0xdc: {  	(tag) =	ssettag $0x2  }
0xdd: {  	s0 =	rddreg [dreg:$0x0];
	s2 =	stileid.u32  }
0xde: {  	s1 =	rddreg [dreg:$0x1];
	p0 =	sne.s32 s2, $0x0  }
0xdf: {  	s3 =	rddreg [dreg:$0x2];
	[bflag:$0x3] =	sbarrier.arrive $0xFFFF;
	s2 =	simm.s32 @!p0 $0x1C02  }
0xe0: {  	[timem:s3], [sflag:s2] =	dma.local @!p0 [hbm:s0], s1  }
0xe1: {  	s0 =	simm.s32 @!p0 $0x2  }
0xe2: {  	_ =	swait.ge @!p0 [sflag:s0], s1  }
0xe3: {  	s1 =	ssub.s32 @!p0 $0x0, s1;
	[sflag:s0] =	ssyncset.done @!p0 $0x0  }
0xe4: {  	[sflag:s0] =	ssyncadd.s32 @!p0 s1  }
0xe5: {  	[bflag:$0x3] =	sbarrier.arrive $0xFFFF  }
0xe6: {  	_ =	shalt  }

// kernel: kernel.9.cloned.1.call-start
scs
__scs_entry_jumppad:
0x0: {  	(pc) =	sbr.rel $0x88, $3  }
0x1: {  	(tag) =	ssettag $0x0;
	lr =	simm.s32 $0x1  }
0x2: {  	[smem:$0x3F95] =	sst lr;
	_ =	strace $0xD0000000  }
0x3: {  	_ = 	snop  }
0x4: {  	_ = 	snop  }
0x5: {  	_ = 	snop  }
0x6: {  	_ = 	snop  }
0x7: {  	_ = 	snop  }
__scs_overlays_trampoline_lowered:
0x8: {  	[smem:$0x3FA4] =	sst s0  }
0x9: {  	[smem:$0x3FA5] =	sst s1  }
0xa: {  	[smem:$0x3FA6] =	sst s2  }
0xb: {  	[smem:$0x3FA7] =	sst s3  }
0xc: {  	[smem:$0x3FA8] =	sst s4  }
0xd: {  	[smem:$0x3FA9] =	sst s5  }
0xe: {  	[smem:$0x3FAA] =	sst s6  }
0xf: {  	[smem:$0x3FAB] =	sst s7  }
0x10: {  	[smem:$0x3FAC] =	sst s8  }
0x11: {  	[smem:$0x3FAD] =	sst s9;
	s0 =	simm.s32 @!p0 $0x0  }
0x12: {  	s1 =	sld [smem:$0x3F93];
	s0 =	simm.s32 @p0 $0x1  }
0x13: {  	[smem:$0x3FAE] =	sst s0;
	s0 =	simm.s32 @!p1 $0x0  }
0x14: {  	s2 =	sld [smem:$0x3F92];
	s0 =	simm.s32 @p1 $0x1  }
0x15: {  	[smem:$0x3FAF] =	sst s0;
	s0 =	simm.s32 @!p2 $0x0  }
0x16: {  	s3 =	sld [smem:$0x3FDB];
	s0 =	simm.s32 @p2 $0x1  }
0x17: {  	s4 =	simm.s32 $0x1BF5;
	[smem:$0x3FB1] =	sst s0  }
0x18: {  	s0 =	sld [smem:$0x3F94];
	_ =	swait.ge [sflag:s4], $0x0  }
0x19: {  	s7 =	sld [smem:$0x3F95]  }
0x1a: {  	s8 =	sadd.s32 $0xFFFFE003, lr  }
0x1b: {  	s9 =	sadd.s32 $0xFFFFFEF7, lr;
	s5 =	simm.s32 $0xFFFFFFFF;
	p2 =	slt.u32 s8, $0xFFFFF086  }
0x1c: {  	p1 =	slt.u32 s9, $0xF7A;
	s5 =	simm.s32 @!p2 $0x0  }
0x1d: {  	s5 =	simm.s32 @p1 $0x1;
	p0 =	seq.s32 s7, s2  }
0x1e: {  	s7 =	smul.u32 @!p0 $0xF7A, s2;
	p2 =	seq.s32 @!p0 s5, $0x0  }
0x1f: {  	s9 =	smul.u32 $0xF7A, s1;
	s8 =	simm.s32 @!p0 $0x1BF5;
	p2 =	por !p2, p0  }
0x20: {  	[sflag:s8] =	ssyncset.s32 @!p0 $0xFFFFF086;
	s6 =	sadd.s32 @!p0 s3, s7;
	s7 =	simm.s32 @!p0 $0x108  }
0x21: {  	s3 =	sadd.s32 s3, s9;
	s6 =	sadd.s32 @!p0 $0x88, s6;
	s7 =	simm.s32 @p2 $0x1082  }
0x22: {  	[simem:s7], [sflag:s8] =	dma.local @!p0 [hbm:s6], $0xF7A  }
0x23: {  	s9 =	sor.u32 $0xD0000000, s2;
	s6 =	simm.s32 $0x108;
	_ =	swait.ge @!p0 [sflag:s8], $0x0  }
0x24: {  	s3 =	sadd.s32 $0x88, s3;
	s6 =	simm.s32 @!p1 $0x1082;
	[sflag:s4] =	ssyncset.s32 $0xFFFFF086  }
0x25: {  	[simem:s6], [sflag:s4] =	dma.local [hbm:s3], $0xF7A  }
0x26: {  	[smem:$0x3F95] =	sst s1;
	(tag) =	ssettag s2;
	_ =	strace s9  }
0x27: {  	s1 =	sld [smem:$0x3FA5]  }
0x28: {  	s2 =	sld [smem:$0x3FA6]  }
0x29: {  	s4 =	sld [smem:$0x3FA8]  }
0x2a: {  	p0 =	seq.s32 s5, $0x0;
	s5 =	sld [smem:$0x3FA9]  }
0x2b: {  	s6 =	sld [smem:$0x3FAA]  }
0x2c: {  	s7 =	sld [smem:$0x3FAB]  }
0x2d: {  	s3 =	simm.s32 $0x108;
	s8 =	sld [smem:$0x3FAC]  }
0x2e: {  	s3 =	simm.s32 @!p0 $0x1082;
	s9 =	sld [smem:$0x3FAD]  }
0x2f: {  	lr =	sadd.s32 s0, s3;
	s0 =	sld [smem:$0x3FA4]  }
0x30: {  	s3 =	sld [smem:$0x3FA7]  }
0x31: {  	[smem:$0x3FB0] =	sst s10  }
0x32: {  	s10 =	sld [smem:$0x3FAE];
	_ =	sdelay $0x3  }
0x33: {  	p0 =	seq.s32 s10, $0x1;
	s10 =	sld [smem:$0x3FB0];
	_ =	sdelay $0x3  }
0x34: {  	[smem:$0x3FB0] =	sst s10  }
0x35: {  	s10 =	sld [smem:$0x3FAF];
	_ =	sdelay $0x3  }
0x36: {  	p1 =	seq.s32 s10, $0x1;
	s10 =	sld [smem:$0x3FB0];
	_ =	sdelay $0x3  }
0x37: {  	[smem:$0x3FB0] =	sst s10  }
0x38: {  	s10 =	sld [smem:$0x3FB1]  }
0x39: {  	_ = 	snop;
	(pc) =	sbr.ind lr, $3  }
0x3a: {  	_ = 	snop  }
0x3b: {  	_ = 	snop  }
0x3c: {  	p2 =	seq.s32 s10, $0x1;
	s10 =	sld [smem:$0x3FB0]  }
0x3d: {  	_ =	shalt  }
0x3e: {  	_ =	shalt  }
0x3f: {  	_ =	shalt  }
0x40: {  	_ =	shalt  }
0x41: {  	_ =	shalt  }
0x42: {  	_ =	shalt  }
0x43: {  	_ =	shalt  }
0x44: {  	_ =	shalt  }
0x45: {  	_ =	shalt  }
0x46: {  	_ =	shalt  }
0x47: {  	_ =	shalt  }
0x48: {  	_ =	shalt  }
0x49: {  	_ =	shalt  }
0x4a: {  	_ =	shalt  }
0x4b: {  	_ =	shalt  }
0x4c: {  	_ =	shalt  }
0x4d: {  	_ =	shalt  }
0x4e: {  	_ =	shalt  }
0x4f: {  	_ =	shalt  }
0x50: {  	_ =	shalt  }
0x51: {  	_ =	shalt  }
0x52: {  	_ =	shalt  }
0x53: {  	_ =	shalt  }
0x54: {  	_ =	shalt  }
0x55: {  	_ =	shalt  }
0x56: {  	_ =	shalt  }
0x57: {  	_ =	shalt  }
0x58: {  	_ =	shalt  }
0x59: {  	_ =	shalt  }
0x5a: {  	_ =	shalt  }
0x5b: {  	_ =	shalt  }
0x5c: {  	_ =	shalt  }
0x5d: {  	_ =	shalt  }
0x5e: {  	_ =	shalt  }
0x5f: {  	_ =	shalt  }
0x60: {  	_ =	shalt  }
0x61: {  	_ =	shalt  }
0x62: {  	_ =	shalt  }
0x63: {  	_ =	shalt  }
0x64: {  	_ =	shalt  }
0x65: {  	_ =	shalt  }
0x66: {  	_ =	shalt  }
0x67: {  	_ =	shalt  }
0x68: {  	_ =	shalt  }
0x69: {  	_ =	shalt  }
0x6a: {  	_ =	shalt  }
0x6b: {  	_ =	shalt  }
0x6c: {  	_ =	shalt  }
0x6d: {  	_ =	shalt  }
0x6e: {  	_ =	shalt  }
0x6f: {  	_ =	shalt  }
0x70: {  	_ =	shalt  }
0x71: {  	_ =	shalt  }
0x72: {  	_ =	shalt  }
0x73: {  	_ =	shalt  }
0x74: {  	_ =	shalt  }
0x75: {  	_ =	shalt  }
0x76: {  	_ =	shalt  }
0x77: {  	_ =	shalt  }
0x78: {  	_ =	shalt  }
0x79: {  	_ =	shalt  }
0x7a: {  	_ =	shalt  }
0x7b: {  	_ =	shalt  }
0x7c: {  	_ =	shalt  }
0x7d: {  	_ =	shalt  }
0x7e: {  	_ =	shalt  }
0x7f: {  	_ =	shalt  }
0x80: {  	_ =	shalt  }
0x81: {  	_ =	shalt  }
0x82: {  	_ =	shalt  }
0x83: {  	_ =	shalt  }
0x84: {  	_ =	shalt  }
0x85: {  	_ =	shalt  }
0x86: {  	_ =	shalt  }
0x87: {  	_ =	shalt  }
.Lfunc_end0:
.L_simem_size_0:
called_computation_lowered:
.L_overlay_start_0:
0x88: {  	s2 =	sld [smem:$0x3FD9]  }
0x89: {  	s3 =	sld [smem:$0x3FFE];
	_ =	sdelay $0x1  }
0x8a: {  	s1 =	srdreg.scid  }
0x8b: {  	s0 =	sand.u32 $0x1, s1  }
0x8c: {  	s17 =	sshll.u32 s0, $0xA;
	s2 =	sadd.s32 s3, s2  }
0x8d: {  	s2 =	sadd.s32 s2, s17  }
0x8e: {  	[smem:$0x3FBC] =	sst s2  }
0x8f: {  	_ = 	snop  }
0x90: {  	s2 =	sld [smem:$0x3FD0];
	(tm) =	ssettm $0x1  }
0x91: {  	s18 =	sld [smem:$0x3FFB];
	_ =	sdelay $0x3  }
0x92: {  	_ =	strace s18  }
0x93: {  	s3 =	sld [smem:$0x3FFC];
	_ =	sdelay $0x3  }
0x94: {  	_ =	strace s3  }
0x95: {  	s3 =	sld [smem:$0x3FFD];
	_ =	sdelay $0x3  }
0x96: {  	_ =	strace s3  }
0x97: {  	_ =	strace $0x8FFFFFFF  }
0x98: {  	s19 =	sld [smem:$0x3FDB];
	_ =	sdelay $0x1  }
0x99: {  	s4 =	simm.s32 $_scs_section_size  }
0x9a: {  	s5 =	simm.s32 $_size__tile_overlayer_lowered;
	s6 =	simm.s32 $_tile_overlayer_lowered  }
0x9b: {  	s22 =	simm.s32 $0x1BFF;
	s21 =	sshll.u32 s6, $0x1;
	s3 =	sadd.s32 s4, s19  }
0x9c: {  	s7 =	simm.s32 $0x0;
	s20 =	sshll.u32 s5, $0x1;
	s5 =	sadd.s32 s21, s3  }
0x9d: {  	[timem:s7], [sflag:s22] =	dma.local [hbm:s5], s20  }
0x9e: {  	_ =	swait.ge [sflag:s22], s20  }
0x9f: {  	s4 =	ssub.s32 $0x0, s20;
	[sflag:s22] =	ssyncset.done $0x0  }
0xa0: {  	[sflag:s22] =	ssyncadd.s32 s4;
	_ =	sdelay $0x1  }
0xa1: {  	s23 =	simm.s32 $0x1B8B  }
0xa2: {  	_ =	swait.ge [sflag:s23], $0x1  }
0xa3: {  	[sflag:s23] =	ssyncset.done $0x0  }
0xa4: {  	s25 =	simm.s32 $0x1B8E;
	s24 =	sld [smem:$0x3FFE];
	[sflag:s23] =	ssyncadd.s32 $0xFFFFFFFF  }
0xa5: {  	s26 =	simm.s32 $execute0_lowered;
	[smem:$0x3FD2] =	sst s25  }
0xa6: {  	s5 =	sshll.u32 s26, $0x1;
	_ =	strace $0x80000046;
	[dreg:$0x1] =	wrdreg $0xFFFFFFFF  }
0xa7: {  	s28 =	simm.s32 $_size_execute0_lowered;
	s3 =	sadd.s32 s3, s5;
	[dreg:$0x0] =	wrdreg $0x0  }
0xa8: {  	s5 =	sshll.u32 s28, $0x1;
	[dreg:$0x2] =	wrdreg s3  }
0xa9: {  	[dreg:$0x3] =	wrdreg s5  }
0xaa: {  	[dreg:$0x4] =	wrdreg $0xC0  }
0xab: {  	_ =	task [dreg:s7], $0x5FFFF  }
0xac: {  	[dreg:$0x1] =	wrdreg $0xFFFFFFFF  }
0xad: {  	[dreg:$0x0] =	wrdreg $0x60  }
0xae: {  	[dreg:$0x2] =	wrdreg s2  }
0xaf: {  	[dreg:$0x3] =	wrdreg s24  }
0xb0: {  	[dreg:$0x4] =	wrdreg $0x9  }
0xb1: {  	_ =	task.clear_ibuf [dreg:s7], $0x5FFFF;
	_ =	strace $0x90000046  }
0xb2: {  	s29 =	simm.s32 $0x9;
	_ =	strace $0x80000048  }
0xb3: {  	_ =	swait.ge [sflag:s29], $0x1  }
0xb4: {  	[sflag:s29] =	ssyncadd.s32 $0xFFFFFFFF  }
0xb5: {  	_ =	strace $0x90000048  }
0xb6: {  	_ =	sfence  }
0xb7: {  	s30 =	sld [smem:$0x0];
	_ =	sdelay $0x2  }
0xb8: {  	s31 =	sshll.u32 s1, $0xD;
	s1 =	sshrl.u32 s1, $0x2  }
0xb9: {  	s3 =	sand.u32 $0x4000, s31;
	s1 =	sadd.s32 s1, s30  }
0xba: {  	s0 =	sor.u32 s3, s0;
	s1 =	sshll.u32 s1, $0x11  }
0xbb: {  	s0 =	sor.u32 s1, s0  }
0xbc: {  	s0 =	sadd.s32 $0x8F2B, s0  }
0xbd: {  	[sflag:s0] =	ssyncadd.remote.s32 $0x1  }
0xbe: {  	_ =	sfence.sel $0xFFFF  }
0xbf: {  	[dreg:$0x0] =	wrdreg $0xFFFFFFFF;
	(pc) =	sbr.abs _section_cstart, $3  }
0xc0: {  	[dreg:$0x1] =	wrdreg $0xFFFFFFFF  }
0xc1: {  	_ =	task.clear_ibuf [dreg:s7], $0x2FFFF;
	_ =	strace $0x9FFFFFFF  }
0xc2: {  	(tm) =	ssettm $0x7FFFFFFF  }
0xc3: {  	_ =	shalt  }
tec
execute0_lowered:
.L_overlay_start_1:
0x0: {  	(tag) =	ssettag $0x1  }
0x1: {  	s1 =	rddreg [dreg:$0x0]  }
0x2: {  	s0 =	rddreg [dreg:$0x1]  }
0x3: {  	s2 =	simm.s32 $0x0;
	s3 =	srdreg.scid;
	s4 =	stileid.u32  }
0x4: {  	s12 =	simm.s32 $0x3;
	s30 =	simm.s32 $0x1;
	s28 =	simm.s32 $0x2  }
0x5: {  	s31 =	simm.s32 $0x8A00;
	[smem:$0x7FF] =	sst s2;
	s8 =	sadd.s32 $0x2000, s0  }
0x6: {  	s3 =	sand.u32 $0x1, s3;
	s4 =	sshll.u32 s4, $0x5;
	s9 =	sadd.s32 $0x2200, s0  }
0x7: {  	_ =	strace $0x80000047;
	s5 =	ssub.s32 $0x2, s3;
	s3 =	sshll.u32 s3, $0x4  }
0x8: {  	s6 =	sshrl.u32 s5, $0x1;
	s3 =	sor.u32 s3, s4;
	s4 =	sadd.s32 $0x2400, s0  }
0x9: {  	s11 =	ssub.s32 s5, s6;
	s22 =	sadd.s32 s8, s3;
	s23 =	sadd.s32 s9, s3  }
0xa: {  	s24 =	sor.u32 $0x4, s3;
	s5 =	sadd.s32 $0x100, s1;
	[dreg:$0x3] =	wrdreg s22  }
0xb: {  	s10 =	sor.u32 $0x8, s3;
	[dreg:$0x4] =	wrdreg s23;
	s7 =	sadd.s32 s8, s24  }
0xc: {  	s6 =	sadd.s32 $0x200, s1;
	s25 =	sadd.s32 s9, s24;
	[dreg:$0x5] =	wrdreg s7  }
0xd: {  	s3 =	sor.u32 $0xC, s3;
	s26 =	sadd.s32 s8, s10;
	[dreg:$0x6] =	wrdreg s25  }
0xe: {  	s10 =	sadd.s32 s9, s10;
	s29 =	sadd.s32 s8, s3;
	[dreg:$0x7] =	wrdreg s26  }
0xf: {  	v2 =	vlaneseq.u32;
	s8 =	sadd.s32 $0x2500, s0;
	s3 =	sadd.s32 s9, s3;
	[dreg:$0x8] =	wrdreg s10  }
0x10: {  	vm0 =	vmmov $0xffff;
	v1 =	vshrl.u32 v2, $0x3;
	s9 =	sadd.s32 $0x2600, s0;
	s11 =	smax.u32 s11, $0x1;
	[dreg:$0x9] =	wrdreg s29  }
0x11: {  	v0 =	vand.u32 $0x7, v2;
	v2 =	vor.u32 $0x8, v2;
	v1 =	vmul.u32 $0x8, v1;
	s7 =	sadd.s32 $0x300, s1;
	s10 =	sadd.s32 $0x2700, s0;
	[dreg:$0xa] =	wrdreg s3  }
.LBB2_1:
0x12: {  	s29 =	rddreg [dreg:$0x3]  }
0x13: {  	[tilespmem:s2], [sflag:$0x3] =	stream.linear.gather [hbm4b:s29+s2], $0x20, $0x38;
	[tilespmem:$0x10200] =	vst v63  }
0x14: {  	_ =	swait.ge [sflag:s12], $0x20  }
0x15: {  	[sflag:s12] =	ssyncset.done $0x0  }
0x16: {  	s0 =	simm.s32 $0x100;
	s15 =	rddreg [dreg:$0x4];
	[sflag:s12] =	ssyncadd.s32 $0xFFFFFFE0  }
0x17: {  	[tilespmem:s0], [sflag:$0x3] =	stream.linear.gather [hbm4b:s15+s2], $0x20, $0x38;
	[tilespmem:$0x10200] =	vst v63  }
0x18: {  	_ =	swait.ge [sflag:s12], $0x20  }
0x19: {  	[sflag:s12] =	ssyncset.done $0x0  }
0x1a: {  	[sflag:s12] =	ssyncadd.s32 $0xFFFFFFE0  }
0x1b: {  	v3 =	vld [tilespmem:$0x0];
	_ =	sdelay $0x4  }
0x1c: {  	v4 =	vshll.u32 v3, $0x3  }
0x1d: {  	v3 =	vand.u32 $0x7, v3;
	v4 =	vand.u32 $0xFFFFFFC0, v4  }
0x1e: {  	v3 =	vor.u32 v3, v4  }
0x1f: {  	v4 =	vperm.xlane v3, v0;
	_ =	sdelay $0x1  }
0x20: {  	v4 =	vadd.s32 v1, v4;
	_ =	sdelay $0x3  }
0x21: {  	s16 =	simm.s32 $0x200  }
0x22: {  	[tilespmem:s16], [sflag:$0x1] =	stream.indirect_vreg.gather [hbm4b:s1+s2], $0x80, v4, vm0, $0xb8;
	[tilespmem:$0x10200] =	vst v63  }
0x23: {  	s17 =	simm.s32 $0xA00;
	v3 =	vperm.xlane v3, v2  }
0x24: {  	[tilespmem:s17], [sflag:$0x1] =	stream.indirect_vreg.gather [hbm4b:s5+s2], $0x80, v4, vm0, $0xb8;
	[tilespmem:$0x10200] =	vst v63  }
0x25: {  	s18 =	simm.s32 $0x1200;
	v3 =	vadd.s32 v1, v3  }
0x26: {  	[tilespmem:s18], [sflag:$0x1] =	stream.indirect_vreg.gather [hbm4b:s6+s2], $0x80, v4, vm0, $0xb8;
	[tilespmem:$0x10200] =	vst v63  }
0x27: {  	s19 =	simm.s32 $0x1A00  }
0x28: {  	[tilespmem:s19], [sflag:$0x1] =	stream.indirect_vreg.gather [hbm4b:s7+s2], $0x80, v4, vm0, $0xb8;
	[tilespmem:$0x10200] =	vst v63  }
0x29: {  	s22 =	simm.s32 $0x2200  }
0x2a: {  	[tilespmem:s22], [sflag:$0x1] =	stream.indirect_vreg.gather [hbm4b:s1+s2], $0x80, v3, vm0, $0xb8;
	[tilespmem:$0x10200] =	vst v63  }
0x2b: {  	s23 =	simm.s32 $0x2A00  }
0x2c: {  	[tilespmem:s23], [sflag:$0x1] =	stream.indirect_vreg.gather [hbm4b:s5+s2], $0x80, v3, vm0, $0xb8;
	[tilespmem:$0x10200] =	vst v63  }
0x2d: {  	s24 =	simm.s32 $0x3200  }
0x2e: {  	[tilespmem:s24], [sflag:$0x1] =	stream.indirect_vreg.gather [hbm4b:s6+s2], $0x80, v3, vm0, $0xb8;
	[tilespmem:$0x10200] =	vst v63  }
0x2f: {  	s25 =	simm.s32 $0x3A00  }
0x30: {  	[tilespmem:s25], [sflag:$0x1] =	stream.indirect_vreg.gather [hbm4b:s7+s2], $0x80, v3, vm0, $0xb8;
	[tilespmem:$0x10200] =	vst v63  }
0x31: {  	v3 =	vld [tilespmem:$0x10];
	_ =	sdelay $0x4  }
0x32: {  	v49 =	vshll.u32 v3, $0x3  }
0x33: {  	v3 =	vand.u32 $0x7, v3;
	v4 =	vand.u32 $0xFFFFFFC0, v49  }
0x34: {  	v3 =	vor.u32 v3, v4  }
0x35: {  	v4 =	vperm.xlane v3, v0;
	_ =	sdelay $0x1  }
0x36: {  	v4 =	vadd.s32 v1, v4;
	_ =	sdelay $0x3  }
0x37: {  	s26 =	simm.s32 $0x4200  }
0x38: {  	[tilespmem:s26], [sflag:$0x1] =	stream.indirect_vreg.gather [hbm4b:s1+s2], $0x80, v4, vm0, $0xb8;
	[tilespmem:$0x10200] =	vst v63  }
0x39: {  	s29 =	simm.s32 $0x4A00;
	v3 =	vperm.xlane v3, v2  }
0x3a: {  	[tilespmem:s29], [sflag:$0x1] =	stream.indirect_vreg.gather [hbm4b:s5+s2], $0x80, v4, vm0, $0xb8;
	[tilespmem:$0x10200] =	vst v63  }
0x3b: {  	s17 =	simm.s32 $0x5200;
	v3 =	vadd.s32 v1, v3  }
0x3c: {  	[tilespmem:s17], [sflag:$0x1] =	stream.indirect_vreg.gather [hbm4b:s6+s2], $0x80, v4, vm0, $0xb8;
	[tilespmem:$0x10200] =	vst v63  }
0x3d: {  	s22 =	simm.s32 $0x5A00  }
0x3e: {  	[tilespmem:s22], [sflag:$0x1] =	stream.indirect_vreg.gather [hbm4b:s7+s2], $0x80, v4, vm0, $0xb8;
	[tilespmem:$0x10200] =	vst v63  }
0x3f: {  	s18 =	simm.s32 $0x6200  }
0x40: {  	[tilespmem:s18], [sflag:$0x1] =	stream.indirect_vreg.gather [hbm4b:s1+s2], $0x80, v3, vm0, $0xb8;
	[tilespmem:$0x10200] =	vst v63  }
0x41: {  	s19 =	simm.s32 $0x6A00  }
0x42: {  	[tilespmem:s19], [sflag:$0x1] =	stream.indirect_vreg.gather [hbm4b:s5+s2], $0x80, v3, vm0, $0xb8;
	[tilespmem:$0x10200] =	vst v63  }
0x43: {  	s26 =	simm.s32 $0x7200  }
0x44: {  	[tilespmem:s26], [sflag:$0x1] =	stream.indirect_vreg.gather [hbm4b:s6+s2], $0x80, v3, vm0, $0xb8;
	[tilespmem:$0x10200] =	vst v63  }
0x45: {  	s26 =	simm.s32 $0x7A00  }
0x46: {  	[tilespmem:s26], [sflag:$0x1] =	stream.indirect_vreg.gather [hbm4b:s7+s2], $0x80, v3, vm0, $0xb8;
	[tilespmem:$0x10200] =	vst v63  }
0x47: {  	_ =	swait.ge [sflag:s30], $0x8000  }
0x48: {  	[sflag:s30] =	ssyncset.done $0x0  }
0x49: {  	[sflag:s30] =	ssyncadd.s32 $0xFFFF8000  }
0x4a: {  	v3 =	vld [tilespmem:$0x100];
	_ =	sdelay $0x4  }
0x4b: {  	v50 =	vshll.u32 v3, $0x3  }
0x4c: {  	v3 =	vand.u32 $0x7, v3;
	v4 =	vand.u32 $0xFFFFFFC0, v50  }
0x4d: {  	v3 =	vor.u32 v3, v4  }
0x4e: {  	v4 =	vperm.xlane v3, v0;
	_ =	sdelay $0x1  }
0x4f: {  	v4 =	vadd.s32 v1, v4;
	_ =	sdelay $0x3  }
0x50: {  	s20 =	simm.s32 $0x200  }
0x51: {  	[hbm4b:s4+s2] =	stream.indirect_vreg.scatter [tilespmem:s20], [sflag:$0x2], $0x80, v4, vm0, $0xb8;
	[tilespmem:$0x10200] =	vst v63  }
0x52: {  	s21 =	simm.s32 $0xA00;
	v3 =	vperm.xlane v3, v2  }
0x53: {  	[hbm4b:s8+s2] =	stream.indirect_vreg.scatter [tilespmem:s21], [sflag:$0x2], $0x80, v4, vm0, $0xb8;
	[tilespmem:$0x10200] =	vst v63  }
0x54: {  	s3 =	simm.s32 $0x1200;
	v3 =	vadd.s32 v1, v3  }
0x55: {  	[hbm4b:s9+s2] =	stream.indirect_vreg.scatter [tilespmem:s3], [sflag:$0x2], $0x80, v4, vm0, $0xb8;
	[tilespmem:$0x10200] =	vst v63  }
0x56: {  	s13 =	simm.s32 $0x1A00  }
0x57: {  	[hbm4b:s10+s2] =	stream.indirect_vreg.scatter [tilespmem:s13], [sflag:$0x2], $0x80, v4, vm0, $0xb8;
	[tilespmem:$0x10200] =	vst v63  }
0x58: {  	s14 =	simm.s32 $0x2200  }
0x59: {  	[hbm4b:s4+s2] =	stream.indirect_vreg.scatter [tilespmem:s14], [sflag:$0x2], $0x80, v3, vm0, $0xb8;
	[tilespmem:$0x10200] =	vst v63  }
0x5a: {  	s15 =	simm.s32 $0x2A00  }
0x5b: {  	[hbm4b:s8+s2] =	stream.indirect_vreg.scatter [tilespmem:s15], [sflag:$0x2], $0x80, v3, vm0, $0xb8;
	[tilespmem:$0x10200] =	vst v63  }
0x5c: {  	s16 =	simm.s32 $0x3200  }
0x5d: {  	[hbm4b:s9+s2] =	stream.indirect_vreg.scatter [tilespmem:s16], [sflag:$0x2], $0x80, v3, vm0, $0xb8;
	[tilespmem:$0x10200] =	vst v63  }
0x5e: {  	s23 =	simm.s32 $0x3A00  }
0x5f: {  	[hbm4b:s10+s2] =	stream.indirect_vreg.scatter [tilespmem:s23], [sflag:$0x2], $0x80, v3, vm0, $0xb8;
	[tilespmem:$0x10200] =	vst v63  }
0x60: {  	v3 =	vld [tilespmem:$0x110];
	_ =	sdelay $0x4  }
0x61: {  	v51 =	vshll.u32 v3, $0x3  }
0x62: {  	v3 =	vand.u32 $0x7, v3;
	v4 =	vand.u32 $0xFFFFFFC0, v51  }
0x63: {  	v3 =	vor.u32 v3, v4  }
0x64: {  	v4 =	vperm.xlane v3, v0;
	_ =	sdelay $0x1  }
0x65: {  	v4 =	vadd.s32 v1, v4;
	_ =	sdelay $0x3  }
0x66: {  	s24 =	simm.s32 $0x4200  }
0x67: {  	[hbm4b:s4+s2] =	stream.indirect_vreg.scatter [tilespmem:s24], [sflag:$0x2], $0x80, v4, vm0, $0xb8;
	[tilespmem:$0x10200] =	vst v63  }
0x68: {  	s25 =	simm.s32 $0x4A00;
	v3 =	vperm.xlane v3, v2  }
0x69: {  	[hbm4b:s8+s2] =	stream.indirect_vreg.scatter [tilespmem:s25], [sflag:$0x2], $0x80, v4, vm0, $0xb8;
	[tilespmem:$0x10200] =	vst v63  }
0x6a: {  	s17 =	simm.s32 $0x5200;
	v3 =	vadd.s32 v1, v3  }
0x6b: {  	[hbm4b:s9+s2] =	stream.indirect_vreg.scatter [tilespmem:s17], [sflag:$0x2], $0x80, v4, vm0, $0xb8;
	[tilespmem:$0x10200] =	vst v63  }
0x6c: {  	_ = 	snop  }
0x6d: {  	[hbm4b:s10+s2] =	stream.indirect_vreg.scatter [tilespmem:s22], [sflag:$0x2], $0x80, v4, vm0, $0xb8;
	[tilespmem:$0x10200] =	vst v63  }
0x6e: {  	s18 =	simm.s32 $0x6200  }
0x6f: {  	[hbm4b:s4+s2] =	stream.indirect_vreg.scatter [tilespmem:s18], [sflag:$0x2], $0x80, v3, vm0, $0xb8;
	[tilespmem:$0x10200] =	vst v63  }
0x70: {  	s19 =	simm.s32 $0x6A00  }
0x71: {  	[hbm4b:s8+s2] =	stream.indirect_vreg.scatter [tilespmem:s19], [sflag:$0x2], $0x80, v3, vm0, $0xb8;
	[tilespmem:$0x10200] =	vst v63  }
0x72: {  	s29 =	simm.s32 $0x7200  }
0x73: {  	[hbm4b:s9+s2] =	stream.indirect_vreg.scatter [tilespmem:s29], [sflag:$0x2], $0x80, v3, vm0, $0xb8;
	[tilespmem:$0x10200] =	vst v63  }
0x74: {  	_ = 	snop  }
0x75: {  	[hbm4b:s10+s2] =	stream.indirect_vreg.scatter [tilespmem:s26], [sflag:$0x2], $0x80, v3, vm0, $0xb8;
	[tilespmem:$0x10200] =	vst v63  }
0x76: {  	s24 =	rddreg [dreg:$0x5];
	s25 =	simm.s32 $0x80  }
0x77: {  	[tilespmem:s25], [sflag:$0x3] =	stream.linear.gather [hbm4b:s24+s2], $0x20, $0x38;
	[tilespmem:$0x10200] =	vst v63  }
0x78: {  	_ =	swait.ge [sflag:s12], $0x20  }
0x79: {  	[sflag:s12] =	ssyncset.done $0x0  }
0x7a: {  	s13 =	simm.s32 $0x180;
	s3 =	rddreg [dreg:$0x6];
	[sflag:s12] =	ssyncadd.s32 $0xFFFFFFE0  }
0x7b: {  	[tilespmem:s13], [sflag:$0x3] =	stream.linear.gather [hbm4b:s3+s2], $0x20, $0x38;
	[tilespmem:$0x10200] =	vst v63  }
0x7c: {  	_ =	swait.ge [sflag:s12], $0x20  }
0x7d: {  	[sflag:s12] =	ssyncset.done $0x0  }
0x7e: {  	[sflag:s12] =	ssyncadd.s32 $0xFFFFFFE0  }
0x7f: {  	v3 =	vld [tilespmem:$0x80];
	_ =	sdelay $0x4  }
0x80: {  	v52 =	vshll.u32 v3, $0x3  }
0x81: {  	v3 =	vand.u32 $0x7, v3;
	v4 =	vand.u32 $0xFFFFFFC0, v52  }
0x82: {  	v3 =	vor.u32 v3, v4  }
0x83: {  	v4 =	vperm.xlane v3, v0;
	_ =	sdelay $0x1  }
0x84: {  	v4 =	vadd.s32 v1, v4;
	_ =	sdelay $0x3  }
0x85: {  	s14 =	simm.s32 $0x8200  }
0x86: {  	[tilespmem:s14], [sflag:$0x1] =	stream.indirect_vreg.gather [hbm4b:s1+s2], $0x80, v4, vm0, $0xb8;
	[tilespmem:$0x10200] =	vst v63  }
0x87: {  	s15 =	simm.s32 $0x8A00;
	v3 =	vperm.xlane v3, v2  }
0x88: {  	[tilespmem:s15], [sflag:$0x1] =	stream.indirect_vreg.gather [hbm4b:s5+s2], $0x80, v4, vm0, $0xb8;
	[tilespmem:$0x10200] =	vst v63  }
0x89: {  	s16 =	simm.s32 $0x9200;
	v3 =	vadd.s32 v1, v3  }
0x8a: {  	[tilespmem:s16], [sflag:$0x1] =	stream.indirect_vreg.gather [hbm4b:s6+s2], $0x80, v4, vm0, $0xb8;
	[tilespmem:$0x10200] =	vst v63  }
0x8b: {  	s17 =	simm.s32 $0x9A00  }
0x8c: {  	[tilespmem:s17], [sflag:$0x1] =	stream.indirect_vreg.gather [hbm4b:s7+s2], $0x80, v4, vm0, $0xb8;
	[tilespmem:$0x10200] =	vst v63  }
0x8d: {  	s18 =	simm.s32 $0xA200  }
0x8e: {  	[tilespmem:s18], [sflag:$0x1] =	stream.indirect_vreg.gather [hbm4b:s1+s2], $0x80, v3, vm0, $0xb8;
	[tilespmem:$0x10200] =	vst v63  }
0x8f: {  	s19 =	simm.s32 $0xAA00  }
0x90: {  	[tilespmem:s19], [sflag:$0x1] =	stream.indirect_vreg.gather [hbm4b:s5+s2], $0x80, v3, vm0, $0xb8;
	[tilespmem:$0x10200] =	vst v63  }
0x91: {  	s20 =	simm.s32 $0xB200  }
0x92: {  	[tilespmem:s20], [sflag:$0x1] =	stream.indirect_vreg.gather [hbm4b:s6+s2], $0x80, v3, vm0, $0xb8;
	[tilespmem:$0x10200] =	vst v63  }
0x93: {  	s21 =	simm.s32 $0xBA00  }
0x94: {  	[tilespmem:s21], [sflag:$0x1] =	stream.indirect_vreg.gather [hbm4b:s7+s2], $0x80, v3, vm0, $0xb8;
	[tilespmem:$0x10200] =	vst v63  }
0x95: {  	v3 =	vld [tilespmem:$0x90];
	_ =	sdelay $0x4  }
0x96: {  	v53 =	vshll.u32 v3, $0x3  }
0x97: {  	v3 =	vand.u32 $0x7, v3;
	v4 =	vand.u32 $0xFFFFFFC0, v53  }
0x98: {  	v3 =	vor.u32 v3, v4  }
0x99: {  	v4 =	vperm.xlane v3, v0;
	_ =	sdelay $0x1  }
0x9a: {  	v4 =	vadd.s32 v1, v4;
	_ =	sdelay $0x3  }
0x9b: {  	s23 =	simm.s32 $0xC200  }
0x9c: {  	[tilespmem:s23], [sflag:$0x1] =	stream.indirect_vreg.gather [hbm4b:s1+s2], $0x80, v4, vm0, $0xb8;
	[tilespmem:$0x10200] =	vst v63  }
0x9d: {  	s24 =	simm.s32 $0xCA00;
	v3 =	vperm.xlane v3, v2  }
0x9e: {  	[tilespmem:s24], [sflag:$0x1] =	stream.indirect_vreg.gather [hbm4b:s5+s2], $0x80, v4, vm0, $0xb8;
	[tilespmem:$0x10200] =	vst v63  }
0x9f: {  	s16 =	simm.s32 $0xD200;
	v3 =	vadd.s32 v1, v3  }
0xa0: {  	[tilespmem:s16], [sflag:$0x1] =	stream.indirect_vreg.gather [hbm4b:s6+s2], $0x80, v4, vm0, $0xb8;
	[tilespmem:$0x10200] =	vst v63  }
0xa1: {  	s17 =	simm.s32 $0xDA00  }
0xa2: {  	[tilespmem:s17], [sflag:$0x1] =	stream.indirect_vreg.gather [hbm4b:s7+s2], $0x80, v4, vm0, $0xb8;
	[tilespmem:$0x10200] =	vst v63  }
0xa3: {  	s18 =	simm.s32 $0xE200  }
0xa4: {  	[tilespmem:s18], [sflag:$0x1] =	stream.indirect_vreg.gather [hbm4b:s1+s2], $0x80, v3, vm0, $0xb8;
	[tilespmem:$0x10200] =	vst v63  }
0xa5: {  	s19 =	simm.s32 $0xEA00  }
0xa6: {  	[tilespmem:s19], [sflag:$0x1] =	stream.indirect_vreg.gather [hbm4b:s5+s2], $0x80, v3, vm0, $0xb8;
	[tilespmem:$0x10200] =	vst v63  }
0xa7: {  	s20 =	simm.s32 $0xF200  }
0xa8: {  	[tilespmem:s20], [sflag:$0x1] =	stream.indirect_vreg.gather [hbm4b:s6+s2], $0x80, v3, vm0, $0xb8;
	[tilespmem:$0x10200] =	vst v63  }
0xa9: {  	s29 =	simm.s32 $0xFA00  }
0xaa: {  	[tilespmem:s29], [sflag:$0x1] =	stream.indirect_vreg.gather [hbm4b:s7+s2], $0x80, v3, vm0, $0xb8;
	[tilespmem:$0x10200] =	vst v63  }
0xab: {  	_ =	swait.ge [sflag:s30], $0x8000  }
0xac: {  	[sflag:s30] =	ssyncset.done $0x0  }
0xad: {  	[sflag:s30] =	ssyncadd.s32 $0xFFFF8000  }
0xae: {  	v3 =	vld [tilespmem:$0x180];
	_ =	sdelay $0x4  }
0xaf: {  	v54 =	vshll.u32 v3, $0x3  }
0xb0: {  	v3 =	vand.u32 $0x7, v3;
	v4 =	vand.u32 $0xFFFFFFC0, v54  }
0xb1: {  	v3 =	vor.u32 v3, v4  }
0xb2: {  	v4 =	vperm.xlane v3, v0;
	_ =	sdelay $0x1  }
0xb3: {  	v4 =	vadd.s32 v1, v4;
	_ =	sdelay $0x3  }
0xb4: {  	s25 =	simm.s32 $0x8200  }
0xb5: {  	[hbm4b:s4+s2] =	stream.indirect_vreg.scatter [tilespmem:s25], [sflag:$0x2], $0x80, v4, vm0, $0xb8;
	[tilespmem:$0x10200] =	vst v63  }
0xb6: {  	v3 =	vperm.xlane v3, v2  }
0xb7: {  	[hbm4b:s8+s2] =	stream.indirect_vreg.scatter [tilespmem:s31], [sflag:$0x2], $0x80, v4, vm0, $0xb8;
	[tilespmem:$0x10200] =	vst v63  }
0xb8: {  	s0 =	simm.s32 $0x9200;
	v3 =	vadd.s32 v1, v3  }
0xb9: {  	[hbm4b:s9+s2] =	stream.indirect_vreg.scatter [tilespmem:s0], [sflag:$0x2], $0x80, v4, vm0, $0xb8;
	[tilespmem:$0x10200] =	vst v63  }
0xba: {  	s3 =	simm.s32 $0x9A00  }
0xbb: {  	[hbm4b:s10+s2] =	stream.indirect_vreg.scatter [tilespmem:s3], [sflag:$0x2], $0x80, v4, vm0, $0xb8;
	[tilespmem:$0x10200] =	vst v63  }
0xbc: {  	s13 =	simm.s32 $0xA200  }
0xbd: {  	[hbm4b:s4+s2] =	stream.indirect_vreg.scatter [tilespmem:s13], [sflag:$0x2], $0x80, v3, vm0, $0xb8;
	[tilespmem:$0x10200] =	vst v63  }
0xbe: {  	s14 =	simm.s32 $0xAA00  }
0xbf: {  	[hbm4b:s8+s2] =	stream.indirect_vreg.scatter [tilespmem:s14], [sflag:$0x2], $0x80, v3, vm0, $0xb8;
	[tilespmem:$0x10200] =	vst v63  }
0xc0: {  	s15 =	simm.s32 $0xB200  }
0xc1: {  	[hbm4b:s9+s2] =	stream.indirect_vreg.scatter [tilespmem:s15], [sflag:$0x2], $0x80, v3, vm0, $0xb8;
	[tilespmem:$0x10200] =	vst v63  }
0xc2: {  	s21 =	simm.s32 $0xBA00  }
0xc3: {  	[hbm4b:s10+s2] =	stream.indirect_vreg.scatter [tilespmem:s21], [sflag:$0x2], $0x80, v3, vm0, $0xb8;
	[tilespmem:$0x10200] =	vst v63  }
0xc4: {  	v3 =	vld [tilespmem:$0x190];
	_ =	sdelay $0x4  }
0xc5: {  	v55 =	vshll.u32 v3, $0x3  }
0xc6: {  	v3 =	vand.u32 $0x7, v3;
	v4 =	vand.u32 $0xFFFFFFC0, v55  }
0xc7: {  	v3 =	vor.u32 v3, v4  }
0xc8: {  	v4 =	vperm.xlane v3, v0;
	_ =	sdelay $0x1  }
0xc9: {  	v4 =	vadd.s32 v1, v4;
	_ =	sdelay $0x3  }
0xca: {  	s23 =	simm.s32 $0xC200  }
0xcb: {  	[hbm4b:s4+s2] =	stream.indirect_vreg.scatter [tilespmem:s23], [sflag:$0x2], $0x80, v4, vm0, $0xb8;
	[tilespmem:$0x10200] =	vst v63  }
0xcc: {  	s24 =	simm.s32 $0xCA00;
	v3 =	vperm.xlane v3, v2  }
0xcd: {  	[hbm4b:s8+s2] =	stream.indirect_vreg.scatter [tilespmem:s24], [sflag:$0x2], $0x80, v4, vm0, $0xb8;
	[tilespmem:$0x10200] =	vst v63  }
0xce: {  	s16 =	simm.s32 $0xD200;
	v3 =	vadd.s32 v1, v3  }
0xcf: {  	[hbm4b:s9+s2] =	stream.indirect_vreg.scatter [tilespmem:s16], [sflag:$0x2], $0x80, v4, vm0, $0xb8;
	[tilespmem:$0x10200] =	vst v63  }
0xd0: {  	s17 =	simm.s32 $0xDA00  }
0xd1: {  	[hbm4b:s10+s2] =	stream.indirect_vreg.scatter [tilespmem:s17], [sflag:$0x2], $0x80, v4, vm0, $0xb8;
	[tilespmem:$0x10200] =	vst v63  }
0xd2: {  	s18 =	simm.s32 $0xE200  }
0xd3: {  	[hbm4b:s4+s2] =	stream.indirect_vreg.scatter [tilespmem:s18], [sflag:$0x2], $0x80, v3, vm0, $0xb8;
	[tilespmem:$0x10200] =	vst v63  }
0xd4: {  	s19 =	simm.s32 $0xEA00  }
0xd5: {  	[hbm4b:s8+s2] =	stream.indirect_vreg.scatter [tilespmem:s19], [sflag:$0x2], $0x80, v3, vm0, $0xb8;
	[tilespmem:$0x10200] =	vst v63  }
0xd6: {  	s20 =	simm.s32 $0xF200  }
0xd7: {  	[hbm4b:s9+s2] =	stream.indirect_vreg.scatter [tilespmem:s20], [sflag:$0x2], $0x80, v3, vm0, $0xb8;
	[tilespmem:$0x10200] =	vst v63  }
0xd8: {  	s29 =	simm.s32 $0xFA00  }
0xd9: {  	[hbm4b:s10+s2] =	stream.indirect_vreg.scatter [tilespmem:s29], [sflag:$0x2], $0x80, v3, vm0, $0xb8;
	[tilespmem:$0x10200] =	vst v63  }
0xda: {  	_ =	swait.ge [sflag:s28], $0x8000  }
0xdb: {  	[sflag:s28] =	ssyncset.done $0x0  }
0xdc: {  	s18 =	rddreg [dreg:$0x7];
	[sflag:s28] =	ssyncadd.s32 $0xFFFF8000  }
0xdd: {  	[tilespmem:s2], [sflag:$0x3] =	stream.linear.gather [hbm4b:s18+s2], $0x20, $0x38;
	[tilespmem:$0x10200] =	vst v63  }
0xde: {  	_ =	swait.ge [sflag:s12], $0x20  }
0xdf: {  	[sflag:s12] =	ssyncset.done $0x0  }
0xe0: {  	s20 =	simm.s32 $0x100;
	s19 =	rddreg [dreg:$0x8];
	[sflag:s12] =	ssyncadd.s32 $0xFFFFFFE0  }
0xe1: {  	[tilespmem:s20], [sflag:$0x3] =	stream.linear.gather [hbm4b:s19+s2], $0x20, $0x38;
	[tilespmem:$0x10200] =	vst v63  }
0xe2: {  	_ =	swait.ge [sflag:s12], $0x20  }
0xe3: {  	[sflag:s12] =	ssyncset.done $0x0  }
0xe4: {  	[sflag:s12] =	ssyncadd.s32 $0xFFFFFFE0  }
0xe5: {  	v3 =	vld [tilespmem:$0x0];
	_ =	sdelay $0x4  }
0xe6: {  	v56 =	vshll.u32 v3, $0x3  }
0xe7: {  	v3 =	vand.u32 $0x7, v3;
	v4 =	vand.u32 $0xFFFFFFC0, v56  }
0xe8: {  	v3 =	vor.u32 v3, v4  }
0xe9: {  	v4 =	vperm.xlane v3, v0;
	_ =	sdelay $0x1  }
0xea: {  	v4 =	vadd.s32 v1, v4;
	_ =	sdelay $0x3  }
0xeb: {  	s21 =	simm.s32 $0x200  }
0xec: {  	[tilespmem:s21], [sflag:$0x1] =	stream.indirect_vreg.gather [hbm4b:s1+s2], $0x80, v4, vm0, $0xb8;
	[tilespmem:$0x10200] =	vst v63  }
0xed: {  	s0 =	simm.s32 $0xA00;
	v3 =	vperm.xlane v3, v2  }
0xee: {  	[tilespmem:s0], [sflag:$0x1] =	stream.indirect_vreg.gather [hbm4b:s5+s2], $0x80, v4, vm0, $0xb8;
	[tilespmem:$0x10200] =	vst v63  }
0xef: {  	s3 =	simm.s32 $0x1200;
	v3 =	vadd.s32 v1, v3  }
0xf0: {  	[tilespmem:s3], [sflag:$0x1] =	stream.indirect_vreg.gather [hbm4b:s6+s2], $0x80, v4, vm0, $0xb8;
	[tilespmem:$0x10200] =	vst v63  }
0xf1: {  	s13 =	simm.s32 $0x1A00  }
0xf2: {  	[tilespmem:s13], [sflag:$0x1] =	stream.indirect_vreg.gather [hbm4b:s7+s2], $0x80, v4, vm0, $0xb8;
	[tilespmem:$0x10200] =	vst v63  }
0xf3: {  	s14 =	simm.s32 $0x2200  }
0xf4: {  	[tilespmem:s14], [sflag:$0x1] =	stream.indirect_vreg.gather [hbm4b:s1+s2], $0x80, v3, vm0, $0xb8;
	[tilespmem:$0x10200] =	vst v63  }
0xf5: {  	s15 =	simm.s32 $0x2A00  }
0xf6: {  	[tilespmem:s15], [sflag:$0x1] =	stream.indirect_vreg.gather [hbm4b:s5+s2], $0x80, v3, vm0, $0xb8;
	[tilespmem:$0x10200] =	vst v63  }
0xf7: {  	s23 =	simm.s32 $0x3200  }
0xf8: {  	[tilespmem:s23], [sflag:$0x1] =	stream.indirect_vreg.gather [hbm4b:s6+s2], $0x80, v3, vm0, $0xb8;
	[tilespmem:$0x10200] =	vst v63  }
0xf9: {  	s24 =	simm.s32 $0x3A00  }
0xfa: {  	[tilespmem:s24], [sflag:$0x1] =	stream.indirect_vreg.gather [hbm4b:s7+s2], $0x80, v3, vm0, $0xb8;
	[tilespmem:$0x10200] =	vst v63  }
0xfb: {  	v3 =	vld [tilespmem:$0x10];
	_ =	sdelay $0x4  }
0xfc: {  	v57 =	vshll.u32 v3, $0x3  }
0xfd: {  	v3 =	vand.u32 $0x7, v3;
	v4 =	vand.u32 $0xFFFFFFC0, v57  }
0xfe: {  	v3 =	vor.u32 v3, v4  }
0xff: {  	v4 =	vperm.xlane v3, v0;
	_ =	sdelay $0x1  }
0x100: {  	v4 =	vadd.s32 v1, v4;
	_ =	sdelay $0x3  }
0x101: {  	s25 =	simm.s32 $0x4200  }
0x102: {  	[tilespmem:s25], [sflag:$0x1] =	stream.indirect_vreg.gather [hbm4b:s1+s2], $0x80, v4, vm0, $0xb8;
	[tilespmem:$0x10200] =	vst v63  }
0x103: {  	s16 =	simm.s32 $0x4A00;
	v3 =	vperm.xlane v3, v2  }
0x104: {  	[tilespmem:s16], [sflag:$0x1] =	stream.indirect_vreg.gather [hbm4b:s5+s2], $0x80, v4, vm0, $0xb8;
	[tilespmem:$0x10200] =	vst v63  }
0x105: {  	s17 =	simm.s32 $0x5200;
	v3 =	vadd.s32 v1, v3  }
0x106: {  	[tilespmem:s17], [sflag:$0x1] =	stream.indirect_vreg.gather [hbm4b:s6+s2], $0x80, v4, vm0, $0xb8;
	[tilespmem:$0x10200] =	vst v63  }
0x107: {  	_ = 	snop  }
0x108: {  	[tilespmem:s22], [sflag:$0x1] =	stream.indirect_vreg.gather [hbm4b:s7+s2], $0x80, v4, vm0, $0xb8;
	[tilespmem:$0x10200] =	vst v63  }
0x109: {  	s18 =	simm.s32 $0x6200  }
0x10a: {  	[tilespmem:s18], [sflag:$0x1] =	stream.indirect_vreg.gather [hbm4b:s1+s2], $0x80, v3, vm0, $0xb8;
	[tilespmem:$0x10200] =	vst v63  }
0x10b: {  	s19 =	simm.s32 $0x6A00  }
0x10c: {  	[tilespmem:s19], [sflag:$0x1] =	stream.indirect_vreg.gather [hbm4b:s5+s2], $0x80, v3, vm0, $0xb8;
	[tilespmem:$0x10200] =	vst v63  }
0x10d: {  	s29 =	simm.s32 $0x7200  }
0x10e: {  	[tilespmem:s29], [sflag:$0x1] =	stream.indirect_vreg.gather [hbm4b:s6+s2], $0x80, v3, vm0, $0xb8;
	[tilespmem:$0x10200] =	vst v63  }
0x10f: {  	_ = 	snop  }
0x110: {  	[tilespmem:s26], [sflag:$0x1] =	stream.indirect_vreg.gather [hbm4b:s7+s2], $0x80, v3, vm0, $0xb8;
	[tilespmem:$0x10200] =	vst v63  }
0x111: {  	_ =	swait.ge [sflag:s30], $0x8000  }
0x112: {  	[sflag:s30] =	ssyncset.done $0x0  }
0x113: {  	[sflag:s30] =	ssyncadd.s32 $0xFFFF8000  }
0x114: {  	v3 =	vld [tilespmem:$0x100];
	_ =	sdelay $0x4  }
0x115: {  	v58 =	vshll.u32 v3, $0x3  }
0x116: {  	v3 =	vand.u32 $0x7, v3;
	v4 =	vand.u32 $0xFFFFFFC0, v58  }
0x117: {  	v3 =	vor.u32 v3, v4  }
0x118: {  	v4 =	vperm.xlane v3, v0;
	_ =	sdelay $0x1  }
0x119: {  	v4 =	vadd.s32 v1, v4;
	_ =	sdelay $0x4  }
0x11a: {  	[hbm4b:s4+s2] =	stream.indirect_vreg.scatter [tilespmem:s21], [sflag:$0x2], $0x80, v4, vm0, $0xb8;
	[tilespmem:$0x10200] =	vst v63  }
0x11b: {  	v3 =	vperm.xlane v3, v2  }
0x11c: {  	[hbm4b:s8+s2] =	stream.indirect_vreg.scatter [tilespmem:s0], [sflag:$0x2], $0x80, v4, vm0, $0xb8;
	[tilespmem:$0x10200] =	vst v63  }
0x11d: {  	v3 =	vadd.s32 v1, v3  }
0x11e: {  	[hbm4b:s9+s2] =	stream.indirect_vreg.scatter [tilespmem:s3], [sflag:$0x2], $0x80, v4, vm0, $0xb8;
	[tilespmem:$0x10200] =	vst v63  }
0x11f: {  	_ = 	snop  }
0x120: {  	[hbm4b:s10+s2] =	stream.indirect_vreg.scatter [tilespmem:s13], [sflag:$0x2], $0x80, v4, vm0, $0xb8;
	[tilespmem:$0x10200] =	vst v63  }
0x121: {  	_ = 	snop  }
0x122: {  	[hbm4b:s4+s2] =	stream.indirect_vreg.scatter [tilespmem:s14], [sflag:$0x2], $0x80, v3, vm0, $0xb8;
	[tilespmem:$0x10200] =	vst v63  }
0x123: {  	_ = 	snop  }
0x124: {  	[hbm4b:s8+s2] =	stream.indirect_vreg.scatter [tilespmem:s15], [sflag:$0x2], $0x80, v3, vm0, $0xb8;
	[tilespmem:$0x10200] =	vst v63  }
0x125: {  	_ = 	snop  }
0x126: {  	[hbm4b:s9+s2] =	stream.indirect_vreg.scatter [tilespmem:s23], [sflag:$0x2], $0x80, v3, vm0, $0xb8;
	[tilespmem:$0x10200] =	vst v63  }
0x127: {  	_ = 	snop  }
0x128: {  	[hbm4b:s10+s2] =	stream.indirect_vreg.scatter [tilespmem:s24], [sflag:$0x2], $0x80, v3, vm0, $0xb8;
	[tilespmem:$0x10200] =	vst v63  }
0x129: {  	v3 =	vld [tilespmem:$0x110];
	_ =	sdelay $0x4  }
0x12a: {  	v59 =	vshll.u32 v3, $0x3  }
0x12b: {  	v3 =	vand.u32 $0x7, v3;
	v4 =	vand.u32 $0xFFFFFFC0, v59  }
0x12c: {  	v3 =	vor.u32 v3, v4  }
0x12d: {  	v4 =	vperm.xlane v3, v0;
	_ =	sdelay $0x1  }
0x12e: {  	v4 =	vadd.s32 v1, v4;
	_ =	sdelay $0x4  }
0x12f: {  	[hbm4b:s4+s2] =	stream.indirect_vreg.scatter [tilespmem:s25], [sflag:$0x2], $0x80, v4, vm0, $0xb8;
	[tilespmem:$0x10200] =	vst v63  }
0x130: {  	v3 =	vperm.xlane v3, v2  }
0x131: {  	[hbm4b:s8+s2] =	stream.indirect_vreg.scatter [tilespmem:s16], [sflag:$0x2], $0x80, v4, vm0, $0xb8;
	[tilespmem:$0x10200] =	vst v63  }
0x132: {  	v3 =	vadd.s32 v1, v3  }
0x133: {  	[hbm4b:s9+s2] =	stream.indirect_vreg.scatter [tilespmem:s17], [sflag:$0x2], $0x80, v4, vm0, $0xb8;
	[tilespmem:$0x10200] =	vst v63  }
0x134: {  	_ = 	snop  }
0x135: {  	[hbm4b:s10+s2] =	stream.indirect_vreg.scatter [tilespmem:s22], [sflag:$0x2], $0x80, v4, vm0, $0xb8;
	[tilespmem:$0x10200] =	vst v63  }
0x136: {  	_ = 	snop  }
0x137: {  	[hbm4b:s4+s2] =	stream.indirect_vreg.scatter [tilespmem:s18], [sflag:$0x2], $0x80, v3, vm0, $0xb8;
	[tilespmem:$0x10200] =	vst v63  }
0x138: {  	_ = 	snop  }
0x139: {  	[hbm4b:s8+s2] =	stream.indirect_vreg.scatter [tilespmem:s19], [sflag:$0x2], $0x80, v3, vm0, $0xb8;
	[tilespmem:$0x10200] =	vst v63  }
0x13a: {  	_ = 	snop  }
0x13b: {  	[hbm4b:s9+s2] =	stream.indirect_vreg.scatter [tilespmem:s29], [sflag:$0x2], $0x80, v3, vm0, $0xb8;
	[tilespmem:$0x10200] =	vst v63  }
0x13c: {  	_ = 	snop  }
0x13d: {  	[hbm4b:s10+s2] =	stream.indirect_vreg.scatter [tilespmem:s26], [sflag:$0x2], $0x80, v3, vm0, $0xb8;
	[tilespmem:$0x10200] =	vst v63  }
0x13e: {  	_ =	swait.ge [sflag:s28], $0x8000  }
0x13f: {  	[sflag:s28] =	ssyncset.done $0x0  }
0x140: {  	s19 =	simm.s32 $0x80;
	s18 =	rddreg [dreg:$0x9];
	[sflag:s28] =	ssyncadd.s32 $0xFFFF8000  }
0x141: {  	[tilespmem:s19], [sflag:$0x3] =	stream.linear.gather [hbm4b:s18+s2], $0x20, $0x38;
	[tilespmem:$0x10200] =	vst v63  }
0x142: {  	_ =	swait.ge [sflag:s12], $0x20  }
0x143: {  	[sflag:s12] =	ssyncset.done $0x0  }
0x144: {  	s21 =	simm.s32 $0x180;
	s20 =	rddreg [dreg:$0xa];
	[sflag:s12] =	ssyncadd.s32 $0xFFFFFFE0  }
0x145: {  	[tilespmem:s21], [sflag:$0x3] =	stream.linear.gather [hbm4b:s20+s2], $0x20, $0x38;
	[tilespmem:$0x10200] =	vst v63  }
0x146: {  	_ =	swait.ge [sflag:s12], $0x20  }
0x147: {  	[sflag:s12] =	ssyncset.done $0x0  }
0x148: {  	[sflag:s12] =	ssyncadd.s32 $0xFFFFFFE0  }
0x149: {  	v3 =	vld [tilespmem:$0x80];
	_ =	sdelay $0x4  }
0x14a: {  	v60 =	vshll.u32 v3, $0x3  }
0x14b: {  	v3 =	vand.u32 $0x7, v3;
	v4 =	vand.u32 $0xFFFFFFC0, v60  }
0x14c: {  	v3 =	vor.u32 v3, v4  }
0x14d: {  	v4 =	vperm.xlane v3, v0;
	_ =	sdelay $0x1  }
0x14e: {  	v4 =	vadd.s32 v1, v4;
	_ =	sdelay $0x3  }
0x14f: {  	s22 =	simm.s32 $0x8200  }
0x150: {  	[tilespmem:s22], [sflag:$0x1] =	stream.indirect_vreg.gather [hbm4b:s1+s2], $0x80, v4, vm0, $0xb8;
	[tilespmem:$0x10200] =	vst v63  }
0x151: {  	s0 =	simm.s32 $0x8A00;
	v3 =	vperm.xlane v3, v2  }
0x152: {  	[tilespmem:s0], [sflag:$0x1] =	stream.indirect_vreg.gather [hbm4b:s5+s2], $0x80, v4, vm0, $0xb8;
	[tilespmem:$0x10200] =	vst v63  }
0x153: {  	s3 =	simm.s32 $0x9200;
	v3 =	vadd.s32 v1, v3  }
0x154: {  	[tilespmem:s3], [sflag:$0x1] =	stream.indirect_vreg.gather [hbm4b:s6+s2], $0x80, v4, vm0, $0xb8;
	[tilespmem:$0x10200] =	vst v63  }
0x155: {  	s13 =	simm.s32 $0x9A00  }
0x156: {  	[tilespmem:s13], [sflag:$0x1] =	stream.indirect_vreg.gather [hbm4b:s7+s2], $0x80, v4, vm0, $0xb8;
	[tilespmem:$0x10200] =	vst v63  }
0x157: {  	s14 =	simm.s32 $0xA200  }
0x158: {  	[tilespmem:s14], [sflag:$0x1] =	stream.indirect_vreg.gather [hbm4b:s1+s2], $0x80, v3, vm0, $0xb8;
	[tilespmem:$0x10200] =	vst v63  }
0x159: {  	s15 =	simm.s32 $0xAA00  }
0x15a: {  	[tilespmem:s15], [sflag:$0x1] =	stream.indirect_vreg.gather [hbm4b:s5+s2], $0x80, v3, vm0, $0xb8;
	[tilespmem:$0x10200] =	vst v63  }
0x15b: {  	s21 =	simm.s32 $0xB200  }
0x15c: {  	[tilespmem:s21], [sflag:$0x1] =	stream.indirect_vreg.gather [hbm4b:s6+s2], $0x80, v3, vm0, $0xb8;
	[tilespmem:$0x10200] =	vst v63  }
0x15d: {  	s23 =	simm.s32 $0xBA00  }
0x15e: {  	[tilespmem:s23], [sflag:$0x1] =	stream.indirect_vreg.gather [hbm4b:s7+s2], $0x80, v3, vm0, $0xb8;
	[tilespmem:$0x10200] =	vst v63  }
0x15f: {  	v3 =	vld [tilespmem:$0x90];
	_ =	sdelay $0x4  }
0x160: {  	v61 =	vshll.u32 v3, $0x3  }
0x161: {  	v3 =	vand.u32 $0x7, v3;
	v4 =	vand.u32 $0xFFFFFFC0, v61  }
0x162: {  	v3 =	vor.u32 v3, v4  }
0x163: {  	v4 =	vperm.xlane v3, v0;
	_ =	sdelay $0x1  }
0x164: {  	v4 =	vadd.s32 v1, v4;
	_ =	sdelay $0x3  }
0x165: {  	s24 =	simm.s32 $0xC200  }
0x166: {  	[tilespmem:s24], [sflag:$0x1] =	stream.indirect_vreg.gather [hbm4b:s1+s2], $0x80, v4, vm0, $0xb8;
	[tilespmem:$0x10200] =	vst v63  }
0x167: {  	s16 =	simm.s32 $0xCA00;
	v3 =	vperm.xlane v3, v2  }
0x168: {  	[tilespmem:s16], [sflag:$0x1] =	stream.indirect_vreg.gather [hbm4b:s5+s2], $0x80, v4, vm0, $0xb8;
	[tilespmem:$0x10200] =	vst v63  }
0x169: {  	s17 =	simm.s32 $0xD200;
	v3 =	vadd.s32 v1, v3  }
0x16a: {  	[tilespmem:s17], [sflag:$0x1] =	stream.indirect_vreg.gather [hbm4b:s6+s2], $0x80, v4, vm0, $0xb8;
	[tilespmem:$0x10200] =	vst v63  }
0x16b: {  	s18 =	simm.s32 $0xDA00  }
0x16c: {  	[tilespmem:s18], [sflag:$0x1] =	stream.indirect_vreg.gather [hbm4b:s7+s2], $0x80, v4, vm0, $0xb8;
	[tilespmem:$0x10200] =	vst v63  }
0x16d: {  	s19 =	simm.s32 $0xE200  }
0x16e: {  	[tilespmem:s19], [sflag:$0x1] =	stream.indirect_vreg.gather [hbm4b:s1+s2], $0x80, v3, vm0, $0xb8;
	[tilespmem:$0x10200] =	vst v63  }
0x16f: {  	s20 =	simm.s32 $0xEA00  }
0x170: {  	[tilespmem:s20], [sflag:$0x1] =	stream.indirect_vreg.gather [hbm4b:s5+s2], $0x80, v3, vm0, $0xb8;
	[tilespmem:$0x10200] =	vst v63  }
0x171: {  	s26 =	simm.s32 $0xF200  }
0x172: {  	[tilespmem:s26], [sflag:$0x1] =	stream.indirect_vreg.gather [hbm4b:s6+s2], $0x80, v3, vm0, $0xb8;
	[tilespmem:$0x10200] =	vst v63  }
0x173: {  	s29 =	simm.s32 $0xFA00  }
0x174: {  	[tilespmem:s29], [sflag:$0x1] =	stream.indirect_vreg.gather [hbm4b:s7+s2], $0x80, v3, vm0, $0xb8;
	[tilespmem:$0x10200] =	vst v63  }
0x175: {  	_ =	swait.ge [sflag:s30], $0x8000  }
0x176: {  	[sflag:s30] =	ssyncset.done $0x0  }
0x177: {  	[sflag:s30] =	ssyncadd.s32 $0xFFFF8000  }
0x178: {  	v3 =	vld [tilespmem:$0x180];
	_ =	sdelay $0x4  }
0x179: {  	v62 =	vshll.u32 v3, $0x3  }
0x17a: {  	v3 =	vand.u32 $0x7, v3;
	v4 =	vand.u32 $0xFFFFFFC0, v62  }
0x17b: {  	v3 =	vor.u32 v3, v4  }
0x17c: {  	v4 =	vperm.xlane v3, v0;
	_ =	sdelay $0x1  }
0x17d: {  	v4 =	vadd.s32 v1, v4;
	_ =	sdelay $0x4  }
0x17e: {  	[hbm4b:s4+s2] =	stream.indirect_vreg.scatter [tilespmem:s22], [sflag:$0x2], $0x80, v4, vm0, $0xb8;
	[tilespmem:$0x10200] =	vst v63  }
0x17f: {  	v3 =	vperm.xlane v3, v2  }
0x180: {  	[hbm4b:s8+s2] =	stream.indirect_vreg.scatter [tilespmem:s0], [sflag:$0x2], $0x80, v4, vm0, $0xb8;
	[tilespmem:$0x10200] =	vst v63  }
0x181: {  	v3 =	vadd.s32 v1, v3  }
0x182: {  	[hbm4b:s9+s2] =	stream.indirect_vreg.scatter [tilespmem:s3], [sflag:$0x2], $0x80, v4, vm0, $0xb8;
	[tilespmem:$0x10200] =	vst v63  }
0x183: {  	_ = 	snop  }
0x184: {  	[hbm4b:s10+s2] =	stream.indirect_vreg.scatter [tilespmem:s13], [sflag:$0x2], $0x80, v4, vm0, $0xb8;
	[tilespmem:$0x10200] =	vst v63  }
0x185: {  	_ = 	snop  }
0x186: {  	[hbm4b:s4+s2] =	stream.indirect_vreg.scatter [tilespmem:s14], [sflag:$0x2], $0x80, v3, vm0, $0xb8;
	[tilespmem:$0x10200] =	vst v63  }
0x187: {  	_ = 	snop  }
0x188: {  	[hbm4b:s8+s2] =	stream.indirect_vreg.scatter [tilespmem:s15], [sflag:$0x2], $0x80, v3, vm0, $0xb8;
	[tilespmem:$0x10200] =	vst v63  }
0x189: {  	_ = 	snop  }
0x18a: {  	[hbm4b:s9+s2] =	stream.indirect_vreg.scatter [tilespmem:s21], [sflag:$0x2], $0x80, v3, vm0, $0xb8;
	[tilespmem:$0x10200] =	vst v63  }
0x18b: {  	_ = 	snop  }
0x18c: {  	[hbm4b:s10+s2] =	stream.indirect_vreg.scatter [tilespmem:s23], [sflag:$0x2], $0x80, v3, vm0, $0xb8;
	[tilespmem:$0x10200] =	vst v63  }
0x18d: {  	v3 =	vld [tilespmem:$0x190];
	_ =	sdelay $0x4  }
0x18e: {  	v63 =	vshll.u32 v3, $0x3  }
0x18f: {  	v3 =	vand.u32 $0x7, v3;
	v4 =	vand.u32 $0xFFFFFFC0, v63  }
0x190: {  	v3 =	vor.u32 v3, v4  }
0x191: {  	v4 =	vperm.xlane v3, v0;
	_ =	sdelay $0x1  }
0x192: {  	v4 =	vadd.s32 v1, v4;
	_ =	sdelay $0x4  }
0x193: {  	[hbm4b:s4+s2] =	stream.indirect_vreg.scatter [tilespmem:s24], [sflag:$0x2], $0x80, v4, vm0, $0xb8;
	[tilespmem:$0x10200] =	vst v63  }
0x194: {  	v3 =	vperm.xlane v3, v2  }
0x195: {  	[hbm4b:s8+s2] =	stream.indirect_vreg.scatter [tilespmem:s16], [sflag:$0x2], $0x80, v4, vm0, $0xb8;
	[tilespmem:$0x10200] =	vst v63  }
0x196: {  	v3 =	vadd.s32 v1, v3  }
0x197: {  	[hbm4b:s9+s2] =	stream.indirect_vreg.scatter [tilespmem:s17], [sflag:$0x2], $0x80, v4, vm0, $0xb8;
	[tilespmem:$0x10200] =	vst v63  }
0x198: {  	_ = 	snop  }
0x199: {  	[hbm4b:s10+s2] =	stream.indirect_vreg.scatter [tilespmem:s18], [sflag:$0x2], $0x80, v4, vm0, $0xb8;
	[tilespmem:$0x10200] =	vst v63  }
0x19a: {  	_ = 	snop  }
0x19b: {  	[hbm4b:s4+s2] =	stream.indirect_vreg.scatter [tilespmem:s19], [sflag:$0x2], $0x80, v3, vm0, $0xb8;
	[tilespmem:$0x10200] =	vst v63  }
0x19c: {  	_ = 	snop  }
0x19d: {  	[hbm4b:s8+s2] =	stream.indirect_vreg.scatter [tilespmem:s20], [sflag:$0x2], $0x80, v3, vm0, $0xb8;
	[tilespmem:$0x10200] =	vst v63  }
0x19e: {  	_ = 	snop  }
0x19f: {  	[hbm4b:s9+s2] =	stream.indirect_vreg.scatter [tilespmem:s26], [sflag:$0x2], $0x80, v3, vm0, $0xb8;
	[tilespmem:$0x10200] =	vst v63  }
0x1a0: {  	_ = 	snop  }
0x1a1: {  	[hbm4b:s10+s2] =	stream.indirect_vreg.scatter [tilespmem:s29], [sflag:$0x2], $0x80, v3, vm0, $0xb8;
	[tilespmem:$0x10200] =	vst v63  }
0x1a2: {  	p0 =	sne.s32 s11, $0x1;
	_ =	swait.ge [sflag:s28], $0x8000  }
.Ltmp0:
0x1a3: {  	[sflag:s28] =	ssyncset.done $0x0;
	(pc) =	sbr.rel @p0 .LBB2_1-.Ltmp0, $4  }
0x1a4: {  	[sflag:s28] =	ssyncadd.s32 $0xFFFF8000  }
0x1a5: {  	_ =	swait.ge [sflag:s28], $0x8000  }
0x1a6: {  	[sflag:s28] =	ssyncset.done $0x0  }
0x1a7: {  	s11 =	sadd.s32 $0xFFFFFFFF, s11;
	[sflag:s28] =	ssyncadd.s32 $0xFFFF8000  }
0x1a8: {  	_ =	sfence.sel $0x180000  }
0x1a9: {  	[bflag:$0x0] =	sbarrier.arrive $0xFFFF  }
0x1aa: {  	_ =	strace $0x90000047  }
0x1ab: {  	s0 =	stileid.u32;
	[bflag:$0x2] =	sbarrier.arrive $0xFFFF  }
0x1ac: {  	p0 =	sne.s32 s0, $0x0;
	s0 =	rddreg [dreg:$0x2]  }
0x1ad: {  	s0 =	sadd.s32 @!p0 $0x100000, s0  }
0x1ae: {  	[sflag:s0] =	ssyncadd.tile.s32 @!p0 $0x1;
	_ =	shalt  }
.Lfunc_end2:
_tile_overlayer_lowered:
.L_overlay_start_2:
0x1af: {  	(tag) =	ssettag $0x2  }
0x1b0: {  	s0 =	rddreg [dreg:$0x0];
	s2 =	stileid.u32  }
0x1b1: {  	s1 =	rddreg [dreg:$0x1];
	p0 =	sne.s32 s2, $0x0  }
0x1b2: {  	s3 =	rddreg [dreg:$0x2];
	[bflag:$0x3] =	sbarrier.arrive $0xFFFF;
	s2 =	simm.s32 @!p0 $0x1C03  }
0x1b3: {  	[timem:s3], [sflag:s2] =	dma.local @!p0 [hbm:s0], s1  }
0x1b4: {  	s0 =	simm.s32 @!p0 $0x3  }
0x1b5: {  	_ =	swait.ge @!p0 [sflag:s0], s1  }
0x1b6: {  	s1 =	ssub.s32 @!p0 $0x0, s1;
	[sflag:s0] =	ssyncset.done @!p0 $0x0  }
0x1b7: {  	[sflag:s0] =	ssyncadd.s32 @!p0 s1  }
0x1b8: {  	[bflag:$0x3] =	sbarrier.arrive $0xFFFF  }
0x1b9: {  	_ =	shalt  }

</sc_bundles>
